<compile_context>
chip_gen: v7x
topology: tpu7x:2x2x1
jax: 0.10.2.dev20260603
libtpu: 0.0.44.dev20260713+nightly
codegen_flags: <defaults>
</compile_context>

<pallas_src>
import functools

import jax
import jax.numpy as jnp
from jax import lax
from jax.experimental import pallas as pl
from jax.experimental.pallas import tpu as pltpu
from jax.experimental.pallas import tpu_sc as plsc

VOCAB = 400000
EMBED_DIM = 300
BATCH = 16384

_NUM_CORES = 2
_NUM_SUBCORES = 16
_NW = _NUM_CORES * _NUM_SUBCORES
_B_PER_W = BATCH // _NW
_RB = 64
_NB = _B_PER_W // _RB
_NWIN = 3
_NCHUNK = 19


@functools.partial(
    pl.kernel,
    mesh=plsc.VectorSubcoreMesh(core_axis_name="c", subcore_axis_name="s"),
    out_type=jax.ShapeDtypeStruct((BATCH, EMBED_DIM), jnp.float32),
    scratch_types=[
        pltpu.VMEM((_B_PER_W,), jnp.int32),
        pltpu.SMEM((_B_PER_W + 1,), jnp.int32),
        pltpu.SMEM((_B_PER_W + 1,), jnp.int32),
        pltpu.VMEM((_NB, _RB), jnp.int32),
        pltpu.VMEM((2, EMBED_DIM, 128), jnp.float32),
        pltpu.VMEM((2, _RB, 384), jnp.float32),
        pltpu.SemaphoreType.DMA,
        pltpu.SemaphoreType.DMA,
    ],
    compiler_params=pltpu.CompilerParams(
        disable_bounds_checks=True, needs_layout_passes=False),
)
def _gather_kernel(idx_hbm, pos_hbm, tab_t_hbm, out_hbm,
                   idx_v, run_s, col_s, pos_v, slab_v, row_v,
                   slab_sem, scat_sem):
    wid = lax.axis_index("s") * _NUM_CORES + lax.axis_index("c")

    pltpu.sync_copy(idx_hbm.at[wid], idx_v)
    pltpu.sync_copy(pos_hbm.at[wid], pos_v)

    dim_iota = lax.iota(jnp.int32, 16)
    neg_inf = jnp.int32(-2147483648)

    def getv(j):
        chunk = idx_v[pl.ds((j // 16) * 16, 16)]
        sel = jnp.where(dim_iota == (j % 16), chunk, neg_inf)
        return jnp.max(sel)

    def splatv(j):
        chunk = idx_v[pl.ds((j // 16) * 16, 16)]
        return chunk.at[jnp.full((16,), j % 16, jnp.int32)].get(
            mode="promise_in_bounds")

    def scan_body(i, carry):
        n, prev_col = carry
        col = getv(i) >> 7
        is_new = col != prev_col

        def record(nn):
            run_s[nn] = i
            col_s[nn] = col
            return nn + 1

        n = lax.cond(is_new, record, lambda nn: nn, n)
        return n, col

    n_runs, _ = lax.fori_loop(
        0, _B_PER_W, scan_body, (jnp.int32(0), jnp.int32(-1)))
    wstarts = [jnp.int32(w * 128) for w in range(_NWIN)]

    def slab_src(col):
        lane0 = pl.multiple_of(col * 128, 128)
        return tab_t_hbm.at[:, pl.ds(lane0, 128)]

    def start_slab(col, b):
        return pltpu.async_copy(slab_src(col), slab_v.at[b], slab_sem)

    def wait_slab(b):
        pltpu.make_async_copy(slab_src(jnp.int32(0)), slab_v.at[b],
                              slab_sem).wait()

    def fire_batch(bat):
        p = lax.rem(bat, 2)
        for w in range(_NWIN):
            pltpu.async_copy(
                row_v.at[p, :, pl.ds(wstarts[w], 128)],
                out_hbm.at[pos_v.at[bat], pl.ds(wstarts[w], 128)],
                scat_sem,
            )

    def wait_batch(bat):
        p = lax.rem(bat, 2)
        for w in range(_NWIN):
            pltpu.make_async_copy(
                row_v.at[p, :, pl.ds(wstarts[w], 128)],
                out_hbm.at[pos_v.at[bat], pl.ds(wstarts[w], 128)],
                scat_sem,
            ).wait()

    start_slab(col_s[0], 0)

    def run_body(k, _):
        buf = lax.rem(k, 2)
        start = run_s[k]
        end = jnp.where(k + 1 < n_runs,
                        run_s[jnp.minimum(k + 1, _B_PER_W - 1)],
                        jnp.int32(_B_PER_W))

        @pl.when(k + 1 < n_runs)
        def _():
            start_slab(col_s[jnp.minimum(k + 1, _B_PER_W - 1)], 1 - buf)

        wait_slab(buf)

        def slot_body(j, _):
            lane = splatv(j) & 127
            p = lax.rem(lax.div(j, _RB), 2)
            r = lax.rem(j, _RB)

            @pl.when(jnp.logical_and(r == 0, j >= 2 * _RB))
            def _():
                wait_batch(lax.div(j, _RB) - 2)

            for m in range(_NCHUNK):
                got = plsc.load_gather(
                    slab_v.at[buf], [dim_iota + (16 * m), lane])
                row_v[p, r, pl.ds(16 * m, 16)] = got

            @pl.when(r == _RB - 1)
            def _():
                fire_batch(lax.div(j, _RB))

            return 0

        lax.fori_loop(start, end, slot_body, 0, unroll=False)
        return 0

    lax.fori_loop(0, n_runs, run_body, 0, unroll=False)
    wait_batch(_NB - 2)
    wait_batch(_NB - 1)


def kernel(class_labels, captions, glove_vectors):
    del class_labels
    sorted_idx, positions = lax.sort_key_val(
        captions, lax.iota(jnp.int32, BATCH))
    idx = sorted_idx.reshape(_NW, _B_PER_W)
    pos = positions.reshape(_NW, _NB, _RB)
    return _gather_kernel(idx, pos, glove_vectors.T)

# --- scband reference (transcript-rebuilt; emitter-appended) ---
"""Pipeline reference for scband-glove-encoder-31001073943413 (READ-ONLY COPY).

The authoritative reference and input builder live on the scoring server;
editing this copy changes nothing except your own understanding.
"""

import jax, jax.numpy as jnp
import numpy as np

VOCAB = 400000
EMBED_DIM = 300
BATCH = 16384


def setup_inputs(seed: int = 0) -> dict:
    key = jax.random.key(seed)
    k1, k2, k3 = jax.random.split(key, 3)
    class_labels = jax.random.randint(k1, (BATCH,), 0, 1000, dtype=jnp.int32)
    # captions: pre-tokenized word indices into the GloVe vocabulary
    # (the original module maps strings -> indices via glove.stoi; we model
    # the downstream embedding gather on token ids directly)
    captions = jax.random.randint(k2, (BATCH,), 0, VOCAB, dtype=jnp.int32)
    # learned/loaded parameter: the GloVe embedding table (glove.vectors)
    glove_vectors = jax.random.normal(k3, (VOCAB, EMBED_DIM), dtype=jnp.float32) * 0.1
    return {"class_labels": class_labels, "captions": captions, "glove_vectors": glove_vectors}


def reference(class_labels, captions, glove_vectors):
    # forward: tList = [glove.vectors[stoi[word]] for word in captions]; t = stack(tList)
    # which is exactly a row-gather from the embedding table.
    t = jnp.take(glove_vectors, captions, axis=0)
    return t

if __name__ == "__main__":
    import jax
    _d = setup_inputs()
    print(jax.jit(kernel)(*tuple(_d.values())))

</pallas_src>

<mosaic_0001>
#map = affine_map<(d0, d1) -> (0, 0)>
#map1 = affine_map<(d0, d1) -> (0, 0, 0)>
module attributes {stable_mosaic.version = 14 : i64} {
  func.func @_gather_kernel(%arg0: i32, %arg1: i32, %arg2: memref<32x512xi32, #tpu.memory_space<hbm>>, %arg3: memref<32x8x64xi32, #tpu.memory_space<hbm>>, %arg4: memref<300x400000xf32, #tpu.memory_space<hbm>>, %arg5: memref<16384x300xf32, #tpu.memory_space<hbm>>, %arg6: memref<512xi32, #tpu.memory_space<vmem>>, %arg7: memref<513xi32, #tpu.memory_space<smem>>, %arg8: memref<513xi32, #tpu.memory_space<smem>>, %arg9: memref<8x64xi32, #tpu.memory_space<vmem>>, %arg10: memref<2x300x128xf32, #tpu.memory_space<vmem>>, %arg11: memref<2x64x384xf32, #tpu.memory_space<vmem>>, %arg12: memref<!tpu.dma_semaphore, #tpu.memory_space<semaphore_mem>>, %arg13: memref<!tpu.dma_semaphore, #tpu.memory_space<semaphore_mem>>) attributes {dimension_semantics = [#tpu.dimension_semantics<core_parallel>, #tpu.dimension_semantics<subcore_parallel>], iteration_bounds = array<i64: 2, 16>, scalar_prefetch = 0 : i64, scratch_operands = 8 : i64, tpu.core_type = #tpu.core_type<sc_vector_subcore>, window_params = [{transform_indices = #map}, {transform_indices = #map1}, {transform_indices = #map}, {transform_indices = #map}]} {
    %mul3A = arith.constant 2 : i32
    %mul3A_0 = arith.muli %arg1, %mul3A : i32
    %add3A = arith.addi %mul3A_0, %arg0 : i32
    "tpu.region"() ({
      %run_scoped3A = tpu.sem_alloc : memref<!tpu.dma_semaphore, #tpu.memory_space<semaphore_mem>>
      %dma_start3A_109 = arith.constant 0 : i32
      %dma_start3A_110 = tpu.memref_slice %arg2[%add3A, %dma_start3A_109] : memref<32x512xi32, #tpu.memory_space<hbm>> -> memref<1x512xi32, #tpu.memory_space<hbm>>
      %dma_start3A_111 = tpu.memref_squeeze %dma_start3A_110 : memref<1x512xi32, #tpu.memory_space<hbm>> -> memref<512xi32, #tpu.memory_space<hbm>>
      %dma_start3A_112 = arith.constant 0 : i32
      %dma_start3A_113 = tpu.memref_slice %arg2[%add3A, %dma_start3A_112] : memref<32x512xi32, #tpu.memory_space<hbm>> -> memref<1x512xi32, #tpu.memory_space<hbm>>
      %dma_start3A_114 = tpu.memref_squeeze %dma_start3A_113 : memref<1x512xi32, #tpu.memory_space<hbm>> -> memref<512xi32, #tpu.memory_space<hbm>>
      tpu.enqueue_dma source(%dma_start3A_114 : memref<512xi32, #tpu.memory_space<hbm>>) target(%arg6 : memref<512xi32, #tpu.memory_space<vmem>>) target_semaphore(%run_scoped3A : memref<!tpu.dma_semaphore, #tpu.memory_space<semaphore_mem>>)
      %dma_wait3A_115 = arith.constant 0 : i32
      %dma_wait3A_116 = tpu.memref_slice %arg2[%add3A, %dma_wait3A_115] : memref<32x512xi32, #tpu.memory_space<hbm>> -> memref<1x512xi32, #tpu.memory_space<hbm>>
      %dma_wait3A_117 = tpu.memref_squeeze %dma_wait3A_116 : memref<1x512xi32, #tpu.memory_space<hbm>> -> memref<512xi32, #tpu.memory_space<hbm>>
      %dma_wait3A_118 = arith.constant 0 : i32
      %dma_wait3A_119 = tpu.memref_slice %arg2[%add3A, %dma_wait3A_118] : memref<32x512xi32, #tpu.memory_space<hbm>> -> memref<1x512xi32, #tpu.memory_space<hbm>>
      %dma_wait3A_120 = tpu.memref_squeeze %dma_wait3A_119 : memref<1x512xi32, #tpu.memory_space<hbm>> -> memref<512xi32, #tpu.memory_space<hbm>>
      tpu.wait_dma2 semaphore(%run_scoped3A : memref<!tpu.dma_semaphore, #tpu.memory_space<semaphore_mem>>) src(%dma_wait3A_120 : memref<512xi32, #tpu.memory_space<hbm>>) dst(%arg6 : memref<512xi32, #tpu.memory_space<vmem>>)
      tpu.yield
    }) : () -> ()
    "tpu.region"() ({
      %run_scoped3A = tpu.sem_alloc : memref<!tpu.dma_semaphore, #tpu.memory_space<semaphore_mem>>
      %dma_start3A_109 = arith.constant 0 : i32
      %dma_start3A_110 = arith.constant 0 : i32
      %dma_start3A_111 = tpu.memref_slice %arg3[%add3A, %dma_start3A_109, %dma_start3A_110] : memref<32x8x64xi32, #tpu.memory_space<hbm>> -> memref<1x8x64xi32, #tpu.memory_space<hbm>>
      %dma_start3A_112 = tpu.memref_squeeze %dma_start3A_111 : memref<1x8x64xi32, #tpu.memory_space<hbm>> -> memref<8x64xi32, #tpu.memory_space<hbm>>
      %dma_start3A_113 = arith.constant 0 : i32
      %dma_start3A_114 = arith.constant 0 : i32
      %dma_start3A_115 = tpu.memref_slice %arg3[%add3A, %dma_start3A_113, %dma_start3A_114] : memref<32x8x64xi32, #tpu.memory_space<hbm>> -> memref<1x8x64xi32, #tpu.memory_space<hbm>>
      %dma_start3A_116 = tpu.memref_squeeze %dma_start3A_115 : memref<1x8x64xi32, #tpu.memory_space<hbm>> -> memref<8x64xi32, #tpu.memory_space<hbm>>
      tpu.enqueue_dma source(%dma_start3A_116 : memref<8x64xi32, #tpu.memory_space<hbm>>) target(%arg9 : memref<8x64xi32, #tpu.memory_space<vmem>>) target_semaphore(%run_scoped3A : memref<!tpu.dma_semaphore, #tpu.memory_space<semaphore_mem>>)
      %dma_wait3A_117 = arith.constant 0 : i32
      %dma_wait3A_118 = arith.constant 0 : i32
      %dma_wait3A_119 = tpu.memref_slice %arg3[%add3A, %dma_wait3A_117, %dma_wait3A_118] : memref<32x8x64xi32, #tpu.memory_space<hbm>> -> memref<1x8x64xi32, #tpu.memory_space<hbm>>
      %dma_wait3A_120 = tpu.memref_squeeze %dma_wait3A_119 : memref<1x8x64xi32, #tpu.memory_space<hbm>> -> memref<8x64xi32, #tpu.memory_space<hbm>>
      %dma_wait3A_121 = arith.constant 0 : i32
      %dma_wait3A_122 = arith.constant 0 : i32
      %dma_wait3A_123 = tpu.memref_slice %arg3[%add3A, %dma_wait3A_121, %dma_wait3A_122] : memref<32x8x64xi32, #tpu.memory_space<hbm>> -> memref<1x8x64xi32, #tpu.memory_space<hbm>>
      %dma_wait3A_124 = tpu.memref_squeeze %dma_wait3A_123 : memref<1x8x64xi32, #tpu.memory_space<hbm>> -> memref<8x64xi32, #tpu.memory_space<hbm>>
      tpu.wait_dma2 semaphore(%run_scoped3A : memref<!tpu.dma_semaphore, #tpu.memory_space<semaphore_mem>>) src(%dma_wait3A_124 : memref<8x64xi32, #tpu.memory_space<hbm>>) dst(%arg9 : memref<8x64xi32, #tpu.memory_space<vmem>>)
      tpu.yield
    }) : () -> ()
    %iota3A = tpu.iota {dimensions = array<i32: 0>} : vector<16xi32>
    %scan3A = arith.constant -2147483648 : i32
    %scan3A_1 = arith.constant 0 : i32
    %scan3A_2 = arith.constant -1 : i32
    %scan3A_3 = arith.constant 0 : i32
    %scan3A_4 = arith.constant 512 : i32
    %scan3A_5 = arith.addi %scan3A_3, %scan3A_4 : i32
    %scan3A_6 = arith.constant 1 : i32
    %scan3A_7:2 = scf.for %scan3A_109 = %scan3A_3 to %scan3A_5 step %scan3A_6 iter_args(%scan3A_110 = %scan3A_1, %scan3A_111 = %scan3A_2) -> (i32, i32)  : i32 {
      %jit3A = arith.constant 16 : i32
      %div3A = arith.divsi %scan3A_109, %jit3A : i32
      %sign3A = arith.constant 0 : i32
      %sign3A_112 = arith.cmpi sgt, %scan3A_109, %sign3A : i32
      %sign3A_113 = arith.extui %sign3A_112 : i1 to i32
      %sign3A_114 = arith.constant 0 : i32
      %sign3A_115 = arith.cmpi slt, %scan3A_109, %sign3A_114 : i32
      %sign3A_116 = arith.extui %sign3A_115 : i1 to i32
      %sign3A_117 = arith.subi %sign3A_113, %sign3A_116 : i32
      %sign3A_118 = arith.constant 0 : i32
      %sign3A_119 = arith.cmpi sgt, %jit3A, %sign3A_118 : i32
      %sign3A_120 = arith.extui %sign3A_119 : i1 to i32
      %sign3A_121 = arith.constant 0 : i32
      %sign3A_122 = arith.cmpi slt, %jit3A, %sign3A_121 : i32
      %sign3A_123 = arith.extui %sign3A_122 : i1 to i32
      %sign3A_124 = arith.subi %sign3A_120, %sign3A_123 : i32
      %ne3A = arith.cmpi ne, %sign3A_117, %sign3A_124 : i32
      %rem3A_125 = arith.remsi %scan3A_109, %jit3A : i32
      %ne3A_126 = arith.constant 0 : i32
      %ne3A_127 = arith.cmpi ne, %rem3A_125, %ne3A_126 : i32
      %and3A = arith.andi %ne3A, %ne3A_127 : i1
      %sub3A = arith.constant 1 : i32
      %sub3A_128 = arith.subi %div3A, %sub3A : i32
      %select_n3A = arith.select %and3A, %sub3A_128, %div3A : i32
      %mul3A_129 = arith.constant 16 : i32
      %mul3A_130 = arith.muli %select_n3A, %mul3A_129 : i32
      %get3A_131 = arith.index_cast %mul3A_130 : i32 to index
      %get3A_132 = tpu.vector_load %arg6[%get3A_131] {strides = array<i32>} : memref<512xi32, #tpu.memory_space<vmem>>, vector<16xi32>,
      %jit3A_133 = arith.constant 16 : i32
      %eq3A = arith.constant 0 : i32
      %eq3A_134 = arith.cmpi eq, %jit3A_133, %eq3A : i32
      %jit3A_135 = arith.constant 1 : i32
      %select_n3A_136 = arith.select %eq3A_134, %jit3A_135, %jit3A_133 : i32
      %rem3A_137 = arith.remsi %scan3A_109, %select_n3A_136 : i32
      %ne3A_138 = arith.constant 0 : i32
      %ne3A_139 = arith.cmpi ne, %rem3A_137, %ne3A_138 : i32
      %lt3A = arith.constant 0 : i32
      %lt3A_140 = arith.cmpi slt, %rem3A_137, %lt3A : i32
      %lt3A_141 = arith.constant 0 : i32
      %lt3A_142 = arith.cmpi slt, %select_n3A_136, %lt3A_141 : i32
      %ne3A_143 = arith.xori %lt3A_140, %lt3A_142 : i1
      %and3A_144 = arith.andi %ne3A_143, %ne3A_139 : i1
      %add3A_145 = arith.addi %rem3A_137, %select_n3A_136 : i32
      %select_n3A_146 = arith.select %and3A_144, %add3A_145, %rem3A_137 : i32
      %eq3A_147 = vector.broadcast %select_n3A_146 : i32 to vector<16xi32>
      %eq3A_148 = arith.cmpi eq, %iota3A, %eq3A_147 : vector<16xi32>
      %broadcast_in_dim3A = vector.broadcast %scan3A : i32 to vector<16xi32>
      %select_n3A_149 = arith.select %eq3A_148, %get3A_132, %broadcast_in_dim3A : vector<16xi1>, vector<16xi32>
      %reduce_max3A = arith.constant true
      %reduce_max3A_150 = vector.broadcast %reduce_max3A : i1 to vector<16xi1>
      %reduce_max3A_151 = arith.constant -2147483648 : i32
      %reduce_max3A_152 = vector.broadcast %reduce_max3A_151 : i32 to vector<16xi32>
      %reduce_max3A_153 = arith.xori %select_n3A_149, %reduce_max3A_152 : vector<16xi32>
      %reduce_max3A_154 = tpu.scan <max>, %reduce_max3A_153 masked %reduce_max3A_150 : vector<16xi32>, vector<16xi1> -> vector<16xi32>
      %reduce_max3A_155 = arith.xori %reduce_max3A_154, %reduce_max3A_152 : vector<16xi32>
      %reduce_max3A_156 = vector.extract %reduce_max3A_155[15] : i32 from vector<16xi32>
      %shift_right_arithmetic3A = arith.constant 7 : i32
      %shift_right_arithmetic3A_157 = arith.shrsi %reduce_max3A_156, %shift_right_arithmetic3A : i32
      %ne3A_158 = arith.cmpi ne, %shift_right_arithmetic3A_157, %scan3A_111 : i32
      %convert_element_type3A = arith.extui %ne3A_158 : i1 to i32
      %cond3A = arith.constant 0 : i32
      %cond3A_159 = arith.cmpi ne, %convert_element_type3A, %cond3A : i32
      %cond3A_160 = scf.if %cond3A_159 -> (i32) {
        %swap3A = arith.index_cast %scan3A_110 : i32 to index
        %swap3A_161 = memref.load %arg7[%swap3A] : memref<513xi32, #tpu.memory_space<smem>>
        memref.store %scan3A_109, %arg7[%swap3A] : memref<513xi32, #tpu.memory_space<smem>>
        %swap3A_162 = arith.index_cast %scan3A_110 : i32 to index
        %swap3A_163 = memref.load %arg8[%swap3A_162] : memref<513xi32, #tpu.memory_space<smem>>
        memref.store %shift_right_arithmetic3A_157, %arg8[%swap3A_162] : memref<513xi32, #tpu.memory_space<smem>>
        %add3A_164 = arith.constant 1 : i32
        %add3A_165 = arith.addi %scan3A_110, %add3A_164 : i32
        scf.yield %add3A_165 : i32
      } else {
        scf.yield %scan3A_110 : i32
      }
      scf.yield %cond3A_160, %shift_right_arithmetic3A_157 : i32, i32
    }
    %scan3A_8 = arith.constant 512 : i32
    %get3A = arith.constant 0 : i32
    %get3A_9 = arith.index_cast %get3A : i32 to index
    %get3A_10 = memref.load %arg8[%get3A_9] : memref<513xi32, #tpu.memory_space<smem>>
    %mul3A_11 = arith.constant 128 : i32
    %mul3A_12 = arith.muli %get3A_10, %mul3A_11 : i32
    %multiple_of3A = tpu.assume_multiple %mul3A_12, 128 : i32
    %dma_start3A = arith.constant 0 : i32
    %dma_start3A_13 = arith.constant 0 : i32
    %dma_start3A_14 = arith.constant 0 : i32
    %dma_start3A_15 = tpu.memref_slice %arg10[%dma_start3A, %dma_start3A_13, %dma_start3A_14] : memref<2x300x128xf32, #tpu.memory_space<vmem>> -> memref<1x300x128xf32, #tpu.memory_space<vmem>>
    %dma_start3A_16 = tpu.memref_squeeze %dma_start3A_15 : memref<1x300x128xf32, #tpu.memory_space<vmem>> -> memref<300x128xf32, #tpu.memory_space<vmem>>
    %dma_start3A_17 = arith.constant 0 : i32
    %dma_start3A_18 = tpu.memref_slice %arg4[%dma_start3A_17, %multiple_of3A] : memref<300x400000xf32, #tpu.memory_space<hbm>> -> memref<300x128xf32, #tpu.memory_space<hbm>>
    %dma_start3A_19 = arith.constant 0 : i32
    %dma_start3A_20 = arith.constant 0 : i32
    %dma_start3A_21 = tpu.memref_slice %arg10[%dma_start3A, %dma_start3A_19, %dma_start3A_20] : memref<2x300x128xf32, #tpu.memory_space<vmem>> -> memref<1x300x128xf32, #tpu.memory_space<vmem>>
    %dma_start3A_22 = tpu.memref_squeeze %dma_start3A_21 : memref<1x300x128xf32, #tpu.memory_space<vmem>> -> memref<300x128xf32, #tpu.memory_space<vmem>>
    %dma_start3A_23 = arith.constant 0 : i32
    %dma_start3A_24 = tpu.memref_slice %arg4[%dma_start3A_23, %multiple_of3A] : memref<300x400000xf32, #tpu.memory_space<hbm>> -> memref<300x128xf32, #tpu.memory_space<hbm>>
    tpu.enqueue_dma source(%dma_start3A_24 : memref<300x128xf32, #tpu.memory_space<hbm>>) target(%dma_start3A_22 : memref<300x128xf32, #tpu.memory_space<vmem>>) target_semaphore(%arg12 : memref<!tpu.dma_semaphore, #tpu.memory_space<semaphore_mem>>)
    %while3A = arith.constant 0 : i32
    %while3A_25 = arith.constant 128 : i32
    %while3A_26 = arith.constant 256 : i32
    %while3A_27 = arith.constant 0 : i32
    %while3A_28 = arith.constant 0 : i32
    %while3A_29 = arith.subi %scan3A_7#0, %while3A_27 : i32
    %while3A_30 = arith.addi %while3A_27, %while3A_29 : i32
    %while3A_31 = arith.constant 1 : i32
    %while3A_32 = arith.divsi %while3A_29, %while3A_31 : i32
    %while3A_33 = arith.muli %while3A_32, %while3A_31 : i32
    %while3A_34 = arith.addi %while3A_27, %while3A_33 : i32
    %while3A_35 = arith.constant 1 : i32
    %while3A_36 = scf.for %while3A_109 = %while3A_27 to %while3A_34 step %while3A_35 iter_args(%while3A_110 = %while3A_28) -> (i32)  : i32 {
      %rem3A_111 = arith.constant 2 : i32
      %rem3A_112 = arith.remsi %while3A_109, %rem3A_111 : i32
      %get3A_113 = arith.index_cast %while3A_109 : i32 to index
      %get3A_114 = memref.load %arg7[%get3A_113] : memref<513xi32, #tpu.memory_space<smem>>
      %add3A_115 = arith.constant 1 : i32
      %add3A_116 = arith.addi %while3A_109, %add3A_115 : i32
      %lt3A = arith.cmpi slt, %add3A_116, %scan3A_7#0 : i32
      %add3A_117 = arith.constant 1 : i32
      %add3A_118 = arith.addi %while3A_109, %add3A_117 : i32
      %min3A = arith.constant 511 : i32
      %min3A_119 = arith.minsi %add3A_118, %min3A : i32
      %get3A_120 = arith.index_cast %min3A_119 : i32 to index
      %get3A_121 = memref.load %arg7[%get3A_120] : memref<513xi32, #tpu.memory_space<smem>>
      %jit3A = arith.constant 512 : i32
      %select_n3A = arith.select %lt3A, %get3A_121, %jit3A : i32
      %add3A_122 = arith.constant 1 : i32
      %add3A_123 = arith.addi %while3A_109, %add3A_122 : i32
      %lt3A_124 = arith.cmpi slt, %add3A_123, %scan3A_7#0 : i32
      %convert_element_type3A = arith.extui %lt3A_124 : i1 to i32
      %cond3A = arith.constant 0 : i32
      %cond3A_125 = arith.cmpi ne, %convert_element_type3A, %cond3A : i32
      scf.if %cond3A_125 {
        %add3A_154 = arith.constant 1 : i32
        %add3A_155 = arith.addi %while3A_109, %add3A_154 : i32
        %min3A_156 = arith.constant 511 : i32
        %min3A_157 = arith.minsi %add3A_155, %min3A_156 : i32
        %get3A_158 = arith.index_cast %min3A_157 : i32 to index
        %get3A_159 = memref.load %arg8[%get3A_158] : memref<513xi32, #tpu.memory_space<smem>>
        %sub3A = arith.constant 1 : i32
        %sub3A_160 = arith.subi %sub3A, %rem3A_112 : i32
        %mul3A_161 = arith.constant 128 : i32
        %mul3A_162 = arith.muli %get3A_159, %mul3A_161 : i32
        %multiple_of3A_163 = tpu.assume_multiple %mul3A_162, 128 : i32
        %dma_start3A_164 = arith.constant 0 : i32
        %dma_start3A_165 = arith.constant 0 : i32
        %dma_start3A_166 = tpu.memref_slice %arg10[%sub3A_160, %dma_start3A_164, %dma_start3A_165] : memref<2x300x128xf32, #tpu.memory_space<vmem>> -> memref<1x300x128xf32, #tpu.memory_space<vmem>>
        %dma_start3A_167 = tpu.memref_squeeze %dma_start3A_166 : memref<1x300x128xf32, #tpu.memory_space<vmem>> -> memref<300x128xf32, #tpu.memory_space<vmem>>
        %dma_start3A_168 = arith.constant 0 : i32
        %dma_start3A_169 = tpu.memref_slice %arg4[%dma_start3A_168, %multiple_of3A_163] : memref<300x400000xf32, #tpu.memory_space<hbm>> -> memref<300x128xf32, #tpu.memory_space<hbm>>
        %dma_start3A_170 = arith.constant 0 : i32
        %dma_start3A_171 = arith.constant 0 : i32
        %dma_start3A_172 = tpu.memref_slice %arg10[%sub3A_160, %dma_start3A_170, %dma_start3A_171] : memref<2x300x128xf32, #tpu.memory_space<vmem>> -> memref<1x300x128xf32, #tpu.memory_space<vmem>>
        %dma_start3A_173 = tpu.memref_squeeze %dma_start3A_172 : memref<1x300x128xf32, #tpu.memory_space<vmem>> -> memref<300x128xf32, #tpu.memory_space<vmem>>
        %dma_start3A_174 = arith.constant 0 : i32
        %dma_start3A_175 = tpu.memref_slice %arg4[%dma_start3A_174, %multiple_of3A_163] : memref<300x400000xf32, #tpu.memory_space<hbm>> -> memref<300x128xf32, #tpu.memory_space<hbm>>
        tpu.enqueue_dma source(%dma_start3A_175 : memref<300x128xf32, #tpu.memory_space<hbm>>) target(%dma_start3A_173 : memref<300x128xf32, #tpu.memory_space<vmem>>) target_semaphore(%arg12 : memref<!tpu.dma_semaphore, #tpu.memory_space<semaphore_mem>>)
      } else {
      }
      %mul3A_126 = arith.constant 0 : i32
      %mul3A_127 = arith.constant 128 : i32
      %mul3A_128 = arith.muli %mul3A_126, %mul3A_127 : i32
      %multiple_of3A_129 = tpu.assume_multiple %mul3A_128, 128 : i32
      %dma_wait3A_130 = arith.constant 0 : i32
      %dma_wait3A_131 = arith.constant 0 : i32
      %dma_wait3A_132 = tpu.memref_slice %arg10[%rem3A_112, %dma_wait3A_130, %dma_wait3A_131] : memref<2x300x128xf32, #tpu.memory_space<vmem>> -> memref<1x300x128xf32, #tpu.memory_space<vmem>>
      %dma_wait3A_133 = tpu.memref_squeeze %dma_wait3A_132 : memref<1x300x128xf32, #tpu.memory_space<vmem>> -> memref<300x128xf32, #tpu.memory_space<vmem>>
      %dma_wait3A_134 = arith.constant 0 : i32
      %dma_wait3A_135 = tpu.memref_slice %arg4[%dma_wait3A_134, %multiple_of3A_129] : memref<300x400000xf32, #tpu.memory_space<hbm>> -> memref<300x128xf32, #tpu.memory_space<hbm>>
      %dma_wait3A_136 = arith.constant 0 : i32
      %dma_wait3A_137 = arith.constant 0 : i32
      %dma_wait3A_138 = tpu.memref_slice %arg10[%rem3A_112, %dma_wait3A_136, %dma_wait3A_137] : memref<2x300x128xf32, #tpu.memory_space<vmem>> -> memref<1x300x128xf32, #tpu.memory_space<vmem>>
      %dma_wait3A_139 = tpu.memref_squeeze %dma_wait3A_138 : memref<1x300x128xf32, #tpu.memory_space<vmem>> -> memref<300x128xf32, #tpu.memory_space<vmem>>
      %dma_wait3A_140 = arith.constant 0 : i32
      %dma_wait3A_141 = tpu.memref_slice %arg4[%dma_wait3A_140, %multiple_of3A_129] : memref<300x400000xf32, #tpu.memory_space<hbm>> -> memref<300x128xf32, #tpu.memory_space<hbm>>
      tpu.wait_dma2 semaphore(%arg12 : memref<!tpu.dma_semaphore, #tpu.memory_space<semaphore_mem>>) src(%dma_wait3A_141 : memref<300x128xf32, #tpu.memory_space<hbm>>) dst(%dma_wait3A_139 : memref<300x128xf32, #tpu.memory_space<vmem>>)
      %while3A_142 = arith.constant 0 : i32
      %while3A_143 = arith.subi %select_n3A, %get3A_114 : i32
      %while3A_144 = arith.addi %get3A_114, %while3A_143 : i32
      %while3A_145 = arith.constant 1 : i32
      %while3A_146 = arith.divsi %while3A_143, %while3A_145 : i32
      %while3A_147 = arith.muli %while3A_146, %while3A_145 : i32
      %while3A_148 = arith.addi %get3A_114, %while3A_147 : i32
      %while3A_149 = arith.constant 1 : i32
      %while3A_150 = scf.for %while3A_154 = %get3A_114 to %while3A_148 step %while3A_149 iter_args(%while3A_155 = %while3A_142) -> (i32)  : i32 {
        %jit3A_156 = arith.constant 16 : i32
        %div3A = arith.divsi %while3A_154, %jit3A_156 : i32
        %sign3A = arith.constant 0 : i32
        %sign3A_157 = arith.cmpi sgt, %while3A_154, %sign3A : i32
        %sign3A_158 = arith.extui %sign3A_157 : i1 to i32
        %sign3A_159 = arith.constant 0 : i32
        %sign3A_160 = arith.cmpi slt, %while3A_154, %sign3A_159 : i32
        %sign3A_161 = arith.extui %sign3A_160 : i1 to i32
        %sign3A_162 = arith.subi %sign3A_158, %sign3A_161 : i32
        %sign3A_163 = arith.constant 0 : i32
        %sign3A_164 = arith.cmpi sgt, %jit3A_156, %sign3A_163 : i32
        %sign3A_165 = arith.extui %sign3A_164 : i1 to i32
        %sign3A_166 = arith.constant 0 : i32
        %sign3A_167 = arith.cmpi slt, %jit3A_156, %sign3A_166 : i32
        %sign3A_168 = arith.extui %sign3A_167 : i1 to i32
        %sign3A_169 = arith.subi %sign3A_165, %sign3A_168 : i32
        %ne3A = arith.cmpi ne, %sign3A_162, %sign3A_169 : i32
        %rem3A_170 = arith.remsi %while3A_154, %jit3A_156 : i32
        %ne3A_171 = arith.constant 0 : i32
        %ne3A_172 = arith.cmpi ne, %rem3A_170, %ne3A_171 : i32
        %and3A = arith.andi %ne3A, %ne3A_172 : i1
        %sub3A = arith.constant 1 : i32
        %sub3A_173 = arith.subi %div3A, %sub3A : i32
        %select_n3A_174 = arith.select %and3A, %sub3A_173, %div3A : i32
        %mul3A_175 = arith.constant 16 : i32
        %mul3A_176 = arith.muli %select_n3A_174, %mul3A_175 : i32
        %get3A_177 = arith.index_cast %mul3A_176 : i32 to index
        %get3A_178 = tpu.vector_load %arg6[%get3A_177] {strides = array<i32>} : memref<512xi32, #tpu.memory_space<vmem>>, vector<16xi32>,
        %jit3A_179 = arith.constant 16 : i32
        %eq3A = arith.constant 0 : i32
        %eq3A_180 = arith.cmpi eq, %jit3A_179, %eq3A : i32
        %jit3A_181 = arith.constant 1 : i32
        %select_n3A_182 = arith.select %eq3A_180, %jit3A_181, %jit3A_179 : i32
        %rem3A_183 = arith.remsi %while3A_154, %select_n3A_182 : i32
        %ne3A_184 = arith.constant 0 : i32
        %ne3A_185 = arith.cmpi ne, %rem3A_183, %ne3A_184 : i32
        %lt3A_186 = arith.constant 0 : i32
        %lt3A_187 = arith.cmpi slt, %rem3A_183, %lt3A_186 : i32
        %lt3A_188 = arith.constant 0 : i32
        %lt3A_189 = arith.cmpi slt, %select_n3A_182, %lt3A_188 : i32
        %ne3A_190 = arith.xori %lt3A_187, %lt3A_189 : i1
        %and3A_191 = arith.andi %ne3A_190, %ne3A_185 : i1
        %add3A_192 = arith.addi %rem3A_183, %select_n3A_182 : i32
        %select_n3A_193 = arith.select %and3A_191, %add3A_192, %rem3A_183 : i32
        %broadcast_in_dim3A = vector.broadcast %select_n3A_193 : i32 to vector<16xi32>
        %lt3A_194 = arith.constant 0 : i32
        %lt3A_195 = vector.broadcast %lt3A_194 : i32 to vector<16xi32>
        %lt3A_196 = arith.cmpi slt, %broadcast_in_dim3A, %lt3A_195 : vector<16xi32>
        %add3A_197 = arith.constant 16 : i32
        %add3A_198 = vector.broadcast %add3A_197 : i32 to vector<16xi32>
        %add3A_199 = arith.addi %broadcast_in_dim3A, %add3A_198 : vector<16xi32>
        %select_n3A_200 = arith.select %lt3A_196, %add3A_199, %broadcast_in_dim3A : vector<16xi1>, vector<16xi32>
        %broadcast_in_dim3A_201 = vector.shape_cast %select_n3A_200 : vector<16xi32> to vector<16x1xi32>
        %gather3A = vector.shape_cast %broadcast_in_dim3A_201 : vector<16x1xi32> to vector<16xi32>
        %gather3A_202 = tpu.dynamic_gather %get3A_178[%gather3A] in [0] : vector<16xi32>, vector<16xi32> -> vector<16xi32>
        %and3A_203 = arith.constant 127 : i32
        %and3A_204 = vector.broadcast %and3A_203 : i32 to vector<16xi32>
        %and3A_205 = arith.andi %gather3A_202, %and3A_204 : vector<16xi32>
        %div3A_206 = arith.constant 64 : i32
        %div3A_207 = arith.divsi %while3A_154, %div3A_206 : i32
        %rem3A_208 = arith.constant 2 : i32
        %rem3A_209 = arith.remsi %div3A_207, %rem3A_208 : i32
        %rem3A_210 = arith.constant 64 : i32
        %rem3A_211 = arith.remsi %while3A_154, %rem3A_210 : i32
        %eq3A_212 = arith.constant 0 : i32
        %eq3A_213 = arith.cmpi eq, %rem3A_211, %eq3A_212 : i32
        %ge3A = arith.constant 128 : i32
        %ge3A_214 = arith.cmpi sge, %while3A_154, %ge3A : i32
        %and3A_215 = arith.andi %eq3A_213, %ge3A_214 : i1
        %convert_element_type3A_216 = arith.extui %and3A_215 : i1 to i32
        %cond3A_217 = arith.constant 0 : i32
        %cond3A_218 = arith.cmpi ne, %convert_element_type3A_216, %cond3A_217 : i32
        scf.if %cond3A_218 {
          %div3A_452 = arith.constant 64 : i32
          %div3A_453 = arith.divsi %while3A_154, %div3A_452 : i32
          %sub3A_454 = arith.constant 2 : i32
          %sub3A_455 = arith.subi %div3A_453, %sub3A_454 : i32
          %rem3A_456 = arith.constant 2 : i32
          %rem3A_457 = arith.remsi %sub3A_455, %rem3A_456 : i32
          %dma_wait3A_458 = arith.constant 0 : i32
          %dma_wait3A_459 = tpu.memref_slice %arg11[%rem3A_457, %dma_wait3A_458, %while3A] : memref<2x64x384xf32, #tpu.memory_space<vmem>> -> memref<1x64x128xf32, #tpu.memory_space<vmem>>
          %dma_wait3A_460 = tpu.memref_squeeze %dma_wait3A_459 : memref<1x64x128xf32, #tpu.memory_space<vmem>> -> memref<64x128xf32, #tpu.memory_space<vmem>>
          %dma_wait3A_461 = arith.constant 0 : i32
          %dma_wait3A_462 = tpu.memref_slice %arg9[%sub3A_455, %dma_wait3A_461] : memref<8x64xi32, #tpu.memory_space<vmem>> -> memref<1x64xi32, #tpu.memory_space<vmem>>
          %dma_wait3A_463 = tpu.memref_squeeze %dma_wait3A_462 : memref<1x64xi32, #tpu.memory_space<vmem>> -> memref<64xi32, #tpu.memory_space<vmem>>
          %dma_wait3A_464 = arith.constant 0 : i32
          %dma_wait3A_465 = tpu.memref_slice %arg5[%dma_wait3A_464, %while3A] : memref<16384x300xf32, #tpu.memory_space<hbm>> -> memref<16384x128xf32, #tpu.memory_space<hbm>>
          tpu.wait_indirect_dma semaphore(%arg13 : memref<!tpu.dma_semaphore, #tpu.memory_space<semaphore_mem>>) src(%dma_wait3A_460 : memref<64x128xf32, #tpu.memory_space<vmem>>) dst(%dma_wait3A_465 : memref<16384x128xf32, #tpu.memory_space<hbm>>)
          %dma_wait3A_466 = arith.constant 0 : i32
          %dma_wait3A_467 = tpu.memref_slice %arg11[%rem3A_457, %dma_wait3A_466, %while3A_25] : memref<2x64x384xf32, #tpu.memory_space<vmem>> -> memref<1x64x128xf32, #tpu.memory_space<vmem>>
          %dma_wait3A_468 = tpu.memref_squeeze %dma_wait3A_467 : memref<1x64x128xf32, #tpu.memory_space<vmem>> -> memref<64x128xf32, #tpu.memory_space<vmem>>
          %dma_wait3A_469 = arith.constant 0 : i32
          %dma_wait3A_470 = tpu.memref_slice %arg9[%sub3A_455, %dma_wait3A_469] : memref<8x64xi32, #tpu.memory_space<vmem>> -> memref<1x64xi32, #tpu.memory_space<vmem>>
          %dma_wait3A_471 = tpu.memref_squeeze %dma_wait3A_470 : memref<1x64xi32, #tpu.memory_space<vmem>> -> memref<64xi32, #tpu.memory_space<vmem>>
          %dma_wait3A_472 = arith.constant 0 : i32
          %dma_wait3A_473 = tpu.memref_slice %arg5[%dma_wait3A_472, %while3A_25] : memref<16384x300xf32, #tpu.memory_space<hbm>> -> memref<16384x128xf32, #tpu.memory_space<hbm>>
          tpu.wait_indirect_dma semaphore(%arg13 : memref<!tpu.dma_semaphore, #tpu.memory_space<semaphore_mem>>) src(%dma_wait3A_468 : memref<64x128xf32, #tpu.memory_space<vmem>>) dst(%dma_wait3A_473 : memref<16384x128xf32, #tpu.memory_space<hbm>>)
          %dma_wait3A_474 = arith.constant 0 : i32
          %dma_wait3A_475 = tpu.memref_slice %arg11[%rem3A_457, %dma_wait3A_474, %while3A_26] : memref<2x64x384xf32, #tpu.memory_space<vmem>> -> memref<1x64x128xf32, #tpu.memory_space<vmem>>
          %dma_wait3A_476 = tpu.memref_squeeze %dma_wait3A_475 : memref<1x64x128xf32, #tpu.memory_space<vmem>> -> memref<64x128xf32, #tpu.memory_space<vmem>>
          %dma_wait3A_477 = arith.constant 0 : i32
          %dma_wait3A_478 = tpu.memref_slice %arg9[%sub3A_455, %dma_wait3A_477] : memref<8x64xi32, #tpu.memory_space<vmem>> -> memref<1x64xi32, #tpu.memory_space<vmem>>
          %dma_wait3A_479 = tpu.memref_squeeze %dma_wait3A_478 : memref<1x64xi32, #tpu.memory_space<vmem>> -> memref<64xi32, #tpu.memory_space<vmem>>
          %dma_wait3A_480 = arith.constant 0 : i32
          %dma_wait3A_481 = tpu.memref_slice %arg5[%dma_wait3A_480, %while3A_26] : memref<16384x300xf32, #tpu.memory_space<hbm>> -> memref<16384x128xf32, #tpu.memory_space<hbm>>
          tpu.wait_indirect_dma semaphore(%arg13 : memref<!tpu.dma_semaphore, #tpu.memory_space<semaphore_mem>>) src(%dma_wait3A_476 : memref<64x128xf32, #tpu.memory_space<vmem>>) dst(%dma_wait3A_481 : memref<16384x128xf32, #tpu.memory_space<hbm>>)
        } else {
        }
        %add3A_219 = arith.constant 0 : i32
        %add3A_220 = vector.broadcast %add3A_219 : i32 to vector<16xi32>
        %add3A_221 = arith.addi %iota3A, %add3A_220 : vector<16xi32>
        %gather3A_222 = arith.constant 0 : i32
        %gather3A_223 = arith.constant 0 : i32
        %gather3A_224 = tpu.memref_slice %arg10[%rem3A_112, %gather3A_222, %gather3A_223] : memref<2x300x128xf32, #tpu.memory_space<vmem>> -> memref<1x300x128xf32, #tpu.memory_space<vmem>>
        %gather3A_225 = tpu.memref_squeeze %gather3A_224 : memref<1x300x128xf32, #tpu.memory_space<vmem>> -> memref<300x128xf32, #tpu.memory_space<vmem>>
        %gather3A_226 = tpu.vector_load_idx %gather3A_225[%add3A_221, %and3A_205] : memref<300x128xf32, #tpu.memory_space<vmem>>[vector<16xi32>, vector<16xi32>], vector<16xf32>,
        %swap3A = arith.index_cast %rem3A_209 : i32 to index
        %swap3A_227 = arith.index_cast %rem3A_211 : i32 to index
        %swap3A_228 = arith.constant 0 : index
        %swap3A_229 = tpu.vector_load %arg11[%swap3A, %swap3A_227, %swap3A_228] {strides = array<i32>} : memref<2x64x384xf32, #tpu.memory_space<vmem>>, vector<16xf32>,
        tpu.vector_store %arg11[%swap3A, %swap3A_227, %swap3A_228], %gather3A_226 {strides = array<i32>} : memref<2x64x384xf32, #tpu.memory_space<vmem>>, vector<16xf32>,
        %add3A_230 = arith.constant 16 : i32
        %add3A_231 = vector.broadcast %add3A_230 : i32 to vector<16xi32>
        %add3A_232 = arith.addi %iota3A, %add3A_231 : vector<16xi32>
        %gather3A_233 = arith.constant 0 : i32
        %gather3A_234 = arith.constant 0 : i32
        %gather3A_235 = tpu.memref_slice %arg10[%rem3A_112, %gather3A_233, %gather3A_234] : memref<2x300x128xf32, #tpu.memory_space<vmem>> -> memref<1x300x128xf32, #tpu.memory_space<vmem>>
        %gather3A_236 = tpu.memref_squeeze %gather3A_235 : memref<1x300x128xf32, #tpu.memory_space<vmem>> -> memref<300x128xf32, #tpu.memory_space<vmem>>
        %gather3A_237 = tpu.vector_load_idx %gather3A_236[%add3A_232, %and3A_205] : memref<300x128xf32, #tpu.memory_space<vmem>>[vector<16xi32>, vector<16xi32>], vector<16xf32>,
        %swap3A_238 = arith.index_cast %rem3A_209 : i32 to index
        %swap3A_239 = arith.index_cast %rem3A_211 : i32 to index
        %swap3A_240 = arith.constant 16 : index
        %swap3A_241 = tpu.vector_load %arg11[%swap3A_238, %swap3A_239, %swap3A_240] {strides = array<i32>} : memref<2x64x384xf32, #tpu.memory_space<vmem>>, vector<16xf32>,
        tpu.vector_store %arg11[%swap3A_238, %swap3A_239, %swap3A_240], %gather3A_237 {strides = array<i32>} : memref<2x64x384xf32, #tpu.memory_space<vmem>>, vector<16xf32>,
        %add3A_242 = arith.constant 32 : i32
        %add3A_243 = vector.broadcast %add3A_242 : i32 to vector<16xi32>
        %add3A_244 = arith.addi %iota3A, %add3A_243 : vector<16xi32>
        %gather3A_245 = arith.constant 0 : i32
        %gather3A_246 = arith.constant 0 : i32
        %gather3A_247 = tpu.memref_slice %arg10[%rem3A_112, %gather3A_245, %gather3A_246] : memref<2x300x128xf32, #tpu.memory_space<vmem>> -> memref<1x300x128xf32, #tpu.memory_space<vmem>>
        %gather3A_248 = tpu.memref_squeeze %gather3A_247 : memref<1x300x128xf32, #tpu.memory_space<vmem>> -> memref<300x128xf32, #tpu.memory_space<vmem>>
        %gather3A_249 = tpu.vector_load_idx %gather3A_248[%add3A_244, %and3A_205] : memref<300x128xf32, #tpu.memory_space<vmem>>[vector<16xi32>, vector<16xi32>], vector<16xf32>,
        %swap3A_250 = arith.index_cast %rem3A_209 : i32 to index
        %swap3A_251 = arith.index_cast %rem3A_211 : i32 to index
        %swap3A_252 = arith.constant 32 : index
        %swap3A_253 = tpu.vector_load %arg11[%swap3A_250, %swap3A_251, %swap3A_252] {strides = array<i32>} : memref<2x64x384xf32, #tpu.memory_space<vmem>>, vector<16xf32>,
        tpu.vector_store %arg11[%swap3A_250, %swap3A_251, %swap3A_252], %gather3A_249 {strides = array<i32>} : memref<2x64x384xf32, #tpu.memory_space<vmem>>, vector<16xf32>,
        %add3A_254 = arith.constant 48 : i32
        %add3A_255 = vector.broadcast %add3A_254 : i32 to vector<16xi32>
        %add3A_256 = arith.addi %iota3A, %add3A_255 : vector<16xi32>
        %gather3A_257 = arith.constant 0 : i32
        %gather3A_258 = arith.constant 0 : i32
        %gather3A_259 = tpu.memref_slice %arg10[%rem3A_112, %gather3A_257, %gather3A_258] : memref<2x300x128xf32, #tpu.memory_space<vmem>> -> memref<1x300x128xf32, #tpu.memory_space<vmem>>
        %gather3A_260 = tpu.memref_squeeze %gather3A_259 : memref<1x300x128xf32, #tpu.memory_space<vmem>> -> memref<300x128xf32, #tpu.memory_space<vmem>>
        %gather3A_261 = tpu.vector_load_idx %gather3A_260[%add3A_256, %and3A_205] : memref<300x128xf32, #tpu.memory_space<vmem>>[vector<16xi32>, vector<16xi32>], vector<16xf32>,
        %swap3A_262 = arith.index_cast %rem3A_209 : i32 to index
        %swap3A_263 = arith.index_cast %rem3A_211 : i32 to index
        %swap3A_264 = arith.constant 48 : index
        %swap3A_265 = tpu.vector_load %arg11[%swap3A_262, %swap3A_263, %swap3A_264] {strides = array<i32>} : memref<2x64x384xf32, #tpu.memory_space<vmem>>, vector<16xf32>,
        tpu.vector_store %arg11[%swap3A_262, %swap3A_263, %swap3A_264], %gather3A_261 {strides = array<i32>} : memref<2x64x384xf32, #tpu.memory_space<vmem>>, vector<16xf32>,
        %add3A_266 = arith.constant 64 : i32
        %add3A_267 = vector.broadcast %add3A_266 : i32 to vector<16xi32>
        %add3A_268 = arith.addi %iota3A, %add3A_267 : vector<16xi32>
        %gather3A_269 = arith.constant 0 : i32
        %gather3A_270 = arith.constant 0 : i32
        %gather3A_271 = tpu.memref_slice %arg10[%rem3A_112, %gather3A_269, %gather3A_270] : memref<2x300x128xf32, #tpu.memory_space<vmem>> -> memref<1x300x128xf32, #tpu.memory_space<vmem>>
        %gather3A_272 = tpu.memref_squeeze %gather3A_271 : memref<1x300x128xf32, #tpu.memory_space<vmem>> -> memref<300x128xf32, #tpu.memory_space<vmem>>
        %gather3A_273 = tpu.vector_load_idx %gather3A_272[%add3A_268, %and3A_205] : memref<300x128xf32, #tpu.memory_space<vmem>>[vector<16xi32>, vector<16xi32>], vector<16xf32>,
        %swap3A_274 = arith.index_cast %rem3A_209 : i32 to index
        %swap3A_275 = arith.index_cast %rem3A_211 : i32 to index
        %swap3A_276 = arith.constant 64 : index
        %swap3A_277 = tpu.vector_load %arg11[%swap3A_274, %swap3A_275, %swap3A_276] {strides = array<i32>} : memref<2x64x384xf32, #tpu.memory_space<vmem>>, vector<16xf32>,
        tpu.vector_store %arg11[%swap3A_274, %swap3A_275, %swap3A_276], %gather3A_273 {strides = array<i32>} : memref<2x64x384xf32, #tpu.memory_space<vmem>>, vector<16xf32>,
        %add3A_278 = arith.constant 80 : i32
        %add3A_279 = vector.broadcast %add3A_278 : i32 to vector<16xi32>
        %add3A_280 = arith.addi %iota3A, %add3A_279 : vector<16xi32>
        %gather3A_281 = arith.constant 0 : i32
        %gather3A_282 = arith.constant 0 : i32
        %gather3A_283 = tpu.memref_slice %arg10[%rem3A_112, %gather3A_281, %gather3A_282] : memref<2x300x128xf32, #tpu.memory_space<vmem>> -> memref<1x300x128xf32, #tpu.memory_space<vmem>>
        %gather3A_284 = tpu.memref_squeeze %gather3A_283 : memref<1x300x128xf32, #tpu.memory_space<vmem>> -> memref<300x128xf32, #tpu.memory_space<vmem>>
        %gather3A_285 = tpu.vector_load_idx %gather3A_284[%add3A_280, %and3A_205] : memref<300x128xf32, #tpu.memory_space<vmem>>[vector<16xi32>, vector<16xi32>], vector<16xf32>,
        %swap3A_286 = arith.index_cast %rem3A_209 : i32 to index
        %swap3A_287 = arith.index_cast %rem3A_211 : i32 to index
        %swap3A_288 = arith.constant 80 : index
        %swap3A_289 = tpu.vector_load %arg11[%swap3A_286, %swap3A_287, %swap3A_288] {strides = array<i32>} : memref<2x64x384xf32, #tpu.memory_space<vmem>>, vector<16xf32>,
        tpu.vector_store %arg11[%swap3A_286, %swap3A_287, %swap3A_288], %gather3A_285 {strides = array<i32>} : memref<2x64x384xf32, #tpu.memory_space<vmem>>, vector<16xf32>,
        %add3A_290 = arith.constant 96 : i32
        %add3A_291 = vector.broadcast %add3A_290 : i32 to vector<16xi32>
        %add3A_292 = arith.addi %iota3A, %add3A_291 : vector<16xi32>
        %gather3A_293 = arith.constant 0 : i32
        %gather3A_294 = arith.constant 0 : i32
        %gather3A_295 = tpu.memref_slice %arg10[%rem3A_112, %gather3A_293, %gather3A_294] : memref<2x300x128xf32, #tpu.memory_space<vmem>> -> memref<1x300x128xf32, #tpu.memory_space<vmem>>
        %gather3A_296 = tpu.memref_squeeze %gather3A_295 : memref<1x300x128xf32, #tpu.memory_space<vmem>> -> memref<300x128xf32, #tpu.memory_space<vmem>>
        %gather3A_297 = tpu.vector_load_idx %gather3A_296[%add3A_292, %and3A_205] : memref<300x128xf32, #tpu.memory_space<vmem>>[vector<16xi32>, vector<16xi32>], vector<16xf32>,
        %swap3A_298 = arith.index_cast %rem3A_209 : i32 to index
        %swap3A_299 = arith.index_cast %rem3A_211 : i32 to index
        %swap3A_300 = arith.constant 96 : index
        %swap3A_301 = tpu.vector_load %arg11[%swap3A_298, %swap3A_299, %swap3A_300] {strides = array<i32>} : memref<2x64x384xf32, #tpu.memory_space<vmem>>, vector<16xf32>,
        tpu.vector_store %arg11[%swap3A_298, %swap3A_299, %swap3A_300], %gather3A_297 {strides = array<i32>} : memref<2x64x384xf32, #tpu.memory_space<vmem>>, vector<16xf32>,
        %add3A_302 = arith.constant 112 : i32
        %add3A_303 = vector.broadcast %add3A_302 : i32 to vector<16xi32>
        %add3A_304 = arith.addi %iota3A, %add3A_303 : vector<16xi32>
        %gather3A_305 = arith.constant 0 : i32
        %gather3A_306 = arith.constant 0 : i32
        %gather3A_307 = tpu.memref_slice %arg10[%rem3A_112, %gather3A_305, %gather3A_306] : memref<2x300x128xf32, #tpu.memory_space<vmem>> -> memref<1x300x128xf32, #tpu.memory_space<vmem>>
        %gather3A_308 = tpu.memref_squeeze %gather3A_307 : memref<1x300x128xf32, #tpu.memory_space<vmem>> -> memref<300x128xf32, #tpu.memory_space<vmem>>
        %gather3A_309 = tpu.vector_load_idx %gather3A_308[%add3A_304, %and3A_205] : memref<300x128xf32, #tpu.memory_space<vmem>>[vector<16xi32>, vector<16xi32>], vector<16xf32>,
        %swap3A_310 = arith.index_cast %rem3A_209 : i32 to index
        %swap3A_311 = arith.index_cast %rem3A_211 : i32 to index
        %swap3A_312 = arith.constant 112 : index
        %swap3A_313 = tpu.vector_load %arg11[%swap3A_310, %swap3A_311, %swap3A_312] {strides = array<i32>} : memref<2x64x384xf32, #tpu.memory_space<vmem>>, vector<16xf32>,
        tpu.vector_store %arg11[%swap3A_310, %swap3A_311, %swap3A_312], %gather3A_309 {strides = array<i32>} : memref<2x64x384xf32, #tpu.memory_space<vmem>>, vector<16xf32>,
        %add3A_314 = arith.constant 128 : i32
        %add3A_315 = vector.broadcast %add3A_314 : i32 to vector<16xi32>
        %add3A_316 = arith.addi %iota3A, %add3A_315 : vector<16xi32>
        %gather3A_317 = arith.constant 0 : i32
        %gather3A_318 = arith.constant 0 : i32
        %gather3A_319 = tpu.memref_slice %arg10[%rem3A_112, %gather3A_317, %gather3A_318] : memref<2x300x128xf32, #tpu.memory_space<vmem>> -> memref<1x300x128xf32, #tpu.memory_space<vmem>>
        %gather3A_320 = tpu.memref_squeeze %gather3A_319 : memref<1x300x128xf32, #tpu.memory_space<vmem>> -> memref<300x128xf32, #tpu.memory_space<vmem>>
        %gather3A_321 = tpu.vector_load_idx %gather3A_320[%add3A_316, %and3A_205] : memref<300x128xf32, #tpu.memory_space<vmem>>[vector<16xi32>, vector<16xi32>], vector<16xf32>,
        %swap3A_322 = arith.index_cast %rem3A_209 : i32 to index
        %swap3A_323 = arith.index_cast %rem3A_211 : i32 to index
        %swap3A_324 = arith.constant 128 : index
        %swap3A_325 = tpu.vector_load %arg11[%swap3A_322, %swap3A_323, %swap3A_324] {strides = array<i32>} : memref<2x64x384xf32, #tpu.memory_space<vmem>>, vector<16xf32>,
        tpu.vector_store %arg11[%swap3A_322, %swap3A_323, %swap3A_324], %gather3A_321 {strides = array<i32>} : memref<2x64x384xf32, #tpu.memory_space<vmem>>, vector<16xf32>,
        %add3A_326 = arith.constant 144 : i32
        %add3A_327 = vector.broadcast %add3A_326 : i32 to vector<16xi32>
        %add3A_328 = arith.addi %iota3A, %add3A_327 : vector<16xi32>
        %gather3A_329 = arith.constant 0 : i32
        %gather3A_330 = arith.constant 0 : i32
        %gather3A_331 = tpu.memref_slice %arg10[%rem3A_112, %gather3A_329, %gather3A_330] : memref<2x300x128xf32, #tpu.memory_space<vmem>> -> memref<1x300x128xf32, #tpu.memory_space<vmem>>
        %gather3A_332 = tpu.memref_squeeze %gather3A_331 : memref<1x300x128xf32, #tpu.memory_space<vmem>> -> memref<300x128xf32, #tpu.memory_space<vmem>>
        %gather3A_333 = tpu.vector_load_idx %gather3A_332[%add3A_328, %and3A_205] : memref<300x128xf32, #tpu.memory_space<vmem>>[vector<16xi32>, vector<16xi32>], vector<16xf32>,
        %swap3A_334 = arith.index_cast %rem3A_209 : i32 to index
        %swap3A_335 = arith.index_cast %rem3A_211 : i32 to index
        %swap3A_336 = arith.constant 144 : index
        %swap3A_337 = tpu.vector_load %arg11[%swap3A_334, %swap3A_335, %swap3A_336] {strides = array<i32>} : memref<2x64x384xf32, #tpu.memory_space<vmem>>, vector<16xf32>,
        tpu.vector_store %arg11[%swap3A_334, %swap3A_335, %swap3A_336], %gather3A_333 {strides = array<i32>} : memref<2x64x384xf32, #tpu.memory_space<vmem>>, vector<16xf32>,
        %add3A_338 = arith.constant 160 : i32
        %add3A_339 = vector.broadcast %add3A_338 : i32 to vector<16xi32>
        %add3A_340 = arith.addi %iota3A, %add3A_339 : vector<16xi32>
        %gather3A_341 = arith.constant 0 : i32
        %gather3A_342 = arith.constant 0 : i32
        %gather3A_343 = tpu.memref_slice %arg10[%rem3A_112, %gather3A_341, %gather3A_342] : memref<2x300x128xf32, #tpu.memory_space<vmem>> -> memref<1x300x128xf32, #tpu.memory_space<vmem>>
        %gather3A_344 = tpu.memref_squeeze %gather3A_343 : memref<1x300x128xf32, #tpu.memory_space<vmem>> -> memref<300x128xf32, #tpu.memory_space<vmem>>
        %gather3A_345 = tpu.vector_load_idx %gather3A_344[%add3A_340, %and3A_205] : memref<300x128xf32, #tpu.memory_space<vmem>>[vector<16xi32>, vector<16xi32>], vector<16xf32>,
        %swap3A_346 = arith.index_cast %rem3A_209 : i32 to index
        %swap3A_347 = arith.index_cast %rem3A_211 : i32 to index
        %swap3A_348 = arith.constant 160 : index
        %swap3A_349 = tpu.vector_load %arg11[%swap3A_346, %swap3A_347, %swap3A_348] {strides = array<i32>} : memref<2x64x384xf32, #tpu.memory_space<vmem>>, vector<16xf32>,
        tpu.vector_store %arg11[%swap3A_346, %swap3A_347, %swap3A_348], %gather3A_345 {strides = array<i32>} : memref<2x64x384xf32, #tpu.memory_space<vmem>>, vector<16xf32>,
        %add3A_350 = arith.constant 176 : i32
        %add3A_351 = vector.broadcast %add3A_350 : i32 to vector<16xi32>
        %add3A_352 = arith.addi %iota3A, %add3A_351 : vector<16xi32>
        %gather3A_353 = arith.constant 0 : i32
        %gather3A_354 = arith.constant 0 : i32
        %gather3A_355 = tpu.memref_slice %arg10[%rem3A_112, %gather3A_353, %gather3A_354] : memref<2x300x128xf32, #tpu.memory_space<vmem>> -> memref<1x300x128xf32, #tpu.memory_space<vmem>>
        %gather3A_356 = tpu.memref_squeeze %gather3A_355 : memref<1x300x128xf32, #tpu.memory_space<vmem>> -> memref<300x128xf32, #tpu.memory_space<vmem>>
        %gather3A_357 = tpu.vector_load_idx %gather3A_356[%add3A_352, %and3A_205] : memref<300x128xf32, #tpu.memory_space<vmem>>[vector<16xi32>, vector<16xi32>], vector<16xf32>,
        %swap3A_358 = arith.index_cast %rem3A_209 : i32 to index
        %swap3A_359 = arith.index_cast %rem3A_211 : i32 to index
        %swap3A_360 = arith.constant 176 : index
        %swap3A_361 = tpu.vector_load %arg11[%swap3A_358, %swap3A_359, %swap3A_360] {strides = array<i32>} : memref<2x64x384xf32, #tpu.memory_space<vmem>>, vector<16xf32>,
        tpu.vector_store %arg11[%swap3A_358, %swap3A_359, %swap3A_360], %gather3A_357 {strides = array<i32>} : memref<2x64x384xf32, #tpu.memory_space<vmem>>, vector<16xf32>,
        %add3A_362 = arith.constant 192 : i32
        %add3A_363 = vector.broadcast %add3A_362 : i32 to vector<16xi32>
        %add3A_364 = arith.addi %iota3A, %add3A_363 : vector<16xi32>
        %gather3A_365 = arith.constant 0 : i32
        %gather3A_366 = arith.constant 0 : i32
        %gather3A_367 = tpu.memref_slice %arg10[%rem3A_112, %gather3A_365, %gather3A_366] : memref<2x300x128xf32, #tpu.memory_space<vmem>> -> memref<1x300x128xf32, #tpu.memory_space<vmem>>
        %gather3A_368 = tpu.memref_squeeze %gather3A_367 : memref<1x300x128xf32, #tpu.memory_space<vmem>> -> memref<300x128xf32, #tpu.memory_space<vmem>>
        %gather3A_369 = tpu.vector_load_idx %gather3A_368[%add3A_364, %and3A_205] : memref<300x128xf32, #tpu.memory_space<vmem>>[vector<16xi32>, vector<16xi32>], vector<16xf32>,
        %swap3A_370 = arith.index_cast %rem3A_209 : i32 to index
        %swap3A_371 = arith.index_cast %rem3A_211 : i32 to index
        %swap3A_372 = arith.constant 192 : index
        %swap3A_373 = tpu.vector_load %arg11[%swap3A_370, %swap3A_371, %swap3A_372] {strides = array<i32>} : memref<2x64x384xf32, #tpu.memory_space<vmem>>, vector<16xf32>,
        tpu.vector_store %arg11[%swap3A_370, %swap3A_371, %swap3A_372], %gather3A_369 {strides = array<i32>} : memref<2x64x384xf32, #tpu.memory_space<vmem>>, vector<16xf32>,
        %add3A_374 = arith.constant 208 : i32
        %add3A_375 = vector.broadcast %add3A_374 : i32 to vector<16xi32>
        %add3A_376 = arith.addi %iota3A, %add3A_375 : vector<16xi32>
        %gather3A_377 = arith.constant 0 : i32
        %gather3A_378 = arith.constant 0 : i32
        %gather3A_379 = tpu.memref_slice %arg10[%rem3A_112, %gather3A_377, %gather3A_378] : memref<2x300x128xf32, #tpu.memory_space<vmem>> -> memref<1x300x128xf32, #tpu.memory_space<vmem>>
        %gather3A_380 = tpu.memref_squeeze %gather3A_379 : memref<1x300x128xf32, #tpu.memory_space<vmem>> -> memref<300x128xf32, #tpu.memory_space<vmem>>
        %gather3A_381 = tpu.vector_load_idx %gather3A_380[%add3A_376, %and3A_205] : memref<300x128xf32, #tpu.memory_space<vmem>>[vector<16xi32>, vector<16xi32>], vector<16xf32>,
        %swap3A_382 = arith.index_cast %rem3A_209 : i32 to index
        %swap3A_383 = arith.index_cast %rem3A_211 : i32 to index
        %swap3A_384 = arith.constant 208 : index
        %swap3A_385 = tpu.vector_load %arg11[%swap3A_382, %swap3A_383, %swap3A_384] {strides = array<i32>} : memref<2x64x384xf32, #tpu.memory_space<vmem>>, vector<16xf32>,
        tpu.vector_store %arg11[%swap3A_382, %swap3A_383, %swap3A_384], %gather3A_381 {strides = array<i32>} : memref<2x64x384xf32, #tpu.memory_space<vmem>>, vector<16xf32>,
        %add3A_386 = arith.constant 224 : i32
        %add3A_387 = vector.broadcast %add3A_386 : i32 to vector<16xi32>
        %add3A_388 = arith.addi %iota3A, %add3A_387 : vector<16xi32>
        %gather3A_389 = arith.constant 0 : i32
        %gather3A_390 = arith.constant 0 : i32
        %gather3A_391 = tpu.memref_slice %arg10[%rem3A_112, %gather3A_389, %gather3A_390] : memref<2x300x128xf32, #tpu.memory_space<vmem>> -> memref<1x300x128xf32, #tpu.memory_space<vmem>>
        %gather3A_392 = tpu.memref_squeeze %gather3A_391 : memref<1x300x128xf32, #tpu.memory_space<vmem>> -> memref<300x128xf32, #tpu.memory_space<vmem>>
        %gather3A_393 = tpu.vector_load_idx %gather3A_392[%add3A_388, %and3A_205] : memref<300x128xf32, #tpu.memory_space<vmem>>[vector<16xi32>, vector<16xi32>], vector<16xf32>,
        %swap3A_394 = arith.index_cast %rem3A_209 : i32 to index
        %swap3A_395 = arith.index_cast %rem3A_211 : i32 to index
        %swap3A_396 = arith.constant 224 : index
        %swap3A_397 = tpu.vector_load %arg11[%swap3A_394, %swap3A_395, %swap3A_396] {strides = array<i32>} : memref<2x64x384xf32, #tpu.memory_space<vmem>>, vector<16xf32>,
        tpu.vector_store %arg11[%swap3A_394, %swap3A_395, %swap3A_396], %gather3A_393 {strides = array<i32>} : memref<2x64x384xf32, #tpu.memory_space<vmem>>, vector<16xf32>,
        %add3A_398 = arith.constant 240 : i32
        %add3A_399 = vector.broadcast %add3A_398 : i32 to vector<16xi32>
        %add3A_400 = arith.addi %iota3A, %add3A_399 : vector<16xi32>
        %gather3A_401 = arith.constant 0 : i32
        %gather3A_402 = arith.constant 0 : i32
        %gather3A_403 = tpu.memref_slice %arg10[%rem3A_112, %gather3A_401, %gather3A_402] : memref<2x300x128xf32, #tpu.memory_space<vmem>> -> memref<1x300x128xf32, #tpu.memory_space<vmem>>
        %gather3A_404 = tpu.memref_squeeze %gather3A_403 : memref<1x300x128xf32, #tpu.memory_space<vmem>> -> memref<300x128xf32, #tpu.memory_space<vmem>>
        %gather3A_405 = tpu.vector_load_idx %gather3A_404[%add3A_400, %and3A_205] : memref<300x128xf32, #tpu.memory_space<vmem>>[vector<16xi32>, vector<16xi32>], vector<16xf32>,
        %swap3A_406 = arith.index_cast %rem3A_209 : i32 to index
        %swap3A_407 = arith.index_cast %rem3A_211 : i32 to index
        %swap3A_408 = arith.constant 240 : index
        %swap3A_409 = tpu.vector_load %arg11[%swap3A_406, %swap3A_407, %swap3A_408] {strides = array<i32>} : memref<2x64x384xf32, #tpu.memory_space<vmem>>, vector<16xf32>,
        tpu.vector_store %arg11[%swap3A_406, %swap3A_407, %swap3A_408], %gather3A_405 {strides = array<i32>} : memref<2x64x384xf32, #tpu.memory_space<vmem>>, vector<16xf32>,
        %add3A_410 = arith.constant 256 : i32
        %add3A_411 = vector.broadcast %add3A_410 : i32 to vector<16xi32>
        %add3A_412 = arith.addi %iota3A, %add3A_411 : vector<16xi32>
        %gather3A_413 = arith.constant 0 : i32
        %gather3A_414 = arith.constant 0 : i32
        %gather3A_415 = tpu.memref_slice %arg10[%rem3A_112, %gather3A_413, %gather3A_414] : memref<2x300x128xf32, #tpu.memory_space<vmem>> -> memref<1x300x128xf32, #tpu.memory_space<vmem>>
        %gather3A_416 = tpu.memref_squeeze %gather3A_415 : memref<1x300x128xf32, #tpu.memory_space<vmem>> -> memref<300x128xf32, #tpu.memory_space<vmem>>
        %gather3A_417 = tpu.vector_load_idx %gather3A_416[%add3A_412, %and3A_205] : memref<300x128xf32, #tpu.memory_space<vmem>>[vector<16xi32>, vector<16xi32>], vector<16xf32>,
        %swap3A_418 = arith.index_cast %rem3A_209 : i32 to index
        %swap3A_419 = arith.index_cast %rem3A_211 : i32 to index
        %swap3A_420 = arith.constant 256 : index
        %swap3A_421 = tpu.vector_load %arg11[%swap3A_418, %swap3A_419, %swap3A_420] {strides = array<i32>} : memref<2x64x384xf32, #tpu.memory_space<vmem>>, vector<16xf32>,
        tpu.vector_store %arg11[%swap3A_418, %swap3A_419, %swap3A_420], %gather3A_417 {strides = array<i32>} : memref<2x64x384xf32, #tpu.memory_space<vmem>>, vector<16xf32>,
        %add3A_422 = arith.constant 272 : i32
        %add3A_423 = vector.broadcast %add3A_422 : i32 to vector<16xi32>
        %add3A_424 = arith.addi %iota3A, %add3A_423 : vector<16xi32>
        %gather3A_425 = arith.constant 0 : i32
        %gather3A_426 = arith.constant 0 : i32
        %gather3A_427 = tpu.memref_slice %arg10[%rem3A_112, %gather3A_425, %gather3A_426] : memref<2x300x128xf32, #tpu.memory_space<vmem>> -> memref<1x300x128xf32, #tpu.memory_space<vmem>>
        %gather3A_428 = tpu.memref_squeeze %gather3A_427 : memref<1x300x128xf32, #tpu.memory_space<vmem>> -> memref<300x128xf32, #tpu.memory_space<vmem>>
        %gather3A_429 = tpu.vector_load_idx %gather3A_428[%add3A_424, %and3A_205] : memref<300x128xf32, #tpu.memory_space<vmem>>[vector<16xi32>, vector<16xi32>], vector<16xf32>,
        %swap3A_430 = arith.index_cast %rem3A_209 : i32 to index
        %swap3A_431 = arith.index_cast %rem3A_211 : i32 to index
        %swap3A_432 = arith.constant 272 : index
        %swap3A_433 = tpu.vector_load %arg11[%swap3A_430, %swap3A_431, %swap3A_432] {strides = array<i32>} : memref<2x64x384xf32, #tpu.memory_space<vmem>>, vector<16xf32>,
        tpu.vector_store %arg11[%swap3A_430, %swap3A_431, %swap3A_432], %gather3A_429 {strides = array<i32>} : memref<2x64x384xf32, #tpu.memory_space<vmem>>, vector<16xf32>,
        %add3A_434 = arith.constant 288 : i32
        %add3A_435 = vector.broadcast %add3A_434 : i32 to vector<16xi32>
        %add3A_436 = arith.addi %iota3A, %add3A_435 : vector<16xi32>
        %gather3A_437 = arith.constant 0 : i32
        %gather3A_438 = arith.constant 0 : i32
        %gather3A_439 = tpu.memref_slice %arg10[%rem3A_112, %gather3A_437, %gather3A_438] : memref<2x300x128xf32, #tpu.memory_space<vmem>> -> memref<1x300x128xf32, #tpu.memory_space<vmem>>
        %gather3A_440 = tpu.memref_squeeze %gather3A_439 : memref<1x300x128xf32, #tpu.memory_space<vmem>> -> memref<300x128xf32, #tpu.memory_space<vmem>>
        %gather3A_441 = tpu.vector_load_idx %gather3A_440[%add3A_436, %and3A_205] : memref<300x128xf32, #tpu.memory_space<vmem>>[vector<16xi32>, vector<16xi32>], vector<16xf32>,
        %swap3A_442 = arith.index_cast %rem3A_209 : i32 to index
        %swap3A_443 = arith.index_cast %rem3A_211 : i32 to index
        %swap3A_444 = arith.constant 288 : index
        %swap3A_445 = tpu.vector_load %arg11[%swap3A_442, %swap3A_443, %swap3A_444] {strides = array<i32>} : memref<2x64x384xf32, #tpu.memory_space<vmem>>, vector<16xf32>,
        tpu.vector_store %arg11[%swap3A_442, %swap3A_443, %swap3A_444], %gather3A_441 {strides = array<i32>} : memref<2x64x384xf32, #tpu.memory_space<vmem>>, vector<16xf32>,
        %eq3A_446 = arith.constant 63 : i32
        %eq3A_447 = arith.cmpi eq, %rem3A_211, %eq3A_446 : i32
        %convert_element_type3A_448 = arith.extui %eq3A_447 : i1 to i32
        %cond3A_449 = arith.constant 0 : i32
        %cond3A_450 = arith.cmpi ne, %convert_element_type3A_448, %cond3A_449 : i32
        scf.if %cond3A_450 {
          %div3A_452 = arith.constant 64 : i32
          %div3A_453 = arith.divsi %while3A_154, %div3A_452 : i32
          %rem3A_454 = arith.constant 2 : i32
          %rem3A_455 = arith.remsi %div3A_453, %rem3A_454 : i32
          %dma_start3A_456 = arith.constant 0 : i32
          %dma_start3A_457 = tpu.memref_slice %arg11[%rem3A_455, %dma_start3A_456, %while3A] : memref<2x64x384xf32, #tpu.memory_space<vmem>> -> memref<1x64x128xf32, #tpu.memory_space<vmem>>
          %dma_start3A_458 = tpu.memref_squeeze %dma_start3A_457 : memref<1x64x128xf32, #tpu.memory_space<vmem>> -> memref<64x128xf32, #tpu.memory_space<vmem>>
          %dma_start3A_459 = arith.constant 0 : i32
          %dma_start3A_460 = tpu.memref_slice %arg9[%div3A_453, %dma_start3A_459] : memref<8x64xi32, #tpu.memory_space<vmem>> -> memref<1x64xi32, #tpu.memory_space<vmem>>
          %dma_start3A_461 = tpu.memref_squeeze %dma_start3A_460 : memref<1x64xi32, #tpu.memory_space<vmem>> -> memref<64xi32, #tpu.memory_space<vmem>>
          %dma_start3A_462 = arith.constant 0 : i32
          %dma_start3A_463 = tpu.memref_slice %arg5[%dma_start3A_462, %while3A] : memref<16384x300xf32, #tpu.memory_space<hbm>> -> memref<16384x128xf32, #tpu.memory_space<hbm>>
          tpu.enqueue_indirect_dma source(%dma_start3A_458 : memref<64x128xf32, #tpu.memory_space<vmem>>) target(%dma_start3A_463 : memref<16384x128xf32, #tpu.memory_space<hbm>>) offsets(%dma_start3A_461 : memref<64xi32, #tpu.memory_space<vmem>>) semaphore(%arg13 : memref<!tpu.dma_semaphore, #tpu.memory_space<semaphore_mem>>)
          %dma_start3A_464 = arith.constant 0 : i32
          %dma_start3A_465 = tpu.memref_slice %arg11[%rem3A_455, %dma_start3A_464, %while3A_25] : memref<2x64x384xf32, #tpu.memory_space<vmem>> -> memref<1x64x128xf32, #tpu.memory_space<vmem>>
          %dma_start3A_466 = tpu.memref_squeeze %dma_start3A_465 : memref<1x64x128xf32, #tpu.memory_space<vmem>> -> memref<64x128xf32, #tpu.memory_space<vmem>>
          %dma_start3A_467 = arith.constant 0 : i32
          %dma_start3A_468 = tpu.memref_slice %arg9[%div3A_453, %dma_start3A_467] : memref<8x64xi32, #tpu.memory_space<vmem>> -> memref<1x64xi32, #tpu.memory_space<vmem>>
          %dma_start3A_469 = tpu.memref_squeeze %dma_start3A_468 : memref<1x64xi32, #tpu.memory_space<vmem>> -> memref<64xi32, #tpu.memory_space<vmem>>
          %dma_start3A_470 = arith.constant 0 : i32
          %dma_start3A_471 = tpu.memref_slice %arg5[%dma_start3A_470, %while3A_25] : memref<16384x300xf32, #tpu.memory_space<hbm>> -> memref<16384x128xf32, #tpu.memory_space<hbm>>
          tpu.enqueue_indirect_dma source(%dma_start3A_466 : memref<64x128xf32, #tpu.memory_space<vmem>>) target(%dma_start3A_471 : memref<16384x128xf32, #tpu.memory_space<hbm>>) offsets(%dma_start3A_469 : memref<64xi32, #tpu.memory_space<vmem>>) semaphore(%arg13 : memref<!tpu.dma_semaphore, #tpu.memory_space<semaphore_mem>>)
          %dma_start3A_472 = arith.constant 0 : i32
          %dma_start3A_473 = tpu.memref_slice %arg11[%rem3A_455, %dma_start3A_472, %while3A_26] : memref<2x64x384xf32, #tpu.memory_space<vmem>> -> memref<1x64x128xf32, #tpu.memory_space<vmem>>
          %dma_start3A_474 = tpu.memref_squeeze %dma_start3A_473 : memref<1x64x128xf32, #tpu.memory_space<vmem>> -> memref<64x128xf32, #tpu.memory_space<vmem>>
          %dma_start3A_475 = arith.constant 0 : i32
          %dma_start3A_476 = tpu.memref_slice %arg9[%div3A_453, %dma_start3A_475] : memref<8x64xi32, #tpu.memory_space<vmem>> -> memref<1x64xi32, #tpu.memory_space<vmem>>
          %dma_start3A_477 = tpu.memref_squeeze %dma_start3A_476 : memref<1x64xi32, #tpu.memory_space<vmem>> -> memref<64xi32, #tpu.memory_space<vmem>>
          %dma_start3A_478 = arith.constant 0 : i32
          %dma_start3A_479 = tpu.memref_slice %arg5[%dma_start3A_478, %while3A_26] : memref<16384x300xf32, #tpu.memory_space<hbm>> -> memref<16384x128xf32, #tpu.memory_space<hbm>>
          tpu.enqueue_indirect_dma source(%dma_start3A_474 : memref<64x128xf32, #tpu.memory_space<vmem>>) target(%dma_start3A_479 : memref<16384x128xf32, #tpu.memory_space<hbm>>) offsets(%dma_start3A_477 : memref<64xi32, #tpu.memory_space<vmem>>) semaphore(%arg13 : memref<!tpu.dma_semaphore, #tpu.memory_space<semaphore_mem>>)
        } else {
        }
        %while3A_451 = arith.constant 0 : i32
        scf.yield %while3A_451 : i32
      }
      %while3A_151 = arith.constant 1 : i32
      %while3A_152 = scf.for %while3A_154 = %while3A_148 to %while3A_144 step %while3A_151 iter_args(%while3A_155 = %while3A_150) -> (i32)  : i32 {
        %jit3A_156 = arith.constant 16 : i32
        %div3A = arith.divsi %while3A_154, %jit3A_156 : i32
        %sign3A = arith.constant 0 : i32
        %sign3A_157 = arith.cmpi sgt, %while3A_154, %sign3A : i32
        %sign3A_158 = arith.extui %sign3A_157 : i1 to i32
        %sign3A_159 = arith.constant 0 : i32
        %sign3A_160 = arith.cmpi slt, %while3A_154, %sign3A_159 : i32
        %sign3A_161 = arith.extui %sign3A_160 : i1 to i32
        %sign3A_162 = arith.subi %sign3A_158, %sign3A_161 : i32
        %sign3A_163 = arith.constant 0 : i32
        %sign3A_164 = arith.cmpi sgt, %jit3A_156, %sign3A_163 : i32
        %sign3A_165 = arith.extui %sign3A_164 : i1 to i32
        %sign3A_166 = arith.constant 0 : i32
        %sign3A_167 = arith.cmpi slt, %jit3A_156, %sign3A_166 : i32
        %sign3A_168 = arith.extui %sign3A_167 : i1 to i32
        %sign3A_169 = arith.subi %sign3A_165, %sign3A_168 : i32
        %ne3A = arith.cmpi ne, %sign3A_162, %sign3A_169 : i32
        %rem3A_170 = arith.remsi %while3A_154, %jit3A_156 : i32
        %ne3A_171 = arith.constant 0 : i32
        %ne3A_172 = arith.cmpi ne, %rem3A_170, %ne3A_171 : i32
        %and3A = arith.andi %ne3A, %ne3A_172 : i1
        %sub3A = arith.constant 1 : i32
        %sub3A_173 = arith.subi %div3A, %sub3A : i32
        %select_n3A_174 = arith.select %and3A, %sub3A_173, %div3A : i32
        %mul3A_175 = arith.constant 16 : i32
        %mul3A_176 = arith.muli %select_n3A_174, %mul3A_175 : i32
        %get3A_177 = arith.index_cast %mul3A_176 : i32 to index
        %get3A_178 = tpu.vector_load %arg6[%get3A_177] {strides = array<i32>} : memref<512xi32, #tpu.memory_space<vmem>>, vector<16xi32>,
        %jit3A_179 = arith.constant 16 : i32
        %eq3A = arith.constant 0 : i32
        %eq3A_180 = arith.cmpi eq, %jit3A_179, %eq3A : i32
        %jit3A_181 = arith.constant 1 : i32
        %select_n3A_182 = arith.select %eq3A_180, %jit3A_181, %jit3A_179 : i32
        %rem3A_183 = arith.remsi %while3A_154, %select_n3A_182 : i32
        %ne3A_184 = arith.constant 0 : i32
        %ne3A_185 = arith.cmpi ne, %rem3A_183, %ne3A_184 : i32
        %lt3A_186 = arith.constant 0 : i32
        %lt3A_187 = arith.cmpi slt, %rem3A_183, %lt3A_186 : i32
        %lt3A_188 = arith.constant 0 : i32
        %lt3A_189 = arith.cmpi slt, %select_n3A_182, %lt3A_188 : i32
        %ne3A_190 = arith.xori %lt3A_187, %lt3A_189 : i1
        %and3A_191 = arith.andi %ne3A_190, %ne3A_185 : i1
        %add3A_192 = arith.addi %rem3A_183, %select_n3A_182 : i32
        %select_n3A_193 = arith.select %and3A_191, %add3A_192, %rem3A_183 : i32
        %broadcast_in_dim3A = vector.broadcast %select_n3A_193 : i32 to vector<16xi32>
        %lt3A_194 = arith.constant 0 : i32
        %lt3A_195 = vector.broadcast %lt3A_194 : i32 to vector<16xi32>
        %lt3A_196 = arith.cmpi slt, %broadcast_in_dim3A, %lt3A_195 : vector<16xi32>
        %add3A_197 = arith.constant 16 : i32
        %add3A_198 = vector.broadcast %add3A_197 : i32 to vector<16xi32>
        %add3A_199 = arith.addi %broadcast_in_dim3A, %add3A_198 : vector<16xi32>
        %select_n3A_200 = arith.select %lt3A_196, %add3A_199, %broadcast_in_dim3A : vector<16xi1>, vector<16xi32>
        %broadcast_in_dim3A_201 = vector.shape_cast %select_n3A_200 : vector<16xi32> to vector<16x1xi32>
        %gather3A = vector.shape_cast %broadcast_in_dim3A_201 : vector<16x1xi32> to vector<16xi32>
        %gather3A_202 = tpu.dynamic_gather %get3A_178[%gather3A] in [0] : vector<16xi32>, vector<16xi32> -> vector<16xi32>
        %and3A_203 = arith.constant 127 : i32
        %and3A_204 = vector.broadcast %and3A_203 : i32 to vector<16xi32>
        %and3A_205 = arith.andi %gather3A_202, %and3A_204 : vector<16xi32>
        %div3A_206 = arith.constant 64 : i32
        %div3A_207 = arith.divsi %while3A_154, %div3A_206 : i32
        %rem3A_208 = arith.constant 2 : i32
        %rem3A_209 = arith.remsi %div3A_207, %rem3A_208 : i32
        %rem3A_210 = arith.constant 64 : i32
        %rem3A_211 = arith.remsi %while3A_154, %rem3A_210 : i32
        %eq3A_212 = arith.constant 0 : i32
        %eq3A_213 = arith.cmpi eq, %rem3A_211, %eq3A_212 : i32
        %ge3A = arith.constant 128 : i32
        %ge3A_214 = arith.cmpi sge, %while3A_154, %ge3A : i32
        %and3A_215 = arith.andi %eq3A_213, %ge3A_214 : i1
        %convert_element_type3A_216 = arith.extui %and3A_215 : i1 to i32
        %cond3A_217 = arith.constant 0 : i32
        %cond3A_218 = arith.cmpi ne, %convert_element_type3A_216, %cond3A_217 : i32
        scf.if %cond3A_218 {
          %div3A_452 = arith.constant 64 : i32
          %div3A_453 = arith.divsi %while3A_154, %div3A_452 : i32
          %sub3A_454 = arith.constant 2 : i32
          %sub3A_455 = arith.subi %div3A_453, %sub3A_454 : i32
          %rem3A_456 = arith.constant 2 : i32
          %rem3A_457 = arith.remsi %sub3A_455, %rem3A_456 : i32
          %dma_wait3A_458 = arith.constant 0 : i32
          %dma_wait3A_459 = tpu.memref_slice %arg11[%rem3A_457, %dma_wait3A_458, %while3A] : memref<2x64x384xf32, #tpu.memory_space<vmem>> -> memref<1x64x128xf32, #tpu.memory_space<vmem>>
          %dma_wait3A_460 = tpu.memref_squeeze %dma_wait3A_459 : memref<1x64x128xf32, #tpu.memory_space<vmem>> -> memref<64x128xf32, #tpu.memory_space<vmem>>
          %dma_wait3A_461 = arith.constant 0 : i32
          %dma_wait3A_462 = tpu.memref_slice %arg9[%sub3A_455, %dma_wait3A_461] : memref<8x64xi32, #tpu.memory_space<vmem>> -> memref<1x64xi32, #tpu.memory_space<vmem>>
          %dma_wait3A_463 = tpu.memref_squeeze %dma_wait3A_462 : memref<1x64xi32, #tpu.memory_space<vmem>> -> memref<64xi32, #tpu.memory_space<vmem>>
          %dma_wait3A_464 = arith.constant 0 : i32
          %dma_wait3A_465 = tpu.memref_slice %arg5[%dma_wait3A_464, %while3A] : memref<16384x300xf32, #tpu.memory_space<hbm>> -> memref<16384x128xf32, #tpu.memory_space<hbm>>
          tpu.wait_indirect_dma semaphore(%arg13 : memref<!tpu.dma_semaphore, #tpu.memory_space<semaphore_mem>>) src(%dma_wait3A_460 : memref<64x128xf32, #tpu.memory_space<vmem>>) dst(%dma_wait3A_465 : memref<16384x128xf32, #tpu.memory_space<hbm>>)
          %dma_wait3A_466 = arith.constant 0 : i32
          %dma_wait3A_467 = tpu.memref_slice %arg11[%rem3A_457, %dma_wait3A_466, %while3A_25] : memref<2x64x384xf32, #tpu.memory_space<vmem>> -> memref<1x64x128xf32, #tpu.memory_space<vmem>>
          %dma_wait3A_468 = tpu.memref_squeeze %dma_wait3A_467 : memref<1x64x128xf32, #tpu.memory_space<vmem>> -> memref<64x128xf32, #tpu.memory_space<vmem>>
          %dma_wait3A_469 = arith.constant 0 : i32
          %dma_wait3A_470 = tpu.memref_slice %arg9[%sub3A_455, %dma_wait3A_469] : memref<8x64xi32, #tpu.memory_space<vmem>> -> memref<1x64xi32, #tpu.memory_space<vmem>>
          %dma_wait3A_471 = tpu.memref_squeeze %dma_wait3A_470 : memref<1x64xi32, #tpu.memory_space<vmem>> -> memref<64xi32, #tpu.memory_space<vmem>>
          %dma_wait3A_472 = arith.constant 0 : i32
          %dma_wait3A_473 = tpu.memref_slice %arg5[%dma_wait3A_472, %while3A_25] : memref<16384x300xf32, #tpu.memory_space<hbm>> -> memref<16384x128xf32, #tpu.memory_space<hbm>>
          tpu.wait_indirect_dma semaphore(%arg13 : memref<!tpu.dma_semaphore, #tpu.memory_space<semaphore_mem>>) src(%dma_wait3A_468 : memref<64x128xf32, #tpu.memory_space<vmem>>) dst(%dma_wait3A_473 : memref<16384x128xf32, #tpu.memory_space<hbm>>)
          %dma_wait3A_474 = arith.constant 0 : i32
          %dma_wait3A_475 = tpu.memref_slice %arg11[%rem3A_457, %dma_wait3A_474, %while3A_26] : memref<2x64x384xf32, #tpu.memory_space<vmem>> -> memref<1x64x128xf32, #tpu.memory_space<vmem>>
          %dma_wait3A_476 = tpu.memref_squeeze %dma_wait3A_475 : memref<1x64x128xf32, #tpu.memory_space<vmem>> -> memref<64x128xf32, #tpu.memory_space<vmem>>
          %dma_wait3A_477 = arith.constant 0 : i32
          %dma_wait3A_478 = tpu.memref_slice %arg9[%sub3A_455, %dma_wait3A_477] : memref<8x64xi32, #tpu.memory_space<vmem>> -> memref<1x64xi32, #tpu.memory_space<vmem>>
          %dma_wait3A_479 = tpu.memref_squeeze %dma_wait3A_478 : memref<1x64xi32, #tpu.memory_space<vmem>> -> memref<64xi32, #tpu.memory_space<vmem>>
          %dma_wait3A_480 = arith.constant 0 : i32
          %dma_wait3A_481 = tpu.memref_slice %arg5[%dma_wait3A_480, %while3A_26] : memref<16384x300xf32, #tpu.memory_space<hbm>> -> memref<16384x128xf32, #tpu.memory_space<hbm>>
          tpu.wait_indirect_dma semaphore(%arg13 : memref<!tpu.dma_semaphore, #tpu.memory_space<semaphore_mem>>) src(%dma_wait3A_476 : memref<64x128xf32, #tpu.memory_space<vmem>>) dst(%dma_wait3A_481 : memref<16384x128xf32, #tpu.memory_space<hbm>>)
        } else {
        }
        %add3A_219 = arith.constant 0 : i32
        %add3A_220 = vector.broadcast %add3A_219 : i32 to vector<16xi32>
        %add3A_221 = arith.addi %iota3A, %add3A_220 : vector<16xi32>
        %gather3A_222 = arith.constant 0 : i32
        %gather3A_223 = arith.constant 0 : i32
        %gather3A_224 = tpu.memref_slice %arg10[%rem3A_112, %gather3A_222, %gather3A_223] : memref<2x300x128xf32, #tpu.memory_space<vmem>> -> memref<1x300x128xf32, #tpu.memory_space<vmem>>
        %gather3A_225 = tpu.memref_squeeze %gather3A_224 : memref<1x300x128xf32, #tpu.memory_space<vmem>> -> memref<300x128xf32, #tpu.memory_space<vmem>>
        %gather3A_226 = tpu.vector_load_idx %gather3A_225[%add3A_221, %and3A_205] : memref<300x128xf32, #tpu.memory_space<vmem>>[vector<16xi32>, vector<16xi32>], vector<16xf32>,
        %swap3A = arith.index_cast %rem3A_209 : i32 to index
        %swap3A_227 = arith.index_cast %rem3A_211 : i32 to index
        %swap3A_228 = arith.constant 0 : index
        %swap3A_229 = tpu.vector_load %arg11[%swap3A, %swap3A_227, %swap3A_228] {strides = array<i32>} : memref<2x64x384xf32, #tpu.memory_space<vmem>>, vector<16xf32>,
        tpu.vector_store %arg11[%swap3A, %swap3A_227, %swap3A_228], %gather3A_226 {strides = array<i32>} : memref<2x64x384xf32, #tpu.memory_space<vmem>>, vector<16xf32>,
        %add3A_230 = arith.constant 16 : i32
        %add3A_231 = vector.broadcast %add3A_230 : i32 to vector<16xi32>
        %add3A_232 = arith.addi %iota3A, %add3A_231 : vector<16xi32>
        %gather3A_233 = arith.constant 0 : i32
        %gather3A_234 = arith.constant 0 : i32
        %gather3A_235 = tpu.memref_slice %arg10[%rem3A_112, %gather3A_233, %gather3A_234] : memref<2x300x128xf32, #tpu.memory_space<vmem>> -> memref<1x300x128xf32, #tpu.memory_space<vmem>>
        %gather3A_236 = tpu.memref_squeeze %gather3A_235 : memref<1x300x128xf32, #tpu.memory_space<vmem>> -> memref<300x128xf32, #tpu.memory_space<vmem>>
        %gather3A_237 = tpu.vector_load_idx %gather3A_236[%add3A_232, %and3A_205] : memref<300x128xf32, #tpu.memory_space<vmem>>[vector<16xi32>, vector<16xi32>], vector<16xf32>,
        %swap3A_238 = arith.index_cast %rem3A_209 : i32 to index
        %swap3A_239 = arith.index_cast %rem3A_211 : i32 to index
        %swap3A_240 = arith.constant 16 : index
        %swap3A_241 = tpu.vector_load %arg11[%swap3A_238, %swap3A_239, %swap3A_240] {strides = array<i32>} : memref<2x64x384xf32, #tpu.memory_space<vmem>>, vector<16xf32>,
        tpu.vector_store %arg11[%swap3A_238, %swap3A_239, %swap3A_240], %gather3A_237 {strides = array<i32>} : memref<2x64x384xf32, #tpu.memory_space<vmem>>, vector<16xf32>,
        %add3A_242 = arith.constant 32 : i32
        %add3A_243 = vector.broadcast %add3A_242 : i32 to vector<16xi32>
        %add3A_244 = arith.addi %iota3A, %add3A_243 : vector<16xi32>
        %gather3A_245 = arith.constant 0 : i32
        %gather3A_246 = arith.constant 0 : i32
        %gather3A_247 = tpu.memref_slice %arg10[%rem3A_112, %gather3A_245, %gather3A_246] : memref<2x300x128xf32, #tpu.memory_space<vmem>> -> memref<1x300x128xf32, #tpu.memory_space<vmem>>
        %gather3A_248 = tpu.memref_squeeze %gather3A_247 : memref<1x300x128xf32, #tpu.memory_space<vmem>> -> memref<300x128xf32, #tpu.memory_space<vmem>>
        %gather3A_249 = tpu.vector_load_idx %gather3A_248[%add3A_244, %and3A_205] : memref<300x128xf32, #tpu.memory_space<vmem>>[vector<16xi32>, vector<16xi32>], vector<16xf32>,
        %swap3A_250 = arith.index_cast %rem3A_209 : i32 to index
        %swap3A_251 = arith.index_cast %rem3A_211 : i32 to index
        %swap3A_252 = arith.constant 32 : index
        %swap3A_253 = tpu.vector_load %arg11[%swap3A_250, %swap3A_251, %swap3A_252] {strides = array<i32>} : memref<2x64x384xf32, #tpu.memory_space<vmem>>, vector<16xf32>,
        tpu.vector_store %arg11[%swap3A_250, %swap3A_251, %swap3A_252], %gather3A_249 {strides = array<i32>} : memref<2x64x384xf32, #tpu.memory_space<vmem>>, vector<16xf32>,
        %add3A_254 = arith.constant 48 : i32
        %add3A_255 = vector.broadcast %add3A_254 : i32 to vector<16xi32>
        %add3A_256 = arith.addi %iota3A, %add3A_255 : vector<16xi32>
        %gather3A_257 = arith.constant 0 : i32
        %gather3A_258 = arith.constant 0 : i32
        %gather3A_259 = tpu.memref_slice %arg10[%rem3A_112, %gather3A_257, %gather3A_258] : memref<2x300x128xf32, #tpu.memory_space<vmem>> -> memref<1x300x128xf32, #tpu.memory_space<vmem>>
        %gather3A_260 = tpu.memref_squeeze %gather3A_259 : memref<1x300x128xf32, #tpu.memory_space<vmem>> -> memref<300x128xf32, #tpu.memory_space<vmem>>
        %gather3A_261 = tpu.vector_load_idx %gather3A_260[%add3A_256, %and3A_205] : memref<300x128xf32, #tpu.memory_space<vmem>>[vector<16xi32>, vector<16xi32>], vector<16xf32>,
        %swap3A_262 = arith.index_cast %rem3A_209 : i32 to index
        %swap3A_263 = arith.index_cast %rem3A_211 : i32 to index
        %swap3A_264 = arith.constant 48 : index
        %swap3A_265 = tpu.vector_load %arg11[%swap3A_262, %swap3A_263, %swap3A_264] {strides = array<i32>} : memref<2x64x384xf32, #tpu.memory_space<vmem>>, vector<16xf32>,
        tpu.vector_store %arg11[%swap3A_262, %swap3A_263, %swap3A_264], %gather3A_261 {strides = array<i32>} : memref<2x64x384xf32, #tpu.memory_space<vmem>>, vector<16xf32>,
        %add3A_266 = arith.constant 64 : i32
        %add3A_267 = vector.broadcast %add3A_266 : i32 to vector<16xi32>
        %add3A_268 = arith.addi %iota3A, %add3A_267 : vector<16xi32>
        %gather3A_269 = arith.constant 0 : i32
        %gather3A_270 = arith.constant 0 : i32
        %gather3A_271 = tpu.memref_slice %arg10[%rem3A_112, %gather3A_269, %gather3A_270] : memref<2x300x128xf32, #tpu.memory_space<vmem>> -> memref<1x300x128xf32, #tpu.memory_space<vmem>>
        %gather3A_272 = tpu.memref_squeeze %gather3A_271 : memref<1x300x128xf32, #tpu.memory_space<vmem>> -> memref<300x128xf32, #tpu.memory_space<vmem>>
        %gather3A_273 = tpu.vector_load_idx %gather3A_272[%add3A_268, %and3A_205] : memref<300x128xf32, #tpu.memory_space<vmem>>[vector<16xi32>, vector<16xi32>], vector<16xf32>,
        %swap3A_274 = arith.index_cast %rem3A_209 : i32 to index
        %swap3A_275 = arith.index_cast %rem3A_211 : i32 to index
        %swap3A_276 = arith.constant 64 : index
        %swap3A_277 = tpu.vector_load %arg11[%swap3A_274, %swap3A_275, %swap3A_276] {strides = array<i32>} : memref<2x64x384xf32, #tpu.memory_space<vmem>>, vector<16xf32>,
        tpu.vector_store %arg11[%swap3A_274, %swap3A_275, %swap3A_276], %gather3A_273 {strides = array<i32>} : memref<2x64x384xf32, #tpu.memory_space<vmem>>, vector<16xf32>,
        %add3A_278 = arith.constant 80 : i32
        %add3A_279 = vector.broadcast %add3A_278 : i32 to vector<16xi32>
        %add3A_280 = arith.addi %iota3A, %add3A_279 : vector<16xi32>
        %gather3A_281 = arith.constant 0 : i32
        %gather3A_282 = arith.constant 0 : i32
        %gather3A_283 = tpu.memref_slice %arg10[%rem3A_112, %gather3A_281, %gather3A_282] : memref<2x300x128xf32, #tpu.memory_space<vmem>> -> memref<1x300x128xf32, #tpu.memory_space<vmem>>
        %gather3A_284 = tpu.memref_squeeze %gather3A_283 : memref<1x300x128xf32, #tpu.memory_space<vmem>> -> memref<300x128xf32, #tpu.memory_space<vmem>>
        %gather3A_285 = tpu.vector_load_idx %gather3A_284[%add3A_280, %and3A_205] : memref<300x128xf32, #tpu.memory_space<vmem>>[vector<16xi32>, vector<16xi32>], vector<16xf32>,
        %swap3A_286 = arith.index_cast %rem3A_209 : i32 to index
        %swap3A_287 = arith.index_cast %rem3A_211 : i32 to index
        %swap3A_288 = arith.constant 80 : index
        %swap3A_289 = tpu.vector_load %arg11[%swap3A_286, %swap3A_287, %swap3A_288] {strides = array<i32>} : memref<2x64x384xf32, #tpu.memory_space<vmem>>, vector<16xf32>,
        tpu.vector_store %arg11[%swap3A_286, %swap3A_287, %swap3A_288], %gather3A_285 {strides = array<i32>} : memref<2x64x384xf32, #tpu.memory_space<vmem>>, vector<16xf32>,
        %add3A_290 = arith.constant 96 : i32
        %add3A_291 = vector.broadcast %add3A_290 : i32 to vector<16xi32>
        %add3A_292 = arith.addi %iota3A, %add3A_291 : vector<16xi32>
        %gather3A_293 = arith.constant 0 : i32
        %gather3A_294 = arith.constant 0 : i32
        %gather3A_295 = tpu.memref_slice %arg10[%rem3A_112, %gather3A_293, %gather3A_294] : memref<2x300x128xf32, #tpu.memory_space<vmem>> -> memref<1x300x128xf32, #tpu.memory_space<vmem>>
        %gather3A_296 = tpu.memref_squeeze %gather3A_295 : memref<1x300x128xf32, #tpu.memory_space<vmem>> -> memref<300x128xf32, #tpu.memory_space<vmem>>
        %gather3A_297 = tpu.vector_load_idx %gather3A_296[%add3A_292, %and3A_205] : memref<300x128xf32, #tpu.memory_space<vmem>>[vector<16xi32>, vector<16xi32>], vector<16xf32>,
        %swap3A_298 = arith.index_cast %rem3A_209 : i32 to index
        %swap3A_299 = arith.index_cast %rem3A_211 : i32 to index
        %swap3A_300 = arith.constant 96 : index
        %swap3A_301 = tpu.vector_load %arg11[%swap3A_298, %swap3A_299, %swap3A_300] {strides = array<i32>} : memref<2x64x384xf32, #tpu.memory_space<vmem>>, vector<16xf32>,
        tpu.vector_store %arg11[%swap3A_298, %swap3A_299, %swap3A_300], %gather3A_297 {strides = array<i32>} : memref<2x64x384xf32, #tpu.memory_space<vmem>>, vector<16xf32>,
        %add3A_302 = arith.constant 112 : i32
        %add3A_303 = vector.broadcast %add3A_302 : i32 to vector<16xi32>
        %add3A_304 = arith.addi %iota3A, %add3A_303 : vector<16xi32>
        %gather3A_305 = arith.constant 0 : i32
        %gather3A_306 = arith.constant 0 : i32
        %gather3A_307 = tpu.memref_slice %arg10[%rem3A_112, %gather3A_305, %gather3A_306] : memref<2x300x128xf32, #tpu.memory_space<vmem>> -> memref<1x300x128xf32, #tpu.memory_space<vmem>>
        %gather3A_308 = tpu.memref_squeeze %gather3A_307 : memref<1x300x128xf32, #tpu.memory_space<vmem>> -> memref<300x128xf32, #tpu.memory_space<vmem>>
        %gather3A_309 = tpu.vector_load_idx %gather3A_308[%add3A_304, %and3A_205] : memref<300x128xf32, #tpu.memory_space<vmem>>[vector<16xi32>, vector<16xi32>], vector<16xf32>,
        %swap3A_310 = arith.index_cast %rem3A_209 : i32 to index
        %swap3A_311 = arith.index_cast %rem3A_211 : i32 to index
        %swap3A_312 = arith.constant 112 : index
        %swap3A_313 = tpu.vector_load %arg11[%swap3A_310, %swap3A_311, %swap3A_312] {strides = array<i32>} : memref<2x64x384xf32, #tpu.memory_space<vmem>>, vector<16xf32>,
        tpu.vector_store %arg11[%swap3A_310, %swap3A_311, %swap3A_312], %gather3A_309 {strides = array<i32>} : memref<2x64x384xf32, #tpu.memory_space<vmem>>, vector<16xf32>,
        %add3A_314 = arith.constant 128 : i32
        %add3A_315 = vector.broadcast %add3A_314 : i32 to vector<16xi32>
        %add3A_316 = arith.addi %iota3A, %add3A_315 : vector<16xi32>
        %gather3A_317 = arith.constant 0 : i32
        %gather3A_318 = arith.constant 0 : i32
        %gather3A_319 = tpu.memref_slice %arg10[%rem3A_112, %gather3A_317, %gather3A_318] : memref<2x300x128xf32, #tpu.memory_space<vmem>> -> memref<1x300x128xf32, #tpu.memory_space<vmem>>
        %gather3A_320 = tpu.memref_squeeze %gather3A_319 : memref<1x300x128xf32, #tpu.memory_space<vmem>> -> memref<300x128xf32, #tpu.memory_space<vmem>>
        %gather3A_321 = tpu.vector_load_idx %gather3A_320[%add3A_316, %and3A_205] : memref<300x128xf32, #tpu.memory_space<vmem>>[vector<16xi32>, vector<16xi32>], vector<16xf32>,
        %swap3A_322 = arith.index_cast %rem3A_209 : i32 to index
        %swap3A_323 = arith.index_cast %rem3A_211 : i32 to index
        %swap3A_324 = arith.constant 128 : index
        %swap3A_325 = tpu.vector_load %arg11[%swap3A_322, %swap3A_323, %swap3A_324] {strides = array<i32>} : memref<2x64x384xf32, #tpu.memory_space<vmem>>, vector<16xf32>,
        tpu.vector_store %arg11[%swap3A_322, %swap3A_323, %swap3A_324], %gather3A_321 {strides = array<i32>} : memref<2x64x384xf32, #tpu.memory_space<vmem>>, vector<16xf32>,
        %add3A_326 = arith.constant 144 : i32
        %add3A_327 = vector.broadcast %add3A_326 : i32 to vector<16xi32>
        %add3A_328 = arith.addi %iota3A, %add3A_327 : vector<16xi32>
        %gather3A_329 = arith.constant 0 : i32
        %gather3A_330 = arith.constant 0 : i32
        %gather3A_331 = tpu.memref_slice %arg10[%rem3A_112, %gather3A_329, %gather3A_330] : memref<2x300x128xf32, #tpu.memory_space<vmem>> -> memref<1x300x128xf32, #tpu.memory_space<vmem>>
        %gather3A_332 = tpu.memref_squeeze %gather3A_331 : memref<1x300x128xf32, #tpu.memory_space<vmem>> -> memref<300x128xf32, #tpu.memory_space<vmem>>
        %gather3A_333 = tpu.vector_load_idx %gather3A_332[%add3A_328, %and3A_205] : memref<300x128xf32, #tpu.memory_space<vmem>>[vector<16xi32>, vector<16xi32>], vector<16xf32>,
        %swap3A_334 = arith.index_cast %rem3A_209 : i32 to index
        %swap3A_335 = arith.index_cast %rem3A_211 : i32 to index
        %swap3A_336 = arith.constant 144 : index
        %swap3A_337 = tpu.vector_load %arg11[%swap3A_334, %swap3A_335, %swap3A_336] {strides = array<i32>} : memref<2x64x384xf32, #tpu.memory_space<vmem>>, vector<16xf32>,
        tpu.vector_store %arg11[%swap3A_334, %swap3A_335, %swap3A_336], %gather3A_333 {strides = array<i32>} : memref<2x64x384xf32, #tpu.memory_space<vmem>>, vector<16xf32>,
        %add3A_338 = arith.constant 160 : i32
        %add3A_339 = vector.broadcast %add3A_338 : i32 to vector<16xi32>
        %add3A_340 = arith.addi %iota3A, %add3A_339 : vector<16xi32>
        %gather3A_341 = arith.constant 0 : i32
        %gather3A_342 = arith.constant 0 : i32
        %gather3A_343 = tpu.memref_slice %arg10[%rem3A_112, %gather3A_341, %gather3A_342] : memref<2x300x128xf32, #tpu.memory_space<vmem>> -> memref<1x300x128xf32, #tpu.memory_space<vmem>>
        %gather3A_344 = tpu.memref_squeeze %gather3A_343 : memref<1x300x128xf32, #tpu.memory_space<vmem>> -> memref<300x128xf32, #tpu.memory_space<vmem>>
        %gather3A_345 = tpu.vector_load_idx %gather3A_344[%add3A_340, %and3A_205] : memref<300x128xf32, #tpu.memory_space<vmem>>[vector<16xi32>, vector<16xi32>], vector<16xf32>,
        %swap3A_346 = arith.index_cast %rem3A_209 : i32 to index
        %swap3A_347 = arith.index_cast %rem3A_211 : i32 to index
        %swap3A_348 = arith.constant 160 : index
        %swap3A_349 = tpu.vector_load %arg11[%swap3A_346, %swap3A_347, %swap3A_348] {strides = array<i32>} : memref<2x64x384xf32, #tpu.memory_space<vmem>>, vector<16xf32>,
        tpu.vector_store %arg11[%swap3A_346, %swap3A_347, %swap3A_348], %gather3A_345 {strides = array<i32>} : memref<2x64x384xf32, #tpu.memory_space<vmem>>, vector<16xf32>,
        %add3A_350 = arith.constant 176 : i32
        %add3A_351 = vector.broadcast %add3A_350 : i32 to vector<16xi32>
        %add3A_352 = arith.addi %iota3A, %add3A_351 : vector<16xi32>
        %gather3A_353 = arith.constant 0 : i32
        %gather3A_354 = arith.constant 0 : i32
        %gather3A_355 = tpu.memref_slice %arg10[%rem3A_112, %gather3A_353, %gather3A_354] : memref<2x300x128xf32, #tpu.memory_space<vmem>> -> memref<1x300x128xf32, #tpu.memory_space<vmem>>
        %gather3A_356 = tpu.memref_squeeze %gather3A_355 : memref<1x300x128xf32, #tpu.memory_space<vmem>> -> memref<300x128xf32, #tpu.memory_space<vmem>>
        %gather3A_357 = tpu.vector_load_idx %gather3A_356[%add3A_352, %and3A_205] : memref<300x128xf32, #tpu.memory_space<vmem>>[vector<16xi32>, vector<16xi32>], vector<16xf32>,
        %swap3A_358 = arith.index_cast %rem3A_209 : i32 to index
        %swap3A_359 = arith.index_cast %rem3A_211 : i32 to index
        %swap3A_360 = arith.constant 176 : index
        %swap3A_361 = tpu.vector_load %arg11[%swap3A_358, %swap3A_359, %swap3A_360] {strides = array<i32>} : memref<2x64x384xf32, #tpu.memory_space<vmem>>, vector<16xf32>,
        tpu.vector_store %arg11[%swap3A_358, %swap3A_359, %swap3A_360], %gather3A_357 {strides = array<i32>} : memref<2x64x384xf32, #tpu.memory_space<vmem>>, vector<16xf32>,
        %add3A_362 = arith.constant 192 : i32
        %add3A_363 = vector.broadcast %add3A_362 : i32 to vector<16xi32>
        %add3A_364 = arith.addi %iota3A, %add3A_363 : vector<16xi32>
        %gather3A_365 = arith.constant 0 : i32
        %gather3A_366 = arith.constant 0 : i32
        %gather3A_367 = tpu.memref_slice %arg10[%rem3A_112, %gather3A_365, %gather3A_366] : memref<2x300x128xf32, #tpu.memory_space<vmem>> -> memref<1x300x128xf32, #tpu.memory_space<vmem>>
        %gather3A_368 = tpu.memref_squeeze %gather3A_367 : memref<1x300x128xf32, #tpu.memory_space<vmem>> -> memref<300x128xf32, #tpu.memory_space<vmem>>
        %gather3A_369 = tpu.vector_load_idx %gather3A_368[%add3A_364, %and3A_205] : memref<300x128xf32, #tpu.memory_space<vmem>>[vector<16xi32>, vector<16xi32>], vector<16xf32>,
        %swap3A_370 = arith.index_cast %rem3A_209 : i32 to index
        %swap3A_371 = arith.index_cast %rem3A_211 : i32 to index
        %swap3A_372 = arith.constant 192 : index
        %swap3A_373 = tpu.vector_load %arg11[%swap3A_370, %swap3A_371, %swap3A_372] {strides = array<i32>} : memref<2x64x384xf32, #tpu.memory_space<vmem>>, vector<16xf32>,
        tpu.vector_store %arg11[%swap3A_370, %swap3A_371, %swap3A_372], %gather3A_369 {strides = array<i32>} : memref<2x64x384xf32, #tpu.memory_space<vmem>>, vector<16xf32>,
        %add3A_374 = arith.constant 208 : i32
        %add3A_375 = vector.broadcast %add3A_374 : i32 to vector<16xi32>
        %add3A_376 = arith.addi %iota3A, %add3A_375 : vector<16xi32>
        %gather3A_377 = arith.constant 0 : i32
        %gather3A_378 = arith.constant 0 : i32
        %gather3A_379 = tpu.memref_slice %arg10[%rem3A_112, %gather3A_377, %gather3A_378] : memref<2x300x128xf32, #tpu.memory_space<vmem>> -> memref<1x300x128xf32, #tpu.memory_space<vmem>>
        %gather3A_380 = tpu.memref_squeeze %gather3A_379 : memref<1x300x128xf32, #tpu.memory_space<vmem>> -> memref<300x128xf32, #tpu.memory_space<vmem>>
        %gather3A_381 = tpu.vector_load_idx %gather3A_380[%add3A_376, %and3A_205] : memref<300x128xf32, #tpu.memory_space<vmem>>[vector<16xi32>, vector<16xi32>], vector<16xf32>,
        %swap3A_382 = arith.index_cast %rem3A_209 : i32 to index
        %swap3A_383 = arith.index_cast %rem3A_211 : i32 to index
        %swap3A_384 = arith.constant 208 : index
        %swap3A_385 = tpu.vector_load %arg11[%swap3A_382, %swap3A_383, %swap3A_384] {strides = array<i32>} : memref<2x64x384xf32, #tpu.memory_space<vmem>>, vector<16xf32>,
        tpu.vector_store %arg11[%swap3A_382, %swap3A_383, %swap3A_384], %gather3A_381 {strides = array<i32>} : memref<2x64x384xf32, #tpu.memory_space<vmem>>, vector<16xf32>,
        %add3A_386 = arith.constant 224 : i32
        %add3A_387 = vector.broadcast %add3A_386 : i32 to vector<16xi32>
        %add3A_388 = arith.addi %iota3A, %add3A_387 : vector<16xi32>
        %gather3A_389 = arith.constant 0 : i32
        %gather3A_390 = arith.constant 0 : i32
        %gather3A_391 = tpu.memref_slice %arg10[%rem3A_112, %gather3A_389, %gather3A_390] : memref<2x300x128xf32, #tpu.memory_space<vmem>> -> memref<1x300x128xf32, #tpu.memory_space<vmem>>
        %gather3A_392 = tpu.memref_squeeze %gather3A_391 : memref<1x300x128xf32, #tpu.memory_space<vmem>> -> memref<300x128xf32, #tpu.memory_space<vmem>>
        %gather3A_393 = tpu.vector_load_idx %gather3A_392[%add3A_388, %and3A_205] : memref<300x128xf32, #tpu.memory_space<vmem>>[vector<16xi32>, vector<16xi32>], vector<16xf32>,
        %swap3A_394 = arith.index_cast %rem3A_209 : i32 to index
        %swap3A_395 = arith.index_cast %rem3A_211 : i32 to index
        %swap3A_396 = arith.constant 224 : index
        %swap3A_397 = tpu.vector_load %arg11[%swap3A_394, %swap3A_395, %swap3A_396] {strides = array<i32>} : memref<2x64x384xf32, #tpu.memory_space<vmem>>, vector<16xf32>,
        tpu.vector_store %arg11[%swap3A_394, %swap3A_395, %swap3A_396], %gather3A_393 {strides = array<i32>} : memref<2x64x384xf32, #tpu.memory_space<vmem>>, vector<16xf32>,
        %add3A_398 = arith.constant 240 : i32
        %add3A_399 = vector.broadcast %add3A_398 : i32 to vector<16xi32>
        %add3A_400 = arith.addi %iota3A, %add3A_399 : vector<16xi32>
        %gather3A_401 = arith.constant 0 : i32
        %gather3A_402 = arith.constant 0 : i32
        %gather3A_403 = tpu.memref_slice %arg10[%rem3A_112, %gather3A_401, %gather3A_402] : memref<2x300x128xf32, #tpu.memory_space<vmem>> -> memref<1x300x128xf32, #tpu.memory_space<vmem>>
        %gather3A_404 = tpu.memref_squeeze %gather3A_403 : memref<1x300x128xf32, #tpu.memory_space<vmem>> -> memref<300x128xf32, #tpu.memory_space<vmem>>
        %gather3A_405 = tpu.vector_load_idx %gather3A_404[%add3A_400, %and3A_205] : memref<300x128xf32, #tpu.memory_space<vmem>>[vector<16xi32>, vector<16xi32>], vector<16xf32>,
        %swap3A_406 = arith.index_cast %rem3A_209 : i32 to index
        %swap3A_407 = arith.index_cast %rem3A_211 : i32 to index
        %swap3A_408 = arith.constant 240 : index
        %swap3A_409 = tpu.vector_load %arg11[%swap3A_406, %swap3A_407, %swap3A_408] {strides = array<i32>} : memref<2x64x384xf32, #tpu.memory_space<vmem>>, vector<16xf32>,
        tpu.vector_store %arg11[%swap3A_406, %swap3A_407, %swap3A_408], %gather3A_405 {strides = array<i32>} : memref<2x64x384xf32, #tpu.memory_space<vmem>>, vector<16xf32>,
        %add3A_410 = arith.constant 256 : i32
        %add3A_411 = vector.broadcast %add3A_410 : i32 to vector<16xi32>
        %add3A_412 = arith.addi %iota3A, %add3A_411 : vector<16xi32>
        %gather3A_413 = arith.constant 0 : i32
        %gather3A_414 = arith.constant 0 : i32
        %gather3A_415 = tpu.memref_slice %arg10[%rem3A_112, %gather3A_413, %gather3A_414] : memref<2x300x128xf32, #tpu.memory_space<vmem>> -> memref<1x300x128xf32, #tpu.memory_space<vmem>>
        %gather3A_416 = tpu.memref_squeeze %gather3A_415 : memref<1x300x128xf32, #tpu.memory_space<vmem>> -> memref<300x128xf32, #tpu.memory_space<vmem>>
        %gather3A_417 = tpu.vector_load_idx %gather3A_416[%add3A_412, %and3A_205] : memref<300x128xf32, #tpu.memory_space<vmem>>[vector<16xi32>, vector<16xi32>], vector<16xf32>,
        %swap3A_418 = arith.index_cast %rem3A_209 : i32 to index
        %swap3A_419 = arith.index_cast %rem3A_211 : i32 to index
        %swap3A_420 = arith.constant 256 : index
        %swap3A_421 = tpu.vector_load %arg11[%swap3A_418, %swap3A_419, %swap3A_420] {strides = array<i32>} : memref<2x64x384xf32, #tpu.memory_space<vmem>>, vector<16xf32>,
        tpu.vector_store %arg11[%swap3A_418, %swap3A_419, %swap3A_420], %gather3A_417 {strides = array<i32>} : memref<2x64x384xf32, #tpu.memory_space<vmem>>, vector<16xf32>,
        %add3A_422 = arith.constant 272 : i32
        %add3A_423 = vector.broadcast %add3A_422 : i32 to vector<16xi32>
        %add3A_424 = arith.addi %iota3A, %add3A_423 : vector<16xi32>
        %gather3A_425 = arith.constant 0 : i32
        %gather3A_426 = arith.constant 0 : i32
        %gather3A_427 = tpu.memref_slice %arg10[%rem3A_112, %gather3A_425, %gather3A_426] : memref<2x300x128xf32, #tpu.memory_space<vmem>> -> memref<1x300x128xf32, #tpu.memory_space<vmem>>
        %gather3A_428 = tpu.memref_squeeze %gather3A_427 : memref<1x300x128xf32, #tpu.memory_space<vmem>> -> memref<300x128xf32, #tpu.memory_space<vmem>>
        %gather3A_429 = tpu.vector_load_idx %gather3A_428[%add3A_424, %and3A_205] : memref<300x128xf32, #tpu.memory_space<vmem>>[vector<16xi32>, vector<16xi32>], vector<16xf32>,
        %swap3A_430 = arith.index_cast %rem3A_209 : i32 to index
        %swap3A_431 = arith.index_cast %rem3A_211 : i32 to index
        %swap3A_432 = arith.constant 272 : index
        %swap3A_433 = tpu.vector_load %arg11[%swap3A_430, %swap3A_431, %swap3A_432] {strides = array<i32>} : memref<2x64x384xf32, #tpu.memory_space<vmem>>, vector<16xf32>,
        tpu.vector_store %arg11[%swap3A_430, %swap3A_431, %swap3A_432], %gather3A_429 {strides = array<i32>} : memref<2x64x384xf32, #tpu.memory_space<vmem>>, vector<16xf32>,
        %add3A_434 = arith.constant 288 : i32
        %add3A_435 = vector.broadcast %add3A_434 : i32 to vector<16xi32>
        %add3A_436 = arith.addi %iota3A, %add3A_435 : vector<16xi32>
        %gather3A_437 = arith.constant 0 : i32
        %gather3A_438 = arith.constant 0 : i32
        %gather3A_439 = tpu.memref_slice %arg10[%rem3A_112, %gather3A_437, %gather3A_438] : memref<2x300x128xf32, #tpu.memory_space<vmem>> -> memref<1x300x128xf32, #tpu.memory_space<vmem>>
        %gather3A_440 = tpu.memref_squeeze %gather3A_439 : memref<1x300x128xf32, #tpu.memory_space<vmem>> -> memref<300x128xf32, #tpu.memory_space<vmem>>
        %gather3A_441 = tpu.vector_load_idx %gather3A_440[%add3A_436, %and3A_205] : memref<300x128xf32, #tpu.memory_space<vmem>>[vector<16xi32>, vector<16xi32>], vector<16xf32>,
        %swap3A_442 = arith.index_cast %rem3A_209 : i32 to index
        %swap3A_443 = arith.index_cast %rem3A_211 : i32 to index
        %swap3A_444 = arith.constant 288 : index
        %swap3A_445 = tpu.vector_load %arg11[%swap3A_442, %swap3A_443, %swap3A_444] {strides = array<i32>} : memref<2x64x384xf32, #tpu.memory_space<vmem>>, vector<16xf32>,
        tpu.vector_store %arg11[%swap3A_442, %swap3A_443, %swap3A_444], %gather3A_441 {strides = array<i32>} : memref<2x64x384xf32, #tpu.memory_space<vmem>>, vector<16xf32>,
        %eq3A_446 = arith.constant 63 : i32
        %eq3A_447 = arith.cmpi eq, %rem3A_211, %eq3A_446 : i32
        %convert_element_type3A_448 = arith.extui %eq3A_447 : i1 to i32
        %cond3A_449 = arith.constant 0 : i32
        %cond3A_450 = arith.cmpi ne, %convert_element_type3A_448, %cond3A_449 : i32
        scf.if %cond3A_450 {
          %div3A_452 = arith.constant 64 : i32
          %div3A_453 = arith.divsi %while3A_154, %div3A_452 : i32
          %rem3A_454 = arith.constant 2 : i32
          %rem3A_455 = arith.remsi %div3A_453, %rem3A_454 : i32
          %dma_start3A_456 = arith.constant 0 : i32
          %dma_start3A_457 = tpu.memref_slice %arg11[%rem3A_455, %dma_start3A_456, %while3A] : memref<2x64x384xf32, #tpu.memory_space<vmem>> -> memref<1x64x128xf32, #tpu.memory_space<vmem>>
          %dma_start3A_458 = tpu.memref_squeeze %dma_start3A_457 : memref<1x64x128xf32, #tpu.memory_space<vmem>> -> memref<64x128xf32, #tpu.memory_space<vmem>>
          %dma_start3A_459 = arith.constant 0 : i32
          %dma_start3A_460 = tpu.memref_slice %arg9[%div3A_453, %dma_start3A_459] : memref<8x64xi32, #tpu.memory_space<vmem>> -> memref<1x64xi32, #tpu.memory_space<vmem>>
          %dma_start3A_461 = tpu.memref_squeeze %dma_start3A_460 : memref<1x64xi32, #tpu.memory_space<vmem>> -> memref<64xi32, #tpu.memory_space<vmem>>
          %dma_start3A_462 = arith.constant 0 : i32
          %dma_start3A_463 = tpu.memref_slice %arg5[%dma_start3A_462, %while3A] : memref<16384x300xf32, #tpu.memory_space<hbm>> -> memref<16384x128xf32, #tpu.memory_space<hbm>>
          tpu.enqueue_indirect_dma source(%dma_start3A_458 : memref<64x128xf32, #tpu.memory_space<vmem>>) target(%dma_start3A_463 : memref<16384x128xf32, #tpu.memory_space<hbm>>) offsets(%dma_start3A_461 : memref<64xi32, #tpu.memory_space<vmem>>) semaphore(%arg13 : memref<!tpu.dma_semaphore, #tpu.memory_space<semaphore_mem>>)
          %dma_start3A_464 = arith.constant 0 : i32
          %dma_start3A_465 = tpu.memref_slice %arg11[%rem3A_455, %dma_start3A_464, %while3A_25] : memref<2x64x384xf32, #tpu.memory_space<vmem>> -> memref<1x64x128xf32, #tpu.memory_space<vmem>>
          %dma_start3A_466 = tpu.memref_squeeze %dma_start3A_465 : memref<1x64x128xf32, #tpu.memory_space<vmem>> -> memref<64x128xf32, #tpu.memory_space<vmem>>
          %dma_start3A_467 = arith.constant 0 : i32
          %dma_start3A_468 = tpu.memref_slice %arg9[%div3A_453, %dma_start3A_467] : memref<8x64xi32, #tpu.memory_space<vmem>> -> memref<1x64xi32, #tpu.memory_space<vmem>>
          %dma_start3A_469 = tpu.memref_squeeze %dma_start3A_468 : memref<1x64xi32, #tpu.memory_space<vmem>> -> memref<64xi32, #tpu.memory_space<vmem>>
          %dma_start3A_470 = arith.constant 0 : i32
          %dma_start3A_471 = tpu.memref_slice %arg5[%dma_start3A_470, %while3A_25] : memref<16384x300xf32, #tpu.memory_space<hbm>> -> memref<16384x128xf32, #tpu.memory_space<hbm>>
          tpu.enqueue_indirect_dma source(%dma_start3A_466 : memref<64x128xf32, #tpu.memory_space<vmem>>) target(%dma_start3A_471 : memref<16384x128xf32, #tpu.memory_space<hbm>>) offsets(%dma_start3A_469 : memref<64xi32, #tpu.memory_space<vmem>>) semaphore(%arg13 : memref<!tpu.dma_semaphore, #tpu.memory_space<semaphore_mem>>)
          %dma_start3A_472 = arith.constant 0 : i32
          %dma_start3A_473 = tpu.memref_slice %arg11[%rem3A_455, %dma_start3A_472, %while3A_26] : memref<2x64x384xf32, #tpu.memory_space<vmem>> -> memref<1x64x128xf32, #tpu.memory_space<vmem>>
          %dma_start3A_474 = tpu.memref_squeeze %dma_start3A_473 : memref<1x64x128xf32, #tpu.memory_space<vmem>> -> memref<64x128xf32, #tpu.memory_space<vmem>>
          %dma_start3A_475 = arith.constant 0 : i32
          %dma_start3A_476 = tpu.memref_slice %arg9[%div3A_453, %dma_start3A_475] : memref<8x64xi32, #tpu.memory_space<vmem>> -> memref<1x64xi32, #tpu.memory_space<vmem>>
          %dma_start3A_477 = tpu.memref_squeeze %dma_start3A_476 : memref<1x64xi32, #tpu.memory_space<vmem>> -> memref<64xi32, #tpu.memory_space<vmem>>
          %dma_start3A_478 = arith.constant 0 : i32
          %dma_start3A_479 = tpu.memref_slice %arg5[%dma_start3A_478, %while3A_26] : memref<16384x300xf32, #tpu.memory_space<hbm>> -> memref<16384x128xf32, #tpu.memory_space<hbm>>
          tpu.enqueue_indirect_dma source(%dma_start3A_474 : memref<64x128xf32, #tpu.memory_space<vmem>>) target(%dma_start3A_479 : memref<16384x128xf32, #tpu.memory_space<hbm>>) offsets(%dma_start3A_477 : memref<64xi32, #tpu.memory_space<vmem>>) semaphore(%arg13 : memref<!tpu.dma_semaphore, #tpu.memory_space<semaphore_mem>>)
        } else {
        }
        %while3A_451 = arith.constant 0 : i32
        scf.yield %while3A_451 : i32
      }
      %while3A_153 = arith.constant 0 : i32
      scf.yield %while3A_153 : i32
    }
    %while3A_37 = arith.constant 1 : i32
    %while3A_38 = scf.for %while3A_109 = %while3A_34 to %while3A_30 step %while3A_37 iter_args(%while3A_110 = %while3A_36) -> (i32)  : i32 {
      %rem3A_111 = arith.constant 2 : i32
      %rem3A_112 = arith.remsi %while3A_109, %rem3A_111 : i32
      %get3A_113 = arith.index_cast %while3A_109 : i32 to index
      %get3A_114 = memref.load %arg7[%get3A_113] : memref<513xi32, #tpu.memory_space<smem>>
      %add3A_115 = arith.constant 1 : i32
      %add3A_116 = arith.addi %while3A_109, %add3A_115 : i32
      %lt3A = arith.cmpi slt, %add3A_116, %scan3A_7#0 : i32
      %add3A_117 = arith.constant 1 : i32
      %add3A_118 = arith.addi %while3A_109, %add3A_117 : i32
      %min3A = arith.constant 511 : i32
      %min3A_119 = arith.minsi %add3A_118, %min3A : i32
      %get3A_120 = arith.index_cast %min3A_119 : i32 to index
      %get3A_121 = memref.load %arg7[%get3A_120] : memref<513xi32, #tpu.memory_space<smem>>
      %jit3A = arith.constant 512 : i32
      %select_n3A = arith.select %lt3A, %get3A_121, %jit3A : i32
      %add3A_122 = arith.constant 1 : i32
      %add3A_123 = arith.addi %while3A_109, %add3A_122 : i32
      %lt3A_124 = arith.cmpi slt, %add3A_123, %scan3A_7#0 : i32
      %convert_element_type3A = arith.extui %lt3A_124 : i1 to i32
      %cond3A = arith.constant 0 : i32
      %cond3A_125 = arith.cmpi ne, %convert_element_type3A, %cond3A : i32
      scf.if %cond3A_125 {
        %add3A_154 = arith.constant 1 : i32
        %add3A_155 = arith.addi %while3A_109, %add3A_154 : i32
        %min3A_156 = arith.constant 511 : i32
        %min3A_157 = arith.minsi %add3A_155, %min3A_156 : i32
        %get3A_158 = arith.index_cast %min3A_157 : i32 to index
        %get3A_159 = memref.load %arg8[%get3A_158] : memref<513xi32, #tpu.memory_space<smem>>
        %sub3A = arith.constant 1 : i32
        %sub3A_160 = arith.subi %sub3A, %rem3A_112 : i32
        %mul3A_161 = arith.constant 128 : i32
        %mul3A_162 = arith.muli %get3A_159, %mul3A_161 : i32
        %multiple_of3A_163 = tpu.assume_multiple %mul3A_162, 128 : i32
        %dma_start3A_164 = arith.constant 0 : i32
        %dma_start3A_165 = arith.constant 0 : i32
        %dma_start3A_166 = tpu.memref_slice %arg10[%sub3A_160, %dma_start3A_164, %dma_start3A_165] : memref<2x300x128xf32, #tpu.memory_space<vmem>> -> memref<1x300x128xf32, #tpu.memory_space<vmem>>
        %dma_start3A_167 = tpu.memref_squeeze %dma_start3A_166 : memref<1x300x128xf32, #tpu.memory_space<vmem>> -> memref<300x128xf32, #tpu.memory_space<vmem>>
        %dma_start3A_168 = arith.constant 0 : i32
        %dma_start3A_169 = tpu.memref_slice %arg4[%dma_start3A_168, %multiple_of3A_163] : memref<300x400000xf32, #tpu.memory_space<hbm>> -> memref<300x128xf32, #tpu.memory_space<hbm>>
        %dma_start3A_170 = arith.constant 0 : i32
        %dma_start3A_171 = arith.constant 0 : i32
        %dma_start3A_172 = tpu.memref_slice %arg10[%sub3A_160, %dma_start3A_170, %dma_start3A_171] : memref<2x300x128xf32, #tpu.memory_space<vmem>> -> memref<1x300x128xf32, #tpu.memory_space<vmem>>
        %dma_start3A_173 = tpu.memref_squeeze %dma_start3A_172 : memref<1x300x128xf32, #tpu.memory_space<vmem>> -> memref<300x128xf32, #tpu.memory_space<vmem>>
        %dma_start3A_174 = arith.constant 0 : i32
        %dma_start3A_175 = tpu.memref_slice %arg4[%dma_start3A_174, %multiple_of3A_163] : memref<300x400000xf32, #tpu.memory_space<hbm>> -> memref<300x128xf32, #tpu.memory_space<hbm>>
        tpu.enqueue_dma source(%dma_start3A_175 : memref<300x128xf32, #tpu.memory_space<hbm>>) target(%dma_start3A_173 : memref<300x128xf32, #tpu.memory_space<vmem>>) target_semaphore(%arg12 : memref<!tpu.dma_semaphore, #tpu.memory_space<semaphore_mem>>)
      } else {
      }
      %mul3A_126 = arith.constant 0 : i32
      %mul3A_127 = arith.constant 128 : i32
      %mul3A_128 = arith.muli %mul3A_126, %mul3A_127 : i32
      %multiple_of3A_129 = tpu.assume_multiple %mul3A_128, 128 : i32
      %dma_wait3A_130 = arith.constant 0 : i32
      %dma_wait3A_131 = arith.constant 0 : i32
      %dma_wait3A_132 = tpu.memref_slice %arg10[%rem3A_112, %dma_wait3A_130, %dma_wait3A_131] : memref<2x300x128xf32, #tpu.memory_space<vmem>> -> memref<1x300x128xf32, #tpu.memory_space<vmem>>
      %dma_wait3A_133 = tpu.memref_squeeze %dma_wait3A_132 : memref<1x300x128xf32, #tpu.memory_space<vmem>> -> memref<300x128xf32, #tpu.memory_space<vmem>>
      %dma_wait3A_134 = arith.constant 0 : i32
      %dma_wait3A_135 = tpu.memref_slice %arg4[%dma_wait3A_134, %multiple_of3A_129] : memref<300x400000xf32, #tpu.memory_space<hbm>> -> memref<300x128xf32, #tpu.memory_space<hbm>>
      %dma_wait3A_136 = arith.constant 0 : i32
      %dma_wait3A_137 = arith.constant 0 : i32
      %dma_wait3A_138 = tpu.memref_slice %arg10[%rem3A_112, %dma_wait3A_136, %dma_wait3A_137] : memref<2x300x128xf32, #tpu.memory_space<vmem>> -> memref<1x300x128xf32, #tpu.memory_space<vmem>>
      %dma_wait3A_139 = tpu.memref_squeeze %dma_wait3A_138 : memref<1x300x128xf32, #tpu.memory_space<vmem>> -> memref<300x128xf32, #tpu.memory_space<vmem>>
      %dma_wait3A_140 = arith.constant 0 : i32
      %dma_wait3A_141 = tpu.memref_slice %arg4[%dma_wait3A_140, %multiple_of3A_129] : memref<300x400000xf32, #tpu.memory_space<hbm>> -> memref<300x128xf32, #tpu.memory_space<hbm>>
      tpu.wait_dma2 semaphore(%arg12 : memref<!tpu.dma_semaphore, #tpu.memory_space<semaphore_mem>>) src(%dma_wait3A_141 : memref<300x128xf32, #tpu.memory_space<hbm>>) dst(%dma_wait3A_139 : memref<300x128xf32, #tpu.memory_space<vmem>>)
      %while3A_142 = arith.constant 0 : i32
      %while3A_143 = arith.subi %select_n3A, %get3A_114 : i32
      %while3A_144 = arith.addi %get3A_114, %while3A_143 : i32
      %while3A_145 = arith.constant 1 : i32
      %while3A_146 = arith.divsi %while3A_143, %while3A_145 : i32
      %while3A_147 = arith.muli %while3A_146, %while3A_145 : i32
      %while3A_148 = arith.addi %get3A_114, %while3A_147 : i32
      %while3A_149 = arith.constant 1 : i32
      %while3A_150 = scf.for %while3A_154 = %get3A_114 to %while3A_148 step %while3A_149 iter_args(%while3A_155 = %while3A_142) -> (i32)  : i32 {
        %jit3A_156 = arith.constant 16 : i32
        %div3A = arith.divsi %while3A_154, %jit3A_156 : i32
        %sign3A = arith.constant 0 : i32
        %sign3A_157 = arith.cmpi sgt, %while3A_154, %sign3A : i32
        %sign3A_158 = arith.extui %sign3A_157 : i1 to i32
        %sign3A_159 = arith.constant 0 : i32
        %sign3A_160 = arith.cmpi slt, %while3A_154, %sign3A_159 : i32
        %sign3A_161 = arith.extui %sign3A_160 : i1 to i32
        %sign3A_162 = arith.subi %sign3A_158, %sign3A_161 : i32
        %sign3A_163 = arith.constant 0 : i32
        %sign3A_164 = arith.cmpi sgt, %jit3A_156, %sign3A_163 : i32
        %sign3A_165 = arith.extui %sign3A_164 : i1 to i32
        %sign3A_166 = arith.constant 0 : i32
        %sign3A_167 = arith.cmpi slt, %jit3A_156, %sign3A_166 : i32
        %sign3A_168 = arith.extui %sign3A_167 : i1 to i32
        %sign3A_169 = arith.subi %sign3A_165, %sign3A_168 : i32
        %ne3A = arith.cmpi ne, %sign3A_162, %sign3A_169 : i32
        %rem3A_170 = arith.remsi %while3A_154, %jit3A_156 : i32
        %ne3A_171 = arith.constant 0 : i32
        %ne3A_172 = arith.cmpi ne, %rem3A_170, %ne3A_171 : i32
        %and3A = arith.andi %ne3A, %ne3A_172 : i1
        %sub3A = arith.constant 1 : i32
        %sub3A_173 = arith.subi %div3A, %sub3A : i32
        %select_n3A_174 = arith.select %and3A, %sub3A_173, %div3A : i32
        %mul3A_175 = arith.constant 16 : i32
        %mul3A_176 = arith.muli %select_n3A_174, %mul3A_175 : i32
        %get3A_177 = arith.index_cast %mul3A_176 : i32 to index
        %get3A_178 = tpu.vector_load %arg6[%get3A_177] {strides = array<i32>} : memref<512xi32, #tpu.memory_space<vmem>>, vector<16xi32>,
        %jit3A_179 = arith.constant 16 : i32
        %eq3A = arith.constant 0 : i32
        %eq3A_180 = arith.cmpi eq, %jit3A_179, %eq3A : i32
        %jit3A_181 = arith.constant 1 : i32
        %select_n3A_182 = arith.select %eq3A_180, %jit3A_181, %jit3A_179 : i32
        %rem3A_183 = arith.remsi %while3A_154, %select_n3A_182 : i32
        %ne3A_184 = arith.constant 0 : i32
        %ne3A_185 = arith.cmpi ne, %rem3A_183, %ne3A_184 : i32
        %lt3A_186 = arith.constant 0 : i32
        %lt3A_187 = arith.cmpi slt, %rem3A_183, %lt3A_186 : i32
        %lt3A_188 = arith.constant 0 : i32
        %lt3A_189 = arith.cmpi slt, %select_n3A_182, %lt3A_188 : i32
        %ne3A_190 = arith.xori %lt3A_187, %lt3A_189 : i1
        %and3A_191 = arith.andi %ne3A_190, %ne3A_185 : i1
        %add3A_192 = arith.addi %rem3A_183, %select_n3A_182 : i32
        %select_n3A_193 = arith.select %and3A_191, %add3A_192, %rem3A_183 : i32
        %broadcast_in_dim3A = vector.broadcast %select_n3A_193 : i32 to vector<16xi32>
        %lt3A_194 = arith.constant 0 : i32
        %lt3A_195 = vector.broadcast %lt3A_194 : i32 to vector<16xi32>
        %lt3A_196 = arith.cmpi slt, %broadcast_in_dim3A, %lt3A_195 : vector<16xi32>
        %add3A_197 = arith.constant 16 : i32
        %add3A_198 = vector.broadcast %add3A_197 : i32 to vector<16xi32>
        %add3A_199 = arith.addi %broadcast_in_dim3A, %add3A_198 : vector<16xi32>
        %select_n3A_200 = arith.select %lt3A_196, %add3A_199, %broadcast_in_dim3A : vector<16xi1>, vector<16xi32>
        %broadcast_in_dim3A_201 = vector.shape_cast %select_n3A_200 : vector<16xi32> to vector<16x1xi32>
        %gather3A = vector.shape_cast %broadcast_in_dim3A_201 : vector<16x1xi32> to vector<16xi32>
        %gather3A_202 = tpu.dynamic_gather %get3A_178[%gather3A] in [0] : vector<16xi32>, vector<16xi32> -> vector<16xi32>
        %and3A_203 = arith.constant 127 : i32
        %and3A_204 = vector.broadcast %and3A_203 : i32 to vector<16xi32>
        %and3A_205 = arith.andi %gather3A_202, %and3A_204 : vector<16xi32>
        %div3A_206 = arith.constant 64 : i32
        %div3A_207 = arith.divsi %while3A_154, %div3A_206 : i32
        %rem3A_208 = arith.constant 2 : i32
        %rem3A_209 = arith.remsi %div3A_207, %rem3A_208 : i32
        %rem3A_210 = arith.constant 64 : i32
        %rem3A_211 = arith.remsi %while3A_154, %rem3A_210 : i32
        %eq3A_212 = arith.constant 0 : i32
        %eq3A_213 = arith.cmpi eq, %rem3A_211, %eq3A_212 : i32
        %ge3A = arith.constant 128 : i32
        %ge3A_214 = arith.cmpi sge, %while3A_154, %ge3A : i32
        %and3A_215 = arith.andi %eq3A_213, %ge3A_214 : i1
        %convert_element_type3A_216 = arith.extui %and3A_215 : i1 to i32
        %cond3A_217 = arith.constant 0 : i32
        %cond3A_218 = arith.cmpi ne, %convert_element_type3A_216, %cond3A_217 : i32
        scf.if %cond3A_218 {
          %div3A_452 = arith.constant 64 : i32
          %div3A_453 = arith.divsi %while3A_154, %div3A_452 : i32
          %sub3A_454 = arith.constant 2 : i32
          %sub3A_455 = arith.subi %div3A_453, %sub3A_454 : i32
          %rem3A_456 = arith.constant 2 : i32
          %rem3A_457 = arith.remsi %sub3A_455, %rem3A_456 : i32
          %dma_wait3A_458 = arith.constant 0 : i32
          %dma_wait3A_459 = tpu.memref_slice %arg11[%rem3A_457, %dma_wait3A_458, %while3A] : memref<2x64x384xf32, #tpu.memory_space<vmem>> -> memref<1x64x128xf32, #tpu.memory_space<vmem>>
          %dma_wait3A_460 = tpu.memref_squeeze %dma_wait3A_459 : memref<1x64x128xf32, #tpu.memory_space<vmem>> -> memref<64x128xf32, #tpu.memory_space<vmem>>
          %dma_wait3A_461 = arith.constant 0 : i32
          %dma_wait3A_462 = tpu.memref_slice %arg9[%sub3A_455, %dma_wait3A_461] : memref<8x64xi32, #tpu.memory_space<vmem>> -> memref<1x64xi32, #tpu.memory_space<vmem>>
          %dma_wait3A_463 = tpu.memref_squeeze %dma_wait3A_462 : memref<1x64xi32, #tpu.memory_space<vmem>> -> memref<64xi32, #tpu.memory_space<vmem>>
          %dma_wait3A_464 = arith.constant 0 : i32
          %dma_wait3A_465 = tpu.memref_slice %arg5[%dma_wait3A_464, %while3A] : memref<16384x300xf32, #tpu.memory_space<hbm>> -> memref<16384x128xf32, #tpu.memory_space<hbm>>
          tpu.wait_indirect_dma semaphore(%arg13 : memref<!tpu.dma_semaphore, #tpu.memory_space<semaphore_mem>>) src(%dma_wait3A_460 : memref<64x128xf32, #tpu.memory_space<vmem>>) dst(%dma_wait3A_465 : memref<16384x128xf32, #tpu.memory_space<hbm>>)
          %dma_wait3A_466 = arith.constant 0 : i32
          %dma_wait3A_467 = tpu.memref_slice %arg11[%rem3A_457, %dma_wait3A_466, %while3A_25] : memref<2x64x384xf32, #tpu.memory_space<vmem>> -> memref<1x64x128xf32, #tpu.memory_space<vmem>>
          %dma_wait3A_468 = tpu.memref_squeeze %dma_wait3A_467 : memref<1x64x128xf32, #tpu.memory_space<vmem>> -> memref<64x128xf32, #tpu.memory_space<vmem>>
          %dma_wait3A_469 = arith.constant 0 : i32
          %dma_wait3A_470 = tpu.memref_slice %arg9[%sub3A_455, %dma_wait3A_469] : memref<8x64xi32, #tpu.memory_space<vmem>> -> memref<1x64xi32, #tpu.memory_space<vmem>>
          %dma_wait3A_471 = tpu.memref_squeeze %dma_wait3A_470 : memref<1x64xi32, #tpu.memory_space<vmem>> -> memref<64xi32, #tpu.memory_space<vmem>>
          %dma_wait3A_472 = arith.constant 0 : i32
          %dma_wait3A_473 = tpu.memref_slice %arg5[%dma_wait3A_472, %while3A_25] : memref<16384x300xf32, #tpu.memory_space<hbm>> -> memref<16384x128xf32, #tpu.memory_space<hbm>>
          tpu.wait_indirect_dma semaphore(%arg13 : memref<!tpu.dma_semaphore, #tpu.memory_space<semaphore_mem>>) src(%dma_wait3A_468 : memref<64x128xf32, #tpu.memory_space<vmem>>) dst(%dma_wait3A_473 : memref<16384x128xf32, #tpu.memory_space<hbm>>)
          %dma_wait3A_474 = arith.constant 0 : i32
          %dma_wait3A_475 = tpu.memref_slice %arg11[%rem3A_457, %dma_wait3A_474, %while3A_26] : memref<2x64x384xf32, #tpu.memory_space<vmem>> -> memref<1x64x128xf32, #tpu.memory_space<vmem>>
          %dma_wait3A_476 = tpu.memref_squeeze %dma_wait3A_475 : memref<1x64x128xf32, #tpu.memory_space<vmem>> -> memref<64x128xf32, #tpu.memory_space<vmem>>
          %dma_wait3A_477 = arith.constant 0 : i32
          %dma_wait3A_478 = tpu.memref_slice %arg9[%sub3A_455, %dma_wait3A_477] : memref<8x64xi32, #tpu.memory_space<vmem>> -> memref<1x64xi32, #tpu.memory_space<vmem>>
          %dma_wait3A_479 = tpu.memref_squeeze %dma_wait3A_478 : memref<1x64xi32, #tpu.memory_space<vmem>> -> memref<64xi32, #tpu.memory_space<vmem>>
          %dma_wait3A_480 = arith.constant 0 : i32
          %dma_wait3A_481 = tpu.memref_slice %arg5[%dma_wait3A_480, %while3A_26] : memref<16384x300xf32, #tpu.memory_space<hbm>> -> memref<16384x128xf32, #tpu.memory_space<hbm>>
          tpu.wait_indirect_dma semaphore(%arg13 : memref<!tpu.dma_semaphore, #tpu.memory_space<semaphore_mem>>) src(%dma_wait3A_476 : memref<64x128xf32, #tpu.memory_space<vmem>>) dst(%dma_wait3A_481 : memref<16384x128xf32, #tpu.memory_space<hbm>>)
        } else {
        }
        %add3A_219 = arith.constant 0 : i32
        %add3A_220 = vector.broadcast %add3A_219 : i32 to vector<16xi32>
        %add3A_221 = arith.addi %iota3A, %add3A_220 : vector<16xi32>
        %gather3A_222 = arith.constant 0 : i32
        %gather3A_223 = arith.constant 0 : i32
        %gather3A_224 = tpu.memref_slice %arg10[%rem3A_112, %gather3A_222, %gather3A_223] : memref<2x300x128xf32, #tpu.memory_space<vmem>> -> memref<1x300x128xf32, #tpu.memory_space<vmem>>
        %gather3A_225 = tpu.memref_squeeze %gather3A_224 : memref<1x300x128xf32, #tpu.memory_space<vmem>> -> memref<300x128xf32, #tpu.memory_space<vmem>>
        %gather3A_226 = tpu.vector_load_idx %gather3A_225[%add3A_221, %and3A_205] : memref<300x128xf32, #tpu.memory_space<vmem>>[vector<16xi32>, vector<16xi32>], vector<16xf32>,
        %swap3A = arith.index_cast %rem3A_209 : i32 to index
        %swap3A_227 = arith.index_cast %rem3A_211 : i32 to index
        %swap3A_228 = arith.constant 0 : index
        %swap3A_229 = tpu.vector_load %arg11[%swap3A, %swap3A_227, %swap3A_228] {strides = array<i32>} : memref<2x64x384xf32, #tpu.memory_space<vmem>>, vector<16xf32>,
        tpu.vector_store %arg11[%swap3A, %swap3A_227, %swap3A_228], %gather3A_226 {strides = array<i32>} : memref<2x64x384xf32, #tpu.memory_space<vmem>>, vector<16xf32>,
        %add3A_230 = arith.constant 16 : i32
        %add3A_231 = vector.broadcast %add3A_230 : i32 to vector<16xi32>
        %add3A_232 = arith.addi %iota3A, %add3A_231 : vector<16xi32>
        %gather3A_233 = arith.constant 0 : i32
        %gather3A_234 = arith.constant 0 : i32
        %gather3A_235 = tpu.memref_slice %arg10[%rem3A_112, %gather3A_233, %gather3A_234] : memref<2x300x128xf32, #tpu.memory_space<vmem>> -> memref<1x300x128xf32, #tpu.memory_space<vmem>>
        %gather3A_236 = tpu.memref_squeeze %gather3A_235 : memref<1x300x128xf32, #tpu.memory_space<vmem>> -> memref<300x128xf32, #tpu.memory_space<vmem>>
        %gather3A_237 = tpu.vector_load_idx %gather3A_236[%add3A_232, %and3A_205] : memref<300x128xf32, #tpu.memory_space<vmem>>[vector<16xi32>, vector<16xi32>], vector<16xf32>,
        %swap3A_238 = arith.index_cast %rem3A_209 : i32 to index
        %swap3A_239 = arith.index_cast %rem3A_211 : i32 to index
        %swap3A_240 = arith.constant 16 : index
        %swap3A_241 = tpu.vector_load %arg11[%swap3A_238, %swap3A_239, %swap3A_240] {strides = array<i32>} : memref<2x64x384xf32, #tpu.memory_space<vmem>>, vector<16xf32>,
        tpu.vector_store %arg11[%swap3A_238, %swap3A_239, %swap3A_240], %gather3A_237 {strides = array<i32>} : memref<2x64x384xf32, #tpu.memory_space<vmem>>, vector<16xf32>,
        %add3A_242 = arith.constant 32 : i32
        %add3A_243 = vector.broadcast %add3A_242 : i32 to vector<16xi32>
        %add3A_244 = arith.addi %iota3A, %add3A_243 : vector<16xi32>
        %gather3A_245 = arith.constant 0 : i32
        %gather3A_246 = arith.constant 0 : i32
        %gather3A_247 = tpu.memref_slice %arg10[%rem3A_112, %gather3A_245, %gather3A_246] : memref<2x300x128xf32, #tpu.memory_space<vmem>> -> memref<1x300x128xf32, #tpu.memory_space<vmem>>
        %gather3A_248 = tpu.memref_squeeze %gather3A_247 : memref<1x300x128xf32, #tpu.memory_space<vmem>> -> memref<300x128xf32, #tpu.memory_space<vmem>>
        %gather3A_249 = tpu.vector_load_idx %gather3A_248[%add3A_244, %and3A_205] : memref<300x128xf32, #tpu.memory_space<vmem>>[vector<16xi32>, vector<16xi32>], vector<16xf32>,
        %swap3A_250 = arith.index_cast %rem3A_209 : i32 to index
        %swap3A_251 = arith.index_cast %rem3A_211 : i32 to index
        %swap3A_252 = arith.constant 32 : index
        %swap3A_253 = tpu.vector_load %arg11[%swap3A_250, %swap3A_251, %swap3A_252] {strides = array<i32>} : memref<2x64x384xf32, #tpu.memory_space<vmem>>, vector<16xf32>,
        tpu.vector_store %arg11[%swap3A_250, %swap3A_251, %swap3A_252], %gather3A_249 {strides = array<i32>} : memref<2x64x384xf32, #tpu.memory_space<vmem>>, vector<16xf32>,
        %add3A_254 = arith.constant 48 : i32
        %add3A_255 = vector.broadcast %add3A_254 : i32 to vector<16xi32>
        %add3A_256 = arith.addi %iota3A, %add3A_255 : vector<16xi32>
        %gather3A_257 = arith.constant 0 : i32
        %gather3A_258 = arith.constant 0 : i32
        %gather3A_259 = tpu.memref_slice %arg10[%rem3A_112, %gather3A_257, %gather3A_258] : memref<2x300x128xf32, #tpu.memory_space<vmem>> -> memref<1x300x128xf32, #tpu.memory_space<vmem>>
        %gather3A_260 = tpu.memref_squeeze %gather3A_259 : memref<1x300x128xf32, #tpu.memory_space<vmem>> -> memref<300x128xf32, #tpu.memory_space<vmem>>
        %gather3A_261 = tpu.vector_load_idx %gather3A_260[%add3A_256, %and3A_205] : memref<300x128xf32, #tpu.memory_space<vmem>>[vector<16xi32>, vector<16xi32>], vector<16xf32>,
        %swap3A_262 = arith.index_cast %rem3A_209 : i32 to index
        %swap3A_263 = arith.index_cast %rem3A_211 : i32 to index
        %swap3A_264 = arith.constant 48 : index
        %swap3A_265 = tpu.vector_load %arg11[%swap3A_262, %swap3A_263, %swap3A_264] {strides = array<i32>} : memref<2x64x384xf32, #tpu.memory_space<vmem>>, vector<16xf32>,
        tpu.vector_store %arg11[%swap3A_262, %swap3A_263, %swap3A_264], %gather3A_261 {strides = array<i32>} : memref<2x64x384xf32, #tpu.memory_space<vmem>>, vector<16xf32>,
        %add3A_266 = arith.constant 64 : i32
        %add3A_267 = vector.broadcast %add3A_266 : i32 to vector<16xi32>
        %add3A_268 = arith.addi %iota3A, %add3A_267 : vector<16xi32>
        %gather3A_269 = arith.constant 0 : i32
        %gather3A_270 = arith.constant 0 : i32
        %gather3A_271 = tpu.memref_slice %arg10[%rem3A_112, %gather3A_269, %gather3A_270] : memref<2x300x128xf32, #tpu.memory_space<vmem>> -> memref<1x300x128xf32, #tpu.memory_space<vmem>>
        %gather3A_272 = tpu.memref_squeeze %gather3A_271 : memref<1x300x128xf32, #tpu.memory_space<vmem>> -> memref<300x128xf32, #tpu.memory_space<vmem>>
        %gather3A_273 = tpu.vector_load_idx %gather3A_272[%add3A_268, %and3A_205] : memref<300x128xf32, #tpu.memory_space<vmem>>[vector<16xi32>, vector<16xi32>], vector<16xf32>,
        %swap3A_274 = arith.index_cast %rem3A_209 : i32 to index
        %swap3A_275 = arith.index_cast %rem3A_211 : i32 to index
        %swap3A_276 = arith.constant 64 : index
        %swap3A_277 = tpu.vector_load %arg11[%swap3A_274, %swap3A_275, %swap3A_276] {strides = array<i32>} : memref<2x64x384xf32, #tpu.memory_space<vmem>>, vector<16xf32>,
        tpu.vector_store %arg11[%swap3A_274, %swap3A_275, %swap3A_276], %gather3A_273 {strides = array<i32>} : memref<2x64x384xf32, #tpu.memory_space<vmem>>, vector<16xf32>,
        %add3A_278 = arith.constant 80 : i32
        %add3A_279 = vector.broadcast %add3A_278 : i32 to vector<16xi32>
        %add3A_280 = arith.addi %iota3A, %add3A_279 : vector<16xi32>
        %gather3A_281 = arith.constant 0 : i32
        %gather3A_282 = arith.constant 0 : i32
        %gather3A_283 = tpu.memref_slice %arg10[%rem3A_112, %gather3A_281, %gather3A_282] : memref<2x300x128xf32, #tpu.memory_space<vmem>> -> memref<1x300x128xf32, #tpu.memory_space<vmem>>
        %gather3A_284 = tpu.memref_squeeze %gather3A_283 : memref<1x300x128xf32, #tpu.memory_space<vmem>> -> memref<300x128xf32, #tpu.memory_space<vmem>>
        %gather3A_285 = tpu.vector_load_idx %gather3A_284[%add3A_280, %and3A_205] : memref<300x128xf32, #tpu.memory_space<vmem>>[vector<16xi32>, vector<16xi32>], vector<16xf32>,
        %swap3A_286 = arith.index_cast %rem3A_209 : i32 to index
        %swap3A_287 = arith.index_cast %rem3A_211 : i32 to index
        %swap3A_288 = arith.constant 80 : index
        %swap3A_289 = tpu.vector_load %arg11[%swap3A_286, %swap3A_287, %swap3A_288] {strides = array<i32>} : memref<2x64x384xf32, #tpu.memory_space<vmem>>, vector<16xf32>,
        tpu.vector_store %arg11[%swap3A_286, %swap3A_287, %swap3A_288], %gather3A_285 {strides = array<i32>} : memref<2x64x384xf32, #tpu.memory_space<vmem>>, vector<16xf32>,
        %add3A_290 = arith.constant 96 : i32
        %add3A_291 = vector.broadcast %add3A_290 : i32 to vector<16xi32>
        %add3A_292 = arith.addi %iota3A, %add3A_291 : vector<16xi32>
        %gather3A_293 = arith.constant 0 : i32
        %gather3A_294 = arith.constant 0 : i32
        %gather3A_295 = tpu.memref_slice %arg10[%rem3A_112, %gather3A_293, %gather3A_294] : memref<2x300x128xf32, #tpu.memory_space<vmem>> -> memref<1x300x128xf32, #tpu.memory_space<vmem>>
        %gather3A_296 = tpu.memref_squeeze %gather3A_295 : memref<1x300x128xf32, #tpu.memory_space<vmem>> -> memref<300x128xf32, #tpu.memory_space<vmem>>
        %gather3A_297 = tpu.vector_load_idx %gather3A_296[%add3A_292, %and3A_205] : memref<300x128xf32, #tpu.memory_space<vmem>>[vector<16xi32>, vector<16xi32>], vector<16xf32>,
        %swap3A_298 = arith.index_cast %rem3A_209 : i32 to index
        %swap3A_299 = arith.index_cast %rem3A_211 : i32 to index
        %swap3A_300 = arith.constant 96 : index
        %swap3A_301 = tpu.vector_load %arg11[%swap3A_298, %swap3A_299, %swap3A_300] {strides = array<i32>} : memref<2x64x384xf32, #tpu.memory_space<vmem>>, vector<16xf32>,
        tpu.vector_store %arg11[%swap3A_298, %swap3A_299, %swap3A_300], %gather3A_297 {strides = array<i32>} : memref<2x64x384xf32, #tpu.memory_space<vmem>>, vector<16xf32>,
        %add3A_302 = arith.constant 112 : i32
        %add3A_303 = vector.broadcast %add3A_302 : i32 to vector<16xi32>
        %add3A_304 = arith.addi %iota3A, %add3A_303 : vector<16xi32>
        %gather3A_305 = arith.constant 0 : i32
        %gather3A_306 = arith.constant 0 : i32
        %gather3A_307 = tpu.memref_slice %arg10[%rem3A_112, %gather3A_305, %gather3A_306] : memref<2x300x128xf32, #tpu.memory_space<vmem>> -> memref<1x300x128xf32, #tpu.memory_space<vmem>>
        %gather3A_308 = tpu.memref_squeeze %gather3A_307 : memref<1x300x128xf32, #tpu.memory_space<vmem>> -> memref<300x128xf32, #tpu.memory_space<vmem>>
        %gather3A_309 = tpu.vector_load_idx %gather3A_308[%add3A_304, %and3A_205] : memref<300x128xf32, #tpu.memory_space<vmem>>[vector<16xi32>, vector<16xi32>], vector<16xf32>,
        %swap3A_310 = arith.index_cast %rem3A_209 : i32 to index
        %swap3A_311 = arith.index_cast %rem3A_211 : i32 to index
        %swap3A_312 = arith.constant 112 : index
        %swap3A_313 = tpu.vector_load %arg11[%swap3A_310, %swap3A_311, %swap3A_312] {strides = array<i32>} : memref<2x64x384xf32, #tpu.memory_space<vmem>>, vector<16xf32>,
        tpu.vector_store %arg11[%swap3A_310, %swap3A_311, %swap3A_312], %gather3A_309 {strides = array<i32>} : memref<2x64x384xf32, #tpu.memory_space<vmem>>, vector<16xf32>,
        %add3A_314 = arith.constant 128 : i32
        %add3A_315 = vector.broadcast %add3A_314 : i32 to vector<16xi32>
        %add3A_316 = arith.addi %iota3A, %add3A_315 : vector<16xi32>
        %gather3A_317 = arith.constant 0 : i32
        %gather3A_318 = arith.constant 0 : i32
        %gather3A_319 = tpu.memref_slice %arg10[%rem3A_112, %gather3A_317, %gather3A_318] : memref<2x300x128xf32, #tpu.memory_space<vmem>> -> memref<1x300x128xf32, #tpu.memory_space<vmem>>
        %gather3A_320 = tpu.memref_squeeze %gather3A_319 : memref<1x300x128xf32, #tpu.memory_space<vmem>> -> memref<300x128xf32, #tpu.memory_space<vmem>>
        %gather3A_321 = tpu.vector_load_idx %gather3A_320[%add3A_316, %and3A_205] : memref<300x128xf32, #tpu.memory_space<vmem>>[vector<16xi32>, vector<16xi32>], vector<16xf32>,
        %swap3A_322 = arith.index_cast %rem3A_209 : i32 to index
        %swap3A_323 = arith.index_cast %rem3A_211 : i32 to index
        %swap3A_324 = arith.constant 128 : index
        %swap3A_325 = tpu.vector_load %arg11[%swap3A_322, %swap3A_323, %swap3A_324] {strides = array<i32>} : memref<2x64x384xf32, #tpu.memory_space<vmem>>, vector<16xf32>,
        tpu.vector_store %arg11[%swap3A_322, %swap3A_323, %swap3A_324], %gather3A_321 {strides = array<i32>} : memref<2x64x384xf32, #tpu.memory_space<vmem>>, vector<16xf32>,
        %add3A_326 = arith.constant 144 : i32
        %add3A_327 = vector.broadcast %add3A_326 : i32 to vector<16xi32>
        %add3A_328 = arith.addi %iota3A, %add3A_327 : vector<16xi32>
        %gather3A_329 = arith.constant 0 : i32
        %gather3A_330 = arith.constant 0 : i32
        %gather3A_331 = tpu.memref_slice %arg10[%rem3A_112, %gather3A_329, %gather3A_330] : memref<2x300x128xf32, #tpu.memory_space<vmem>> -> memref<1x300x128xf32, #tpu.memory_space<vmem>>
        %gather3A_332 = tpu.memref_squeeze %gather3A_331 : memref<1x300x128xf32, #tpu.memory_space<vmem>> -> memref<300x128xf32, #tpu.memory_space<vmem>>
        %gather3A_333 = tpu.vector_load_idx %gather3A_332[%add3A_328, %and3A_205] : memref<300x128xf32, #tpu.memory_space<vmem>>[vector<16xi32>, vector<16xi32>], vector<16xf32>,
        %swap3A_334 = arith.index_cast %rem3A_209 : i32 to index
        %swap3A_335 = arith.index_cast %rem3A_211 : i32 to index
        %swap3A_336 = arith.constant 144 : index
        %swap3A_337 = tpu.vector_load %arg11[%swap3A_334, %swap3A_335, %swap3A_336] {strides = array<i32>} : memref<2x64x384xf32, #tpu.memory_space<vmem>>, vector<16xf32>,
        tpu.vector_store %arg11[%swap3A_334, %swap3A_335, %swap3A_336], %gather3A_333 {strides = array<i32>} : memref<2x64x384xf32, #tpu.memory_space<vmem>>, vector<16xf32>,
        %add3A_338 = arith.constant 160 : i32
        %add3A_339 = vector.broadcast %add3A_338 : i32 to vector<16xi32>
        %add3A_340 = arith.addi %iota3A, %add3A_339 : vector<16xi32>
        %gather3A_341 = arith.constant 0 : i32
        %gather3A_342 = arith.constant 0 : i32
        %gather3A_343 = tpu.memref_slice %arg10[%rem3A_112, %gather3A_341, %gather3A_342] : memref<2x300x128xf32, #tpu.memory_space<vmem>> -> memref<1x300x128xf32, #tpu.memory_space<vmem>>
        %gather3A_344 = tpu.memref_squeeze %gather3A_343 : memref<1x300x128xf32, #tpu.memory_space<vmem>> -> memref<300x128xf32, #tpu.memory_space<vmem>>
        %gather3A_345 = tpu.vector_load_idx %gather3A_344[%add3A_340, %and3A_205] : memref<300x128xf32, #tpu.memory_space<vmem>>[vector<16xi32>, vector<16xi32>], vector<16xf32>,
        %swap3A_346 = arith.index_cast %rem3A_209 : i32 to index
        %swap3A_347 = arith.index_cast %rem3A_211 : i32 to index
        %swap3A_348 = arith.constant 160 : index
        %swap3A_349 = tpu.vector_load %arg11[%swap3A_346, %swap3A_347, %swap3A_348] {strides = array<i32>} : memref<2x64x384xf32, #tpu.memory_space<vmem>>, vector<16xf32>,
        tpu.vector_store %arg11[%swap3A_346, %swap3A_347, %swap3A_348], %gather3A_345 {strides = array<i32>} : memref<2x64x384xf32, #tpu.memory_space<vmem>>, vector<16xf32>,
        %add3A_350 = arith.constant 176 : i32
        %add3A_351 = vector.broadcast %add3A_350 : i32 to vector<16xi32>
        %add3A_352 = arith.addi %iota3A, %add3A_351 : vector<16xi32>
        %gather3A_353 = arith.constant 0 : i32
        %gather3A_354 = arith.constant 0 : i32
        %gather3A_355 = tpu.memref_slice %arg10[%rem3A_112, %gather3A_353, %gather3A_354] : memref<2x300x128xf32, #tpu.memory_space<vmem>> -> memref<1x300x128xf32, #tpu.memory_space<vmem>>
        %gather3A_356 = tpu.memref_squeeze %gather3A_355 : memref<1x300x128xf32, #tpu.memory_space<vmem>> -> memref<300x128xf32, #tpu.memory_space<vmem>>
        %gather3A_357 = tpu.vector_load_idx %gather3A_356[%add3A_352, %and3A_205] : memref<300x128xf32, #tpu.memory_space<vmem>>[vector<16xi32>, vector<16xi32>], vector<16xf32>,
        %swap3A_358 = arith.index_cast %rem3A_209 : i32 to index
        %swap3A_359 = arith.index_cast %rem3A_211 : i32 to index
        %swap3A_360 = arith.constant 176 : index
        %swap3A_361 = tpu.vector_load %arg11[%swap3A_358, %swap3A_359, %swap3A_360] {strides = array<i32>} : memref<2x64x384xf32, #tpu.memory_space<vmem>>, vector<16xf32>,
        tpu.vector_store %arg11[%swap3A_358, %swap3A_359, %swap3A_360], %gather3A_357 {strides = array<i32>} : memref<2x64x384xf32, #tpu.memory_space<vmem>>, vector<16xf32>,
        %add3A_362 = arith.constant 192 : i32
        %add3A_363 = vector.broadcast %add3A_362 : i32 to vector<16xi32>
        %add3A_364 = arith.addi %iota3A, %add3A_363 : vector<16xi32>
        %gather3A_365 = arith.constant 0 : i32
        %gather3A_366 = arith.constant 0 : i32
        %gather3A_367 = tpu.memref_slice %arg10[%rem3A_112, %gather3A_365, %gather3A_366] : memref<2x300x128xf32, #tpu.memory_space<vmem>> -> memref<1x300x128xf32, #tpu.memory_space<vmem>>
        %gather3A_368 = tpu.memref_squeeze %gather3A_367 : memref<1x300x128xf32, #tpu.memory_space<vmem>> -> memref<300x128xf32, #tpu.memory_space<vmem>>
        %gather3A_369 = tpu.vector_load_idx %gather3A_368[%add3A_364, %and3A_205] : memref<300x128xf32, #tpu.memory_space<vmem>>[vector<16xi32>, vector<16xi32>], vector<16xf32>,
        %swap3A_370 = arith.index_cast %rem3A_209 : i32 to index
        %swap3A_371 = arith.index_cast %rem3A_211 : i32 to index
        %swap3A_372 = arith.constant 192 : index
        %swap3A_373 = tpu.vector_load %arg11[%swap3A_370, %swap3A_371, %swap3A_372] {strides = array<i32>} : memref<2x64x384xf32, #tpu.memory_space<vmem>>, vector<16xf32>,
        tpu.vector_store %arg11[%swap3A_370, %swap3A_371, %swap3A_372], %gather3A_369 {strides = array<i32>} : memref<2x64x384xf32, #tpu.memory_space<vmem>>, vector<16xf32>,
        %add3A_374 = arith.constant 208 : i32
        %add3A_375 = vector.broadcast %add3A_374 : i32 to vector<16xi32>
        %add3A_376 = arith.addi %iota3A, %add3A_375 : vector<16xi32>
        %gather3A_377 = arith.constant 0 : i32
        %gather3A_378 = arith.constant 0 : i32
        %gather3A_379 = tpu.memref_slice %arg10[%rem3A_112, %gather3A_377, %gather3A_378] : memref<2x300x128xf32, #tpu.memory_space<vmem>> -> memref<1x300x128xf32, #tpu.memory_space<vmem>>
        %gather3A_380 = tpu.memref_squeeze %gather3A_379 : memref<1x300x128xf32, #tpu.memory_space<vmem>> -> memref<300x128xf32, #tpu.memory_space<vmem>>
        %gather3A_381 = tpu.vector_load_idx %gather3A_380[%add3A_376, %and3A_205] : memref<300x128xf32, #tpu.memory_space<vmem>>[vector<16xi32>, vector<16xi32>], vector<16xf32>,
        %swap3A_382 = arith.index_cast %rem3A_209 : i32 to index
        %swap3A_383 = arith.index_cast %rem3A_211 : i32 to index
        %swap3A_384 = arith.constant 208 : index
        %swap3A_385 = tpu.vector_load %arg11[%swap3A_382, %swap3A_383, %swap3A_384] {strides = array<i32>} : memref<2x64x384xf32, #tpu.memory_space<vmem>>, vector<16xf32>,
        tpu.vector_store %arg11[%swap3A_382, %swap3A_383, %swap3A_384], %gather3A_381 {strides = array<i32>} : memref<2x64x384xf32, #tpu.memory_space<vmem>>, vector<16xf32>,
        %add3A_386 = arith.constant 224 : i32
        %add3A_387 = vector.broadcast %add3A_386 : i32 to vector<16xi32>
        %add3A_388 = arith.addi %iota3A, %add3A_387 : vector<16xi32>
        %gather3A_389 = arith.constant 0 : i32
        %gather3A_390 = arith.constant 0 : i32
        %gather3A_391 = tpu.memref_slice %arg10[%rem3A_112, %gather3A_389, %gather3A_390] : memref<2x300x128xf32, #tpu.memory_space<vmem>> -> memref<1x300x128xf32, #tpu.memory_space<vmem>>
        %gather3A_392 = tpu.memref_squeeze %gather3A_391 : memref<1x300x128xf32, #tpu.memory_space<vmem>> -> memref<300x128xf32, #tpu.memory_space<vmem>>
        %gather3A_393 = tpu.vector_load_idx %gather3A_392[%add3A_388, %and3A_205] : memref<300x128xf32, #tpu.memory_space<vmem>>[vector<16xi32>, vector<16xi32>], vector<16xf32>,
        %swap3A_394 = arith.index_cast %rem3A_209 : i32 to index
        %swap3A_395 = arith.index_cast %rem3A_211 : i32 to index
        %swap3A_396 = arith.constant 224 : index
        %swap3A_397 = tpu.vector_load %arg11[%swap3A_394, %swap3A_395, %swap3A_396] {strides = array<i32>} : memref<2x64x384xf32, #tpu.memory_space<vmem>>, vector<16xf32>,
        tpu.vector_store %arg11[%swap3A_394, %swap3A_395, %swap3A_396], %gather3A_393 {strides = array<i32>} : memref<2x64x384xf32, #tpu.memory_space<vmem>>, vector<16xf32>,
        %add3A_398 = arith.constant 240 : i32
        %add3A_399 = vector.broadcast %add3A_398 : i32 to vector<16xi32>
        %add3A_400 = arith.addi %iota3A, %add3A_399 : vector<16xi32>
        %gather3A_401 = arith.constant 0 : i32
        %gather3A_402 = arith.constant 0 : i32
        %gather3A_403 = tpu.memref_slice %arg10[%rem3A_112, %gather3A_401, %gather3A_402] : memref<2x300x128xf32, #tpu.memory_space<vmem>> -> memref<1x300x128xf32, #tpu.memory_space<vmem>>
        %gather3A_404 = tpu.memref_squeeze %gather3A_403 : memref<1x300x128xf32, #tpu.memory_space<vmem>> -> memref<300x128xf32, #tpu.memory_space<vmem>>
        %gather3A_405 = tpu.vector_load_idx %gather3A_404[%add3A_400, %and3A_205] : memref<300x128xf32, #tpu.memory_space<vmem>>[vector<16xi32>, vector<16xi32>], vector<16xf32>,
        %swap3A_406 = arith.index_cast %rem3A_209 : i32 to index
        %swap3A_407 = arith.index_cast %rem3A_211 : i32 to index
        %swap3A_408 = arith.constant 240 : index
        %swap3A_409 = tpu.vector_load %arg11[%swap3A_406, %swap3A_407, %swap3A_408] {strides = array<i32>} : memref<2x64x384xf32, #tpu.memory_space<vmem>>, vector<16xf32>,
        tpu.vector_store %arg11[%swap3A_406, %swap3A_407, %swap3A_408], %gather3A_405 {strides = array<i32>} : memref<2x64x384xf32, #tpu.memory_space<vmem>>, vector<16xf32>,
        %add3A_410 = arith.constant 256 : i32
        %add3A_411 = vector.broadcast %add3A_410 : i32 to vector<16xi32>
        %add3A_412 = arith.addi %iota3A, %add3A_411 : vector<16xi32>
        %gather3A_413 = arith.constant 0 : i32
        %gather3A_414 = arith.constant 0 : i32
        %gather3A_415 = tpu.memref_slice %arg10[%rem3A_112, %gather3A_413, %gather3A_414] : memref<2x300x128xf32, #tpu.memory_space<vmem>> -> memref<1x300x128xf32, #tpu.memory_space<vmem>>
        %gather3A_416 = tpu.memref_squeeze %gather3A_415 : memref<1x300x128xf32, #tpu.memory_space<vmem>> -> memref<300x128xf32, #tpu.memory_space<vmem>>
        %gather3A_417 = tpu.vector_load_idx %gather3A_416[%add3A_412, %and3A_205] : memref<300x128xf32, #tpu.memory_space<vmem>>[vector<16xi32>, vector<16xi32>], vector<16xf32>,
        %swap3A_418 = arith.index_cast %rem3A_209 : i32 to index
        %swap3A_419 = arith.index_cast %rem3A_211 : i32 to index
        %swap3A_420 = arith.constant 256 : index
        %swap3A_421 = tpu.vector_load %arg11[%swap3A_418, %swap3A_419, %swap3A_420] {strides = array<i32>} : memref<2x64x384xf32, #tpu.memory_space<vmem>>, vector<16xf32>,
        tpu.vector_store %arg11[%swap3A_418, %swap3A_419, %swap3A_420], %gather3A_417 {strides = array<i32>} : memref<2x64x384xf32, #tpu.memory_space<vmem>>, vector<16xf32>,
        %add3A_422 = arith.constant 272 : i32
        %add3A_423 = vector.broadcast %add3A_422 : i32 to vector<16xi32>
        %add3A_424 = arith.addi %iota3A, %add3A_423 : vector<16xi32>
        %gather3A_425 = arith.constant 0 : i32
        %gather3A_426 = arith.constant 0 : i32
        %gather3A_427 = tpu.memref_slice %arg10[%rem3A_112, %gather3A_425, %gather3A_426] : memref<2x300x128xf32, #tpu.memory_space<vmem>> -> memref<1x300x128xf32, #tpu.memory_space<vmem>>
        %gather3A_428 = tpu.memref_squeeze %gather3A_427 : memref<1x300x128xf32, #tpu.memory_space<vmem>> -> memref<300x128xf32, #tpu.memory_space<vmem>>
        %gather3A_429 = tpu.vector_load_idx %gather3A_428[%add3A_424, %and3A_205] : memref<300x128xf32, #tpu.memory_space<vmem>>[vector<16xi32>, vector<16xi32>], vector<16xf32>,
        %swap3A_430 = arith.index_cast %rem3A_209 : i32 to index
        %swap3A_431 = arith.index_cast %rem3A_211 : i32 to index
        %swap3A_432 = arith.constant 272 : index
        %swap3A_433 = tpu.vector_load %arg11[%swap3A_430, %swap3A_431, %swap3A_432] {strides = array<i32>} : memref<2x64x384xf32, #tpu.memory_space<vmem>>, vector<16xf32>,
        tpu.vector_store %arg11[%swap3A_430, %swap3A_431, %swap3A_432], %gather3A_429 {strides = array<i32>} : memref<2x64x384xf32, #tpu.memory_space<vmem>>, vector<16xf32>,
        %add3A_434 = arith.constant 288 : i32
        %add3A_435 = vector.broadcast %add3A_434 : i32 to vector<16xi32>
        %add3A_436 = arith.addi %iota3A, %add3A_435 : vector<16xi32>
        %gather3A_437 = arith.constant 0 : i32
        %gather3A_438 = arith.constant 0 : i32
        %gather3A_439 = tpu.memref_slice %arg10[%rem3A_112, %gather3A_437, %gather3A_438] : memref<2x300x128xf32, #tpu.memory_space<vmem>> -> memref<1x300x128xf32, #tpu.memory_space<vmem>>
        %gather3A_440 = tpu.memref_squeeze %gather3A_439 : memref<1x300x128xf32, #tpu.memory_space<vmem>> -> memref<300x128xf32, #tpu.memory_space<vmem>>
        %gather3A_441 = tpu.vector_load_idx %gather3A_440[%add3A_436, %and3A_205] : memref<300x128xf32, #tpu.memory_space<vmem>>[vector<16xi32>, vector<16xi32>], vector<16xf32>,
        %swap3A_442 = arith.index_cast %rem3A_209 : i32 to index
        %swap3A_443 = arith.index_cast %rem3A_211 : i32 to index
        %swap3A_444 = arith.constant 288 : index
        %swap3A_445 = tpu.vector_load %arg11[%swap3A_442, %swap3A_443, %swap3A_444] {strides = array<i32>} : memref<2x64x384xf32, #tpu.memory_space<vmem>>, vector<16xf32>,
        tpu.vector_store %arg11[%swap3A_442, %swap3A_443, %swap3A_444], %gather3A_441 {strides = array<i32>} : memref<2x64x384xf32, #tpu.memory_space<vmem>>, vector<16xf32>,
        %eq3A_446 = arith.constant 63 : i32
        %eq3A_447 = arith.cmpi eq, %rem3A_211, %eq3A_446 : i32
        %convert_element_type3A_448 = arith.extui %eq3A_447 : i1 to i32
        %cond3A_449 = arith.constant 0 : i32
        %cond3A_450 = arith.cmpi ne, %convert_element_type3A_448, %cond3A_449 : i32
        scf.if %cond3A_450 {
          %div3A_452 = arith.constant 64 : i32
          %div3A_453 = arith.divsi %while3A_154, %div3A_452 : i32
          %rem3A_454 = arith.constant 2 : i32
          %rem3A_455 = arith.remsi %div3A_453, %rem3A_454 : i32
          %dma_start3A_456 = arith.constant 0 : i32
          %dma_start3A_457 = tpu.memref_slice %arg11[%rem3A_455, %dma_start3A_456, %while3A] : memref<2x64x384xf32, #tpu.memory_space<vmem>> -> memref<1x64x128xf32, #tpu.memory_space<vmem>>
          %dma_start3A_458 = tpu.memref_squeeze %dma_start3A_457 : memref<1x64x128xf32, #tpu.memory_space<vmem>> -> memref<64x128xf32, #tpu.memory_space<vmem>>
          %dma_start3A_459 = arith.constant 0 : i32
          %dma_start3A_460 = tpu.memref_slice %arg9[%div3A_453, %dma_start3A_459] : memref<8x64xi32, #tpu.memory_space<vmem>> -> memref<1x64xi32, #tpu.memory_space<vmem>>
          %dma_start3A_461 = tpu.memref_squeeze %dma_start3A_460 : memref<1x64xi32, #tpu.memory_space<vmem>> -> memref<64xi32, #tpu.memory_space<vmem>>
          %dma_start3A_462 = arith.constant 0 : i32
          %dma_start3A_463 = tpu.memref_slice %arg5[%dma_start3A_462, %while3A] : memref<16384x300xf32, #tpu.memory_space<hbm>> -> memref<16384x128xf32, #tpu.memory_space<hbm>>
          tpu.enqueue_indirect_dma source(%dma_start3A_458 : memref<64x128xf32, #tpu.memory_space<vmem>>) target(%dma_start3A_463 : memref<16384x128xf32, #tpu.memory_space<hbm>>) offsets(%dma_start3A_461 : memref<64xi32, #tpu.memory_space<vmem>>) semaphore(%arg13 : memref<!tpu.dma_semaphore, #tpu.memory_space<semaphore_mem>>)
          %dma_start3A_464 = arith.constant 0 : i32
          %dma_start3A_465 = tpu.memref_slice %arg11[%rem3A_455, %dma_start3A_464, %while3A_25] : memref<2x64x384xf32, #tpu.memory_space<vmem>> -> memref<1x64x128xf32, #tpu.memory_space<vmem>>
          %dma_start3A_466 = tpu.memref_squeeze %dma_start3A_465 : memref<1x64x128xf32, #tpu.memory_space<vmem>> -> memref<64x128xf32, #tpu.memory_space<vmem>>
          %dma_start3A_467 = arith.constant 0 : i32
          %dma_start3A_468 = tpu.memref_slice %arg9[%div3A_453, %dma_start3A_467] : memref<8x64xi32, #tpu.memory_space<vmem>> -> memref<1x64xi32, #tpu.memory_space<vmem>>
          %dma_start3A_469 = tpu.memref_squeeze %dma_start3A_468 : memref<1x64xi32, #tpu.memory_space<vmem>> -> memref<64xi32, #tpu.memory_space<vmem>>
          %dma_start3A_470 = arith.constant 0 : i32
          %dma_start3A_471 = tpu.memref_slice %arg5[%dma_start3A_470, %while3A_25] : memref<16384x300xf32, #tpu.memory_space<hbm>> -> memref<16384x128xf32, #tpu.memory_space<hbm>>
          tpu.enqueue_indirect_dma source(%dma_start3A_466 : memref<64x128xf32, #tpu.memory_space<vmem>>) target(%dma_start3A_471 : memref<16384x128xf32, #tpu.memory_space<hbm>>) offsets(%dma_start3A_469 : memref<64xi32, #tpu.memory_space<vmem>>) semaphore(%arg13 : memref<!tpu.dma_semaphore, #tpu.memory_space<semaphore_mem>>)
          %dma_start3A_472 = arith.constant 0 : i32
          %dma_start3A_473 = tpu.memref_slice %arg11[%rem3A_455, %dma_start3A_472, %while3A_26] : memref<2x64x384xf32, #tpu.memory_space<vmem>> -> memref<1x64x128xf32, #tpu.memory_space<vmem>>
          %dma_start3A_474 = tpu.memref_squeeze %dma_start3A_473 : memref<1x64x128xf32, #tpu.memory_space<vmem>> -> memref<64x128xf32, #tpu.memory_space<vmem>>
          %dma_start3A_475 = arith.constant 0 : i32
          %dma_start3A_476 = tpu.memref_slice %arg9[%div3A_453, %dma_start3A_475] : memref<8x64xi32, #tpu.memory_space<vmem>> -> memref<1x64xi32, #tpu.memory_space<vmem>>
          %dma_start3A_477 = tpu.memref_squeeze %dma_start3A_476 : memref<1x64xi32, #tpu.memory_space<vmem>> -> memref<64xi32, #tpu.memory_space<vmem>>
          %dma_start3A_478 = arith.constant 0 : i32
          %dma_start3A_479 = tpu.memref_slice %arg5[%dma_start3A_478, %while3A_26] : memref<16384x300xf32, #tpu.memory_space<hbm>> -> memref<16384x128xf32, #tpu.memory_space<hbm>>
          tpu.enqueue_indirect_dma source(%dma_start3A_474 : memref<64x128xf32, #tpu.memory_space<vmem>>) target(%dma_start3A_479 : memref<16384x128xf32, #tpu.memory_space<hbm>>) offsets(%dma_start3A_477 : memref<64xi32, #tpu.memory_space<vmem>>) semaphore(%arg13 : memref<!tpu.dma_semaphore, #tpu.memory_space<semaphore_mem>>)
        } else {
        }
        %while3A_451 = arith.constant 0 : i32
        scf.yield %while3A_451 : i32
      }
      %while3A_151 = arith.constant 1 : i32
      %while3A_152 = scf.for %while3A_154 = %while3A_148 to %while3A_144 step %while3A_151 iter_args(%while3A_155 = %while3A_150) -> (i32)  : i32 {
        %jit3A_156 = arith.constant 16 : i32
        %div3A = arith.divsi %while3A_154, %jit3A_156 : i32
        %sign3A = arith.constant 0 : i32
        %sign3A_157 = arith.cmpi sgt, %while3A_154, %sign3A : i32
        %sign3A_158 = arith.extui %sign3A_157 : i1 to i32
        %sign3A_159 = arith.constant 0 : i32
        %sign3A_160 = arith.cmpi slt, %while3A_154, %sign3A_159 : i32
        %sign3A_161 = arith.extui %sign3A_160 : i1 to i32
        %sign3A_162 = arith.subi %sign3A_158, %sign3A_161 : i32
        %sign3A_163 = arith.constant 0 : i32
        %sign3A_164 = arith.cmpi sgt, %jit3A_156, %sign3A_163 : i32
        %sign3A_165 = arith.extui %sign3A_164 : i1 to i32
        %sign3A_166 = arith.constant 0 : i32
        %sign3A_167 = arith.cmpi slt, %jit3A_156, %sign3A_166 : i32
        %sign3A_168 = arith.extui %sign3A_167 : i1 to i32
        %sign3A_169 = arith.subi %sign3A_165, %sign3A_168 : i32
        %ne3A = arith.cmpi ne, %sign3A_162, %sign3A_169 : i32
        %rem3A_170 = arith.remsi %while3A_154, %jit3A_156 : i32
        %ne3A_171 = arith.constant 0 : i32
        %ne3A_172 = arith.cmpi ne, %rem3A_170, %ne3A_171 : i32
        %and3A = arith.andi %ne3A, %ne3A_172 : i1
        %sub3A = arith.constant 1 : i32
        %sub3A_173 = arith.subi %div3A, %sub3A : i32
        %select_n3A_174 = arith.select %and3A, %sub3A_173, %div3A : i32
        %mul3A_175 = arith.constant 16 : i32
        %mul3A_176 = arith.muli %select_n3A_174, %mul3A_175 : i32
        %get3A_177 = arith.index_cast %mul3A_176 : i32 to index
        %get3A_178 = tpu.vector_load %arg6[%get3A_177] {strides = array<i32>} : memref<512xi32, #tpu.memory_space<vmem>>, vector<16xi32>,
        %jit3A_179 = arith.constant 16 : i32
        %eq3A = arith.constant 0 : i32
        %eq3A_180 = arith.cmpi eq, %jit3A_179, %eq3A : i32
        %jit3A_181 = arith.constant 1 : i32
        %select_n3A_182 = arith.select %eq3A_180, %jit3A_181, %jit3A_179 : i32
        %rem3A_183 = arith.remsi %while3A_154, %select_n3A_182 : i32
        %ne3A_184 = arith.constant 0 : i32
        %ne3A_185 = arith.cmpi ne, %rem3A_183, %ne3A_184 : i32
        %lt3A_186 = arith.constant 0 : i32
        %lt3A_187 = arith.cmpi slt, %rem3A_183, %lt3A_186 : i32
        %lt3A_188 = arith.constant 0 : i32
        %lt3A_189 = arith.cmpi slt, %select_n3A_182, %lt3A_188 : i32
        %ne3A_190 = arith.xori %lt3A_187, %lt3A_189 : i1
        %and3A_191 = arith.andi %ne3A_190, %ne3A_185 : i1
        %add3A_192 = arith.addi %rem3A_183, %select_n3A_182 : i32
        %select_n3A_193 = arith.select %and3A_191, %add3A_192, %rem3A_183 : i32
        %broadcast_in_dim3A = vector.broadcast %select_n3A_193 : i32 to vector<16xi32>
        %lt3A_194 = arith.constant 0 : i32
        %lt3A_195 = vector.broadcast %lt3A_194 : i32 to vector<16xi32>
        %lt3A_196 = arith.cmpi slt, %broadcast_in_dim3A, %lt3A_195 : vector<16xi32>
        %add3A_197 = arith.constant 16 : i32
        %add3A_198 = vector.broadcast %add3A_197 : i32 to vector<16xi32>
        %add3A_199 = arith.addi %broadcast_in_dim3A, %add3A_198 : vector<16xi32>
        %select_n3A_200 = arith.select %lt3A_196, %add3A_199, %broadcast_in_dim3A : vector<16xi1>, vector<16xi32>
        %broadcast_in_dim3A_201 = vector.shape_cast %select_n3A_200 : vector<16xi32> to vector<16x1xi32>
        %gather3A = vector.shape_cast %broadcast_in_dim3A_201 : vector<16x1xi32> to vector<16xi32>
        %gather3A_202 = tpu.dynamic_gather %get3A_178[%gather3A] in [0] : vector<16xi32>, vector<16xi32> -> vector<16xi32>
        %and3A_203 = arith.constant 127 : i32
        %and3A_204 = vector.broadcast %and3A_203 : i32 to vector<16xi32>
        %and3A_205 = arith.andi %gather3A_202, %and3A_204 : vector<16xi32>
        %div3A_206 = arith.constant 64 : i32
        %div3A_207 = arith.divsi %while3A_154, %div3A_206 : i32
        %rem3A_208 = arith.constant 2 : i32
        %rem3A_209 = arith.remsi %div3A_207, %rem3A_208 : i32
        %rem3A_210 = arith.constant 64 : i32
        %rem3A_211 = arith.remsi %while3A_154, %rem3A_210 : i32
        %eq3A_212 = arith.constant 0 : i32
        %eq3A_213 = arith.cmpi eq, %rem3A_211, %eq3A_212 : i32
        %ge3A = arith.constant 128 : i32
        %ge3A_214 = arith.cmpi sge, %while3A_154, %ge3A : i32
        %and3A_215 = arith.andi %eq3A_213, %ge3A_214 : i1
        %convert_element_type3A_216 = arith.extui %and3A_215 : i1 to i32
        %cond3A_217 = arith.constant 0 : i32
        %cond3A_218 = arith.cmpi ne, %convert_element_type3A_216, %cond3A_217 : i32
        scf.if %cond3A_218 {
          %div3A_452 = arith.constant 64 : i32
          %div3A_453 = arith.divsi %while3A_154, %div3A_452 : i32
          %sub3A_454 = arith.constant 2 : i32
          %sub3A_455 = arith.subi %div3A_453, %sub3A_454 : i32
          %rem3A_456 = arith.constant 2 : i32
          %rem3A_457 = arith.remsi %sub3A_455, %rem3A_456 : i32
          %dma_wait3A_458 = arith.constant 0 : i32
          %dma_wait3A_459 = tpu.memref_slice %arg11[%rem3A_457, %dma_wait3A_458, %while3A] : memref<2x64x384xf32, #tpu.memory_space<vmem>> -> memref<1x64x128xf32, #tpu.memory_space<vmem>>
          %dma_wait3A_460 = tpu.memref_squeeze %dma_wait3A_459 : memref<1x64x128xf32, #tpu.memory_space<vmem>> -> memref<64x128xf32, #tpu.memory_space<vmem>>
          %dma_wait3A_461 = arith.constant 0 : i32
          %dma_wait3A_462 = tpu.memref_slice %arg9[%sub3A_455, %dma_wait3A_461] : memref<8x64xi32, #tpu.memory_space<vmem>> -> memref<1x64xi32, #tpu.memory_space<vmem>>
          %dma_wait3A_463 = tpu.memref_squeeze %dma_wait3A_462 : memref<1x64xi32, #tpu.memory_space<vmem>> -> memref<64xi32, #tpu.memory_space<vmem>>
          %dma_wait3A_464 = arith.constant 0 : i32
          %dma_wait3A_465 = tpu.memref_slice %arg5[%dma_wait3A_464, %while3A] : memref<16384x300xf32, #tpu.memory_space<hbm>> -> memref<16384x128xf32, #tpu.memory_space<hbm>>
          tpu.wait_indirect_dma semaphore(%arg13 : memref<!tpu.dma_semaphore, #tpu.memory_space<semaphore_mem>>) src(%dma_wait3A_460 : memref<64x128xf32, #tpu.memory_space<vmem>>) dst(%dma_wait3A_465 : memref<16384x128xf32, #tpu.memory_space<hbm>>)
          %dma_wait3A_466 = arith.constant 0 : i32
          %dma_wait3A_467 = tpu.memref_slice %arg11[%rem3A_457, %dma_wait3A_466, %while3A_25] : memref<2x64x384xf32, #tpu.memory_space<vmem>> -> memref<1x64x128xf32, #tpu.memory_space<vmem>>
          %dma_wait3A_468 = tpu.memref_squeeze %dma_wait3A_467 : memref<1x64x128xf32, #tpu.memory_space<vmem>> -> memref<64x128xf32, #tpu.memory_space<vmem>>
          %dma_wait3A_469 = arith.constant 0 : i32
          %dma_wait3A_470 = tpu.memref_slice %arg9[%sub3A_455, %dma_wait3A_469] : memref<8x64xi32, #tpu.memory_space<vmem>> -> memref<1x64xi32, #tpu.memory_space<vmem>>
          %dma_wait3A_471 = tpu.memref_squeeze %dma_wait3A_470 : memref<1x64xi32, #tpu.memory_space<vmem>> -> memref<64xi32, #tpu.memory_space<vmem>>
          %dma_wait3A_472 = arith.constant 0 : i32
          %dma_wait3A_473 = tpu.memref_slice %arg5[%dma_wait3A_472, %while3A_25] : memref<16384x300xf32, #tpu.memory_space<hbm>> -> memref<16384x128xf32, #tpu.memory_space<hbm>>
          tpu.wait_indirect_dma semaphore(%arg13 : memref<!tpu.dma_semaphore, #tpu.memory_space<semaphore_mem>>) src(%dma_wait3A_468 : memref<64x128xf32, #tpu.memory_space<vmem>>) dst(%dma_wait3A_473 : memref<16384x128xf32, #tpu.memory_space<hbm>>)
          %dma_wait3A_474 = arith.constant 0 : i32
          %dma_wait3A_475 = tpu.memref_slice %arg11[%rem3A_457, %dma_wait3A_474, %while3A_26] : memref<2x64x384xf32, #tpu.memory_space<vmem>> -> memref<1x64x128xf32, #tpu.memory_space<vmem>>
          %dma_wait3A_476 = tpu.memref_squeeze %dma_wait3A_475 : memref<1x64x128xf32, #tpu.memory_space<vmem>> -> memref<64x128xf32, #tpu.memory_space<vmem>>
          %dma_wait3A_477 = arith.constant 0 : i32
          %dma_wait3A_478 = tpu.memref_slice %arg9[%sub3A_455, %dma_wait3A_477] : memref<8x64xi32, #tpu.memory_space<vmem>> -> memref<1x64xi32, #tpu.memory_space<vmem>>
          %dma_wait3A_479 = tpu.memref_squeeze %dma_wait3A_478 : memref<1x64xi32, #tpu.memory_space<vmem>> -> memref<64xi32, #tpu.memory_space<vmem>>
          %dma_wait3A_480 = arith.constant 0 : i32
          %dma_wait3A_481 = tpu.memref_slice %arg5[%dma_wait3A_480, %while3A_26] : memref<16384x300xf32, #tpu.memory_space<hbm>> -> memref<16384x128xf32, #tpu.memory_space<hbm>>
          tpu.wait_indirect_dma semaphore(%arg13 : memref<!tpu.dma_semaphore, #tpu.memory_space<semaphore_mem>>) src(%dma_wait3A_476 : memref<64x128xf32, #tpu.memory_space<vmem>>) dst(%dma_wait3A_481 : memref<16384x128xf32, #tpu.memory_space<hbm>>)
        } else {
        }
        %add3A_219 = arith.constant 0 : i32
        %add3A_220 = vector.broadcast %add3A_219 : i32 to vector<16xi32>
        %add3A_221 = arith.addi %iota3A, %add3A_220 : vector<16xi32>
        %gather3A_222 = arith.constant 0 : i32
        %gather3A_223 = arith.constant 0 : i32
        %gather3A_224 = tpu.memref_slice %arg10[%rem3A_112, %gather3A_222, %gather3A_223] : memref<2x300x128xf32, #tpu.memory_space<vmem>> -> memref<1x300x128xf32, #tpu.memory_space<vmem>>
        %gather3A_225 = tpu.memref_squeeze %gather3A_224 : memref<1x300x128xf32, #tpu.memory_space<vmem>> -> memref<300x128xf32, #tpu.memory_space<vmem>>
        %gather3A_226 = tpu.vector_load_idx %gather3A_225[%add3A_221, %and3A_205] : memref<300x128xf32, #tpu.memory_space<vmem>>[vector<16xi32>, vector<16xi32>], vector<16xf32>,
        %swap3A = arith.index_cast %rem3A_209 : i32 to index
        %swap3A_227 = arith.index_cast %rem3A_211 : i32 to index
        %swap3A_228 = arith.constant 0 : index
        %swap3A_229 = tpu.vector_load %arg11[%swap3A, %swap3A_227, %swap3A_228] {strides = array<i32>} : memref<2x64x384xf32, #tpu.memory_space<vmem>>, vector<16xf32>,
        tpu.vector_store %arg11[%swap3A, %swap3A_227, %swap3A_228], %gather3A_226 {strides = array<i32>} : memref<2x64x384xf32, #tpu.memory_space<vmem>>, vector<16xf32>,
        %add3A_230 = arith.constant 16 : i32
        %add3A_231 = vector.broadcast %add3A_230 : i32 to vector<16xi32>
        %add3A_232 = arith.addi %iota3A, %add3A_231 : vector<16xi32>
        %gather3A_233 = arith.constant 0 : i32
        %gather3A_234 = arith.constant 0 : i32
        %gather3A_235 = tpu.memref_slice %arg10[%rem3A_112, %gather3A_233, %gather3A_234] : memref<2x300x128xf32, #tpu.memory_space<vmem>> -> memref<1x300x128xf32, #tpu.memory_space<vmem>>
        %gather3A_236 = tpu.memref_squeeze %gather3A_235 : memref<1x300x128xf32, #tpu.memory_space<vmem>> -> memref<300x128xf32, #tpu.memory_space<vmem>>
        %gather3A_237 = tpu.vector_load_idx %gather3A_236[%add3A_232, %and3A_205] : memref<300x128xf32, #tpu.memory_space<vmem>>[vector<16xi32>, vector<16xi32>], vector<16xf32>,
        %swap3A_238 = arith.index_cast %rem3A_209 : i32 to index
        %swap3A_239 = arith.index_cast %rem3A_211 : i32 to index
        %swap3A_240 = arith.constant 16 : index
        %swap3A_241 = tpu.vector_load %arg11[%swap3A_238, %swap3A_239, %swap3A_240] {strides = array<i32>} : memref<2x64x384xf32, #tpu.memory_space<vmem>>, vector<16xf32>,
        tpu.vector_store %arg11[%swap3A_238, %swap3A_239, %swap3A_240], %gather3A_237 {strides = array<i32>} : memref<2x64x384xf32, #tpu.memory_space<vmem>>, vector<16xf32>,
        %add3A_242 = arith.constant 32 : i32
        %add3A_243 = vector.broadcast %add3A_242 : i32 to vector<16xi32>
        %add3A_244 = arith.addi %iota3A, %add3A_243 : vector<16xi32>
        %gather3A_245 = arith.constant 0 : i32
        %gather3A_246 = arith.constant 0 : i32
        %gather3A_247 = tpu.memref_slice %arg10[%rem3A_112, %gather3A_245, %gather3A_246] : memref<2x300x128xf32, #tpu.memory_space<vmem>> -> memref<1x300x128xf32, #tpu.memory_space<vmem>>
        %gather3A_248 = tpu.memref_squeeze %gather3A_247 : memref<1x300x128xf32, #tpu.memory_space<vmem>> -> memref<300x128xf32, #tpu.memory_space<vmem>>
        %gather3A_249 = tpu.vector_load_idx %gather3A_248[%add3A_244, %and3A_205] : memref<300x128xf32, #tpu.memory_space<vmem>>[vector<16xi32>, vector<16xi32>], vector<16xf32>,
        %swap3A_250 = arith.index_cast %rem3A_209 : i32 to index
        %swap3A_251 = arith.index_cast %rem3A_211 : i32 to index
        %swap3A_252 = arith.constant 32 : index
        %swap3A_253 = tpu.vector_load %arg11[%swap3A_250, %swap3A_251, %swap3A_252] {strides = array<i32>} : memref<2x64x384xf32, #tpu.memory_space<vmem>>, vector<16xf32>,
        tpu.vector_store %arg11[%swap3A_250, %swap3A_251, %swap3A_252], %gather3A_249 {strides = array<i32>} : memref<2x64x384xf32, #tpu.memory_space<vmem>>, vector<16xf32>,
        %add3A_254 = arith.constant 48 : i32
        %add3A_255 = vector.broadcast %add3A_254 : i32 to vector<16xi32>
        %add3A_256 = arith.addi %iota3A, %add3A_255 : vector<16xi32>
        %gather3A_257 = arith.constant 0 : i32
        %gather3A_258 = arith.constant 0 : i32
        %gather3A_259 = tpu.memref_slice %arg10[%rem3A_112, %gather3A_257, %gather3A_258] : memref<2x300x128xf32, #tpu.memory_space<vmem>> -> memref<1x300x128xf32, #tpu.memory_space<vmem>>
        %gather3A_260 = tpu.memref_squeeze %gather3A_259 : memref<1x300x128xf32, #tpu.memory_space<vmem>> -> memref<300x128xf32, #tpu.memory_space<vmem>>
        %gather3A_261 = tpu.vector_load_idx %gather3A_260[%add3A_256, %and3A_205] : memref<300x128xf32, #tpu.memory_space<vmem>>[vector<16xi32>, vector<16xi32>], vector<16xf32>,
        %swap3A_262 = arith.index_cast %rem3A_209 : i32 to index
        %swap3A_263 = arith.index_cast %rem3A_211 : i32 to index
        %swap3A_264 = arith.constant 48 : index
        %swap3A_265 = tpu.vector_load %arg11[%swap3A_262, %swap3A_263, %swap3A_264] {strides = array<i32>} : memref<2x64x384xf32, #tpu.memory_space<vmem>>, vector<16xf32>,
        tpu.vector_store %arg11[%swap3A_262, %swap3A_263, %swap3A_264], %gather3A_261 {strides = array<i32>} : memref<2x64x384xf32, #tpu.memory_space<vmem>>, vector<16xf32>,
        %add3A_266 = arith.constant 64 : i32
        %add3A_267 = vector.broadcast %add3A_266 : i32 to vector<16xi32>
        %add3A_268 = arith.addi %iota3A, %add3A_267 : vector<16xi32>
        %gather3A_269 = arith.constant 0 : i32
        %gather3A_270 = arith.constant 0 : i32
        %gather3A_271 = tpu.memref_slice %arg10[%rem3A_112, %gather3A_269, %gather3A_270] : memref<2x300x128xf32, #tpu.memory_space<vmem>> -> memref<1x300x128xf32, #tpu.memory_space<vmem>>
        %gather3A_272 = tpu.memref_squeeze %gather3A_271 : memref<1x300x128xf32, #tpu.memory_space<vmem>> -> memref<300x128xf32, #tpu.memory_space<vmem>>
        %gather3A_273 = tpu.vector_load_idx %gather3A_272[%add3A_268, %and3A_205] : memref<300x128xf32, #tpu.memory_space<vmem>>[vector<16xi32>, vector<16xi32>], vector<16xf32>,
        %swap3A_274 = arith.index_cast %rem3A_209 : i32 to index
        %swap3A_275 = arith.index_cast %rem3A_211 : i32 to index
        %swap3A_276 = arith.constant 64 : index
        %swap3A_277 = tpu.vector_load %arg11[%swap3A_274, %swap3A_275, %swap3A_276] {strides = array<i32>} : memref<2x64x384xf32, #tpu.memory_space<vmem>>, vector<16xf32>,
        tpu.vector_store %arg11[%swap3A_274, %swap3A_275, %swap3A_276], %gather3A_273 {strides = array<i32>} : memref<2x64x384xf32, #tpu.memory_space<vmem>>, vector<16xf32>,
        %add3A_278 = arith.constant 80 : i32
        %add3A_279 = vector.broadcast %add3A_278 : i32 to vector<16xi32>
        %add3A_280 = arith.addi %iota3A, %add3A_279 : vector<16xi32>
        %gather3A_281 = arith.constant 0 : i32
        %gather3A_282 = arith.constant 0 : i32
        %gather3A_283 = tpu.memref_slice %arg10[%rem3A_112, %gather3A_281, %gather3A_282] : memref<2x300x128xf32, #tpu.memory_space<vmem>> -> memref<1x300x128xf32, #tpu.memory_space<vmem>>
        %gather3A_284 = tpu.memref_squeeze %gather3A_283 : memref<1x300x128xf32, #tpu.memory_space<vmem>> -> memref<300x128xf32, #tpu.memory_space<vmem>>
        %gather3A_285 = tpu.vector_load_idx %gather3A_284[%add3A_280, %and3A_205] : memref<300x128xf32, #tpu.memory_space<vmem>>[vector<16xi32>, vector<16xi32>], vector<16xf32>,
        %swap3A_286 = arith.index_cast %rem3A_209 : i32 to index
        %swap3A_287 = arith.index_cast %rem3A_211 : i32 to index
        %swap3A_288 = arith.constant 80 : index
        %swap3A_289 = tpu.vector_load %arg11[%swap3A_286, %swap3A_287, %swap3A_288] {strides = array<i32>} : memref<2x64x384xf32, #tpu.memory_space<vmem>>, vector<16xf32>,
        tpu.vector_store %arg11[%swap3A_286, %swap3A_287, %swap3A_288], %gather3A_285 {strides = array<i32>} : memref<2x64x384xf32, #tpu.memory_space<vmem>>, vector<16xf32>,
        %add3A_290 = arith.constant 96 : i32
        %add3A_291 = vector.broadcast %add3A_290 : i32 to vector<16xi32>
        %add3A_292 = arith.addi %iota3A, %add3A_291 : vector<16xi32>
        %gather3A_293 = arith.constant 0 : i32
        %gather3A_294 = arith.constant 0 : i32
        %gather3A_295 = tpu.memref_slice %arg10[%rem3A_112, %gather3A_293, %gather3A_294] : memref<2x300x128xf32, #tpu.memory_space<vmem>> -> memref<1x300x128xf32, #tpu.memory_space<vmem>>
        %gather3A_296 = tpu.memref_squeeze %gather3A_295 : memref<1x300x128xf32, #tpu.memory_space<vmem>> -> memref<300x128xf32, #tpu.memory_space<vmem>>
        %gather3A_297 = tpu.vector_load_idx %gather3A_296[%add3A_292, %and3A_205] : memref<300x128xf32, #tpu.memory_space<vmem>>[vector<16xi32>, vector<16xi32>], vector<16xf32>,
        %swap3A_298 = arith.index_cast %rem3A_209 : i32 to index
        %swap3A_299 = arith.index_cast %rem3A_211 : i32 to index
        %swap3A_300 = arith.constant 96 : index
        %swap3A_301 = tpu.vector_load %arg11[%swap3A_298, %swap3A_299, %swap3A_300] {strides = array<i32>} : memref<2x64x384xf32, #tpu.memory_space<vmem>>, vector<16xf32>,
        tpu.vector_store %arg11[%swap3A_298, %swap3A_299, %swap3A_300], %gather3A_297 {strides = array<i32>} : memref<2x64x384xf32, #tpu.memory_space<vmem>>, vector<16xf32>,
        %add3A_302 = arith.constant 112 : i32
        %add3A_303 = vector.broadcast %add3A_302 : i32 to vector<16xi32>
        %add3A_304 = arith.addi %iota3A, %add3A_303 : vector<16xi32>
        %gather3A_305 = arith.constant 0 : i32
        %gather3A_306 = arith.constant 0 : i32
        %gather3A_307 = tpu.memref_slice %arg10[%rem3A_112, %gather3A_305, %gather3A_306] : memref<2x300x128xf32, #tpu.memory_space<vmem>> -> memref<1x300x128xf32, #tpu.memory_space<vmem>>
        %gather3A_308 = tpu.memref_squeeze %gather3A_307 : memref<1x300x128xf32, #tpu.memory_space<vmem>> -> memref<300x128xf32, #tpu.memory_space<vmem>>
        %gather3A_309 = tpu.vector_load_idx %gather3A_308[%add3A_304, %and3A_205] : memref<300x128xf32, #tpu.memory_space<vmem>>[vector<16xi32>, vector<16xi32>], vector<16xf32>,
        %swap3A_310 = arith.index_cast %rem3A_209 : i32 to index
        %swap3A_311 = arith.index_cast %rem3A_211 : i32 to index
        %swap3A_312 = arith.constant 112 : index
        %swap3A_313 = tpu.vector_load %arg11[%swap3A_310, %swap3A_311, %swap3A_312] {strides = array<i32>} : memref<2x64x384xf32, #tpu.memory_space<vmem>>, vector<16xf32>,
        tpu.vector_store %arg11[%swap3A_310, %swap3A_311, %swap3A_312], %gather3A_309 {strides = array<i32>} : memref<2x64x384xf32, #tpu.memory_space<vmem>>, vector<16xf32>,
        %add3A_314 = arith.constant 128 : i32
        %add3A_315 = vector.broadcast %add3A_314 : i32 to vector<16xi32>
        %add3A_316 = arith.addi %iota3A, %add3A_315 : vector<16xi32>
        %gather3A_317 = arith.constant 0 : i32
        %gather3A_318 = arith.constant 0 : i32
        %gather3A_319 = tpu.memref_slice %arg10[%rem3A_112, %gather3A_317, %gather3A_318] : memref<2x300x128xf32, #tpu.memory_space<vmem>> -> memref<1x300x128xf32, #tpu.memory_space<vmem>>
        %gather3A_320 = tpu.memref_squeeze %gather3A_319 : memref<1x300x128xf32, #tpu.memory_space<vmem>> -> memref<300x128xf32, #tpu.memory_space<vmem>>
        %gather3A_321 = tpu.vector_load_idx %gather3A_320[%add3A_316, %and3A_205] : memref<300x128xf32, #tpu.memory_space<vmem>>[vector<16xi32>, vector<16xi32>], vector<16xf32>,
        %swap3A_322 = arith.index_cast %rem3A_209 : i32 to index
        %swap3A_323 = arith.index_cast %rem3A_211 : i32 to index
        %swap3A_324 = arith.constant 128 : index
        %swap3A_325 = tpu.vector_load %arg11[%swap3A_322, %swap3A_323, %swap3A_324] {strides = array<i32>} : memref<2x64x384xf32, #tpu.memory_space<vmem>>, vector<16xf32>,
        tpu.vector_store %arg11[%swap3A_322, %swap3A_323, %swap3A_324], %gather3A_321 {strides = array<i32>} : memref<2x64x384xf32, #tpu.memory_space<vmem>>, vector<16xf32>,
        %add3A_326 = arith.constant 144 : i32
        %add3A_327 = vector.broadcast %add3A_326 : i32 to vector<16xi32>
        %add3A_328 = arith.addi %iota3A, %add3A_327 : vector<16xi32>
        %gather3A_329 = arith.constant 0 : i32
        %gather3A_330 = arith.constant 0 : i32
        %gather3A_331 = tpu.memref_slice %arg10[%rem3A_112, %gather3A_329, %gather3A_330] : memref<2x300x128xf32, #tpu.memory_space<vmem>> -> memref<1x300x128xf32, #tpu.memory_space<vmem>>
        %gather3A_332 = tpu.memref_squeeze %gather3A_331 : memref<1x300x128xf32, #tpu.memory_space<vmem>> -> memref<300x128xf32, #tpu.memory_space<vmem>>
        %gather3A_333 = tpu.vector_load_idx %gather3A_332[%add3A_328, %and3A_205] : memref<300x128xf32, #tpu.memory_space<vmem>>[vector<16xi32>, vector<16xi32>], vector<16xf32>,
        %swap3A_334 = arith.index_cast %rem3A_209 : i32 to index
        %swap3A_335 = arith.index_cast %rem3A_211 : i32 to index
        %swap3A_336 = arith.constant 144 : index
        %swap3A_337 = tpu.vector_load %arg11[%swap3A_334, %swap3A_335, %swap3A_336] {strides = array<i32>} : memref<2x64x384xf32, #tpu.memory_space<vmem>>, vector<16xf32>,
        tpu.vector_store %arg11[%swap3A_334, %swap3A_335, %swap3A_336], %gather3A_333 {strides = array<i32>} : memref<2x64x384xf32, #tpu.memory_space<vmem>>, vector<16xf32>,
        %add3A_338 = arith.constant 160 : i32
        %add3A_339 = vector.broadcast %add3A_338 : i32 to vector<16xi32>
        %add3A_340 = arith.addi %iota3A, %add3A_339 : vector<16xi32>
        %gather3A_341 = arith.constant 0 : i32
        %gather3A_342 = arith.constant 0 : i32
        %gather3A_343 = tpu.memref_slice %arg10[%rem3A_112, %gather3A_341, %gather3A_342] : memref<2x300x128xf32, #tpu.memory_space<vmem>> -> memref<1x300x128xf32, #tpu.memory_space<vmem>>
        %gather3A_344 = tpu.memref_squeeze %gather3A_343 : memref<1x300x128xf32, #tpu.memory_space<vmem>> -> memref<300x128xf32, #tpu.memory_space<vmem>>
        %gather3A_345 = tpu.vector_load_idx %gather3A_344[%add3A_340, %and3A_205] : memref<300x128xf32, #tpu.memory_space<vmem>>[vector<16xi32>, vector<16xi32>], vector<16xf32>,
        %swap3A_346 = arith.index_cast %rem3A_209 : i32 to index
        %swap3A_347 = arith.index_cast %rem3A_211 : i32 to index
        %swap3A_348 = arith.constant 160 : index
        %swap3A_349 = tpu.vector_load %arg11[%swap3A_346, %swap3A_347, %swap3A_348] {strides = array<i32>} : memref<2x64x384xf32, #tpu.memory_space<vmem>>, vector<16xf32>,
        tpu.vector_store %arg11[%swap3A_346, %swap3A_347, %swap3A_348], %gather3A_345 {strides = array<i32>} : memref<2x64x384xf32, #tpu.memory_space<vmem>>, vector<16xf32>,
        %add3A_350 = arith.constant 176 : i32
        %add3A_351 = vector.broadcast %add3A_350 : i32 to vector<16xi32>
        %add3A_352 = arith.addi %iota3A, %add3A_351 : vector<16xi32>
        %gather3A_353 = arith.constant 0 : i32
        %gather3A_354 = arith.constant 0 : i32
        %gather3A_355 = tpu.memref_slice %arg10[%rem3A_112, %gather3A_353, %gather3A_354] : memref<2x300x128xf32, #tpu.memory_space<vmem>> -> memref<1x300x128xf32, #tpu.memory_space<vmem>>
        %gather3A_356 = tpu.memref_squeeze %gather3A_355 : memref<1x300x128xf32, #tpu.memory_space<vmem>> -> memref<300x128xf32, #tpu.memory_space<vmem>>
        %gather3A_357 = tpu.vector_load_idx %gather3A_356[%add3A_352, %and3A_205] : memref<300x128xf32, #tpu.memory_space<vmem>>[vector<16xi32>, vector<16xi32>], vector<16xf32>,
        %swap3A_358 = arith.index_cast %rem3A_209 : i32 to index
        %swap3A_359 = arith.index_cast %rem3A_211 : i32 to index
        %swap3A_360 = arith.constant 176 : index
        %swap3A_361 = tpu.vector_load %arg11[%swap3A_358, %swap3A_359, %swap3A_360] {strides = array<i32>} : memref<2x64x384xf32, #tpu.memory_space<vmem>>, vector<16xf32>,
        tpu.vector_store %arg11[%swap3A_358, %swap3A_359, %swap3A_360], %gather3A_357 {strides = array<i32>} : memref<2x64x384xf32, #tpu.memory_space<vmem>>, vector<16xf32>,
        %add3A_362 = arith.constant 192 : i32
        %add3A_363 = vector.broadcast %add3A_362 : i32 to vector<16xi32>
        %add3A_364 = arith.addi %iota3A, %add3A_363 : vector<16xi32>
        %gather3A_365 = arith.constant 0 : i32
        %gather3A_366 = arith.constant 0 : i32
        %gather3A_367 = tpu.memref_slice %arg10[%rem3A_112, %gather3A_365, %gather3A_366] : memref<2x300x128xf32, #tpu.memory_space<vmem>> -> memref<1x300x128xf32, #tpu.memory_space<vmem>>
        %gather3A_368 = tpu.memref_squeeze %gather3A_367 : memref<1x300x128xf32, #tpu.memory_space<vmem>> -> memref<300x128xf32, #tpu.memory_space<vmem>>
        %gather3A_369 = tpu.vector_load_idx %gather3A_368[%add3A_364, %and3A_205] : memref<300x128xf32, #tpu.memory_space<vmem>>[vector<16xi32>, vector<16xi32>], vector<16xf32>,
        %swap3A_370 = arith.index_cast %rem3A_209 : i32 to index
        %swap3A_371 = arith.index_cast %rem3A_211 : i32 to index
        %swap3A_372 = arith.constant 192 : index
        %swap3A_373 = tpu.vector_load %arg11[%swap3A_370, %swap3A_371, %swap3A_372] {strides = array<i32>} : memref<2x64x384xf32, #tpu.memory_space<vmem>>, vector<16xf32>,
        tpu.vector_store %arg11[%swap3A_370, %swap3A_371, %swap3A_372], %gather3A_369 {strides = array<i32>} : memref<2x64x384xf32, #tpu.memory_space<vmem>>, vector<16xf32>,
        %add3A_374 = arith.constant 208 : i32
        %add3A_375 = vector.broadcast %add3A_374 : i32 to vector<16xi32>
        %add3A_376 = arith.addi %iota3A, %add3A_375 : vector<16xi32>
        %gather3A_377 = arith.constant 0 : i32
        %gather3A_378 = arith.constant 0 : i32
        %gather3A_379 = tpu.memref_slice %arg10[%rem3A_112, %gather3A_377, %gather3A_378] : memref<2x300x128xf32, #tpu.memory_space<vmem>> -> memref<1x300x128xf32, #tpu.memory_space<vmem>>
        %gather3A_380 = tpu.memref_squeeze %gather3A_379 : memref<1x300x128xf32, #tpu.memory_space<vmem>> -> memref<300x128xf32, #tpu.memory_space<vmem>>
        %gather3A_381 = tpu.vector_load_idx %gather3A_380[%add3A_376, %and3A_205] : memref<300x128xf32, #tpu.memory_space<vmem>>[vector<16xi32>, vector<16xi32>], vector<16xf32>,
        %swap3A_382 = arith.index_cast %rem3A_209 : i32 to index
        %swap3A_383 = arith.index_cast %rem3A_211 : i32 to index
        %swap3A_384 = arith.constant 208 : index
        %swap3A_385 = tpu.vector_load %arg11[%swap3A_382, %swap3A_383, %swap3A_384] {strides = array<i32>} : memref<2x64x384xf32, #tpu.memory_space<vmem>>, vector<16xf32>,
        tpu.vector_store %arg11[%swap3A_382, %swap3A_383, %swap3A_384], %gather3A_381 {strides = array<i32>} : memref<2x64x384xf32, #tpu.memory_space<vmem>>, vector<16xf32>,
        %add3A_386 = arith.constant 224 : i32
        %add3A_387 = vector.broadcast %add3A_386 : i32 to vector<16xi32>
        %add3A_388 = arith.addi %iota3A, %add3A_387 : vector<16xi32>
        %gather3A_389 = arith.constant 0 : i32
        %gather3A_390 = arith.constant 0 : i32
        %gather3A_391 = tpu.memref_slice %arg10[%rem3A_112, %gather3A_389, %gather3A_390] : memref<2x300x128xf32, #tpu.memory_space<vmem>> -> memref<1x300x128xf32, #tpu.memory_space<vmem>>
        %gather3A_392 = tpu.memref_squeeze %gather3A_391 : memref<1x300x128xf32, #tpu.memory_space<vmem>> -> memref<300x128xf32, #tpu.memory_space<vmem>>
        %gather3A_393 = tpu.vector_load_idx %gather3A_392[%add3A_388, %and3A_205] : memref<300x128xf32, #tpu.memory_space<vmem>>[vector<16xi32>, vector<16xi32>], vector<16xf32>,
        %swap3A_394 = arith.index_cast %rem3A_209 : i32 to index
        %swap3A_395 = arith.index_cast %rem3A_211 : i32 to index
        %swap3A_396 = arith.constant 224 : index
        %swap3A_397 = tpu.vector_load %arg11[%swap3A_394, %swap3A_395, %swap3A_396] {strides = array<i32>} : memref<2x64x384xf32, #tpu.memory_space<vmem>>, vector<16xf32>,
        tpu.vector_store %arg11[%swap3A_394, %swap3A_395, %swap3A_396], %gather3A_393 {strides = array<i32>} : memref<2x64x384xf32, #tpu.memory_space<vmem>>, vector<16xf32>,
        %add3A_398 = arith.constant 240 : i32
        %add3A_399 = vector.broadcast %add3A_398 : i32 to vector<16xi32>
        %add3A_400 = arith.addi %iota3A, %add3A_399 : vector<16xi32>
        %gather3A_401 = arith.constant 0 : i32
        %gather3A_402 = arith.constant 0 : i32
        %gather3A_403 = tpu.memref_slice %arg10[%rem3A_112, %gather3A_401, %gather3A_402] : memref<2x300x128xf32, #tpu.memory_space<vmem>> -> memref<1x300x128xf32, #tpu.memory_space<vmem>>
        %gather3A_404 = tpu.memref_squeeze %gather3A_403 : memref<1x300x128xf32, #tpu.memory_space<vmem>> -> memref<300x128xf32, #tpu.memory_space<vmem>>
        %gather3A_405 = tpu.vector_load_idx %gather3A_404[%add3A_400, %and3A_205] : memref<300x128xf32, #tpu.memory_space<vmem>>[vector<16xi32>, vector<16xi32>], vector<16xf32>,
        %swap3A_406 = arith.index_cast %rem3A_209 : i32 to index
        %swap3A_407 = arith.index_cast %rem3A_211 : i32 to index
        %swap3A_408 = arith.constant 240 : index
        %swap3A_409 = tpu.vector_load %arg11[%swap3A_406, %swap3A_407, %swap3A_408] {strides = array<i32>} : memref<2x64x384xf32, #tpu.memory_space<vmem>>, vector<16xf32>,
        tpu.vector_store %arg11[%swap3A_406, %swap3A_407, %swap3A_408], %gather3A_405 {strides = array<i32>} : memref<2x64x384xf32, #tpu.memory_space<vmem>>, vector<16xf32>,
        %add3A_410 = arith.constant 256 : i32
        %add3A_411 = vector.broadcast %add3A_410 : i32 to vector<16xi32>
        %add3A_412 = arith.addi %iota3A, %add3A_411 : vector<16xi32>
        %gather3A_413 = arith.constant 0 : i32
        %gather3A_414 = arith.constant 0 : i32
        %gather3A_415 = tpu.memref_slice %arg10[%rem3A_112, %gather3A_413, %gather3A_414] : memref<2x300x128xf32, #tpu.memory_space<vmem>> -> memref<1x300x128xf32, #tpu.memory_space<vmem>>
        %gather3A_416 = tpu.memref_squeeze %gather3A_415 : memref<1x300x128xf32, #tpu.memory_space<vmem>> -> memref<300x128xf32, #tpu.memory_space<vmem>>
        %gather3A_417 = tpu.vector_load_idx %gather3A_416[%add3A_412, %and3A_205] : memref<300x128xf32, #tpu.memory_space<vmem>>[vector<16xi32>, vector<16xi32>], vector<16xf32>,
        %swap3A_418 = arith.index_cast %rem3A_209 : i32 to index
        %swap3A_419 = arith.index_cast %rem3A_211 : i32 to index
        %swap3A_420 = arith.constant 256 : index
        %swap3A_421 = tpu.vector_load %arg11[%swap3A_418, %swap3A_419, %swap3A_420] {strides = array<i32>} : memref<2x64x384xf32, #tpu.memory_space<vmem>>, vector<16xf32>,
        tpu.vector_store %arg11[%swap3A_418, %swap3A_419, %swap3A_420], %gather3A_417 {strides = array<i32>} : memref<2x64x384xf32, #tpu.memory_space<vmem>>, vector<16xf32>,
        %add3A_422 = arith.constant 272 : i32
        %add3A_423 = vector.broadcast %add3A_422 : i32 to vector<16xi32>
        %add3A_424 = arith.addi %iota3A, %add3A_423 : vector<16xi32>
        %gather3A_425 = arith.constant 0 : i32
        %gather3A_426 = arith.constant 0 : i32
        %gather3A_427 = tpu.memref_slice %arg10[%rem3A_112, %gather3A_425, %gather3A_426] : memref<2x300x128xf32, #tpu.memory_space<vmem>> -> memref<1x300x128xf32, #tpu.memory_space<vmem>>
        %gather3A_428 = tpu.memref_squeeze %gather3A_427 : memref<1x300x128xf32, #tpu.memory_space<vmem>> -> memref<300x128xf32, #tpu.memory_space<vmem>>
        %gather3A_429 = tpu.vector_load_idx %gather3A_428[%add3A_424, %and3A_205] : memref<300x128xf32, #tpu.memory_space<vmem>>[vector<16xi32>, vector<16xi32>], vector<16xf32>,
        %swap3A_430 = arith.index_cast %rem3A_209 : i32 to index
        %swap3A_431 = arith.index_cast %rem3A_211 : i32 to index
        %swap3A_432 = arith.constant 272 : index
        %swap3A_433 = tpu.vector_load %arg11[%swap3A_430, %swap3A_431, %swap3A_432] {strides = array<i32>} : memref<2x64x384xf32, #tpu.memory_space<vmem>>, vector<16xf32>,
        tpu.vector_store %arg11[%swap3A_430, %swap3A_431, %swap3A_432], %gather3A_429 {strides = array<i32>} : memref<2x64x384xf32, #tpu.memory_space<vmem>>, vector<16xf32>,
        %add3A_434 = arith.constant 288 : i32
        %add3A_435 = vector.broadcast %add3A_434 : i32 to vector<16xi32>
        %add3A_436 = arith.addi %iota3A, %add3A_435 : vector<16xi32>
        %gather3A_437 = arith.constant 0 : i32
        %gather3A_438 = arith.constant 0 : i32
        %gather3A_439 = tpu.memref_slice %arg10[%rem3A_112, %gather3A_437, %gather3A_438] : memref<2x300x128xf32, #tpu.memory_space<vmem>> -> memref<1x300x128xf32, #tpu.memory_space<vmem>>
        %gather3A_440 = tpu.memref_squeeze %gather3A_439 : memref<1x300x128xf32, #tpu.memory_space<vmem>> -> memref<300x128xf32, #tpu.memory_space<vmem>>
        %gather3A_441 = tpu.vector_load_idx %gather3A_440[%add3A_436, %and3A_205] : memref<300x128xf32, #tpu.memory_space<vmem>>[vector<16xi32>, vector<16xi32>], vector<16xf32>,
        %swap3A_442 = arith.index_cast %rem3A_209 : i32 to index
        %swap3A_443 = arith.index_cast %rem3A_211 : i32 to index
        %swap3A_444 = arith.constant 288 : index
        %swap3A_445 = tpu.vector_load %arg11[%swap3A_442, %swap3A_443, %swap3A_444] {strides = array<i32>} : memref<2x64x384xf32, #tpu.memory_space<vmem>>, vector<16xf32>,
        tpu.vector_store %arg11[%swap3A_442, %swap3A_443, %swap3A_444], %gather3A_441 {strides = array<i32>} : memref<2x64x384xf32, #tpu.memory_space<vmem>>, vector<16xf32>,
        %eq3A_446 = arith.constant 63 : i32
        %eq3A_447 = arith.cmpi eq, %rem3A_211, %eq3A_446 : i32
        %convert_element_type3A_448 = arith.extui %eq3A_447 : i1 to i32
        %cond3A_449 = arith.constant 0 : i32
        %cond3A_450 = arith.cmpi ne, %convert_element_type3A_448, %cond3A_449 : i32
        scf.if %cond3A_450 {
          %div3A_452 = arith.constant 64 : i32
          %div3A_453 = arith.divsi %while3A_154, %div3A_452 : i32
          %rem3A_454 = arith.constant 2 : i32
          %rem3A_455 = arith.remsi %div3A_453, %rem3A_454 : i32
          %dma_start3A_456 = arith.constant 0 : i32
          %dma_start3A_457 = tpu.memref_slice %arg11[%rem3A_455, %dma_start3A_456, %while3A] : memref<2x64x384xf32, #tpu.memory_space<vmem>> -> memref<1x64x128xf32, #tpu.memory_space<vmem>>
          %dma_start3A_458 = tpu.memref_squeeze %dma_start3A_457 : memref<1x64x128xf32, #tpu.memory_space<vmem>> -> memref<64x128xf32, #tpu.memory_space<vmem>>
          %dma_start3A_459 = arith.constant 0 : i32
          %dma_start3A_460 = tpu.memref_slice %arg9[%div3A_453, %dma_start3A_459] : memref<8x64xi32, #tpu.memory_space<vmem>> -> memref<1x64xi32, #tpu.memory_space<vmem>>
          %dma_start3A_461 = tpu.memref_squeeze %dma_start3A_460 : memref<1x64xi32, #tpu.memory_space<vmem>> -> memref<64xi32, #tpu.memory_space<vmem>>
          %dma_start3A_462 = arith.constant 0 : i32
          %dma_start3A_463 = tpu.memref_slice %arg5[%dma_start3A_462, %while3A] : memref<16384x300xf32, #tpu.memory_space<hbm>> -> memref<16384x128xf32, #tpu.memory_space<hbm>>
          tpu.enqueue_indirect_dma source(%dma_start3A_458 : memref<64x128xf32, #tpu.memory_space<vmem>>) target(%dma_start3A_463 : memref<16384x128xf32, #tpu.memory_space<hbm>>) offsets(%dma_start3A_461 : memref<64xi32, #tpu.memory_space<vmem>>) semaphore(%arg13 : memref<!tpu.dma_semaphore, #tpu.memory_space<semaphore_mem>>)
          %dma_start3A_464 = arith.constant 0 : i32
          %dma_start3A_465 = tpu.memref_slice %arg11[%rem3A_455, %dma_start3A_464, %while3A_25] : memref<2x64x384xf32, #tpu.memory_space<vmem>> -> memref<1x64x128xf32, #tpu.memory_space<vmem>>
          %dma_start3A_466 = tpu.memref_squeeze %dma_start3A_465 : memref<1x64x128xf32, #tpu.memory_space<vmem>> -> memref<64x128xf32, #tpu.memory_space<vmem>>
          %dma_start3A_467 = arith.constant 0 : i32
          %dma_start3A_468 = tpu.memref_slice %arg9[%div3A_453, %dma_start3A_467] : memref<8x64xi32, #tpu.memory_space<vmem>> -> memref<1x64xi32, #tpu.memory_space<vmem>>
          %dma_start3A_469 = tpu.memref_squeeze %dma_start3A_468 : memref<1x64xi32, #tpu.memory_space<vmem>> -> memref<64xi32, #tpu.memory_space<vmem>>
          %dma_start3A_470 = arith.constant 0 : i32
          %dma_start3A_471 = tpu.memref_slice %arg5[%dma_start3A_470, %while3A_25] : memref<16384x300xf32, #tpu.memory_space<hbm>> -> memref<16384x128xf32, #tpu.memory_space<hbm>>
          tpu.enqueue_indirect_dma source(%dma_start3A_466 : memref<64x128xf32, #tpu.memory_space<vmem>>) target(%dma_start3A_471 : memref<16384x128xf32, #tpu.memory_space<hbm>>) offsets(%dma_start3A_469 : memref<64xi32, #tpu.memory_space<vmem>>) semaphore(%arg13 : memref<!tpu.dma_semaphore, #tpu.memory_space<semaphore_mem>>)
          %dma_start3A_472 = arith.constant 0 : i32
          %dma_start3A_473 = tpu.memref_slice %arg11[%rem3A_455, %dma_start3A_472, %while3A_26] : memref<2x64x384xf32, #tpu.memory_space<vmem>> -> memref<1x64x128xf32, #tpu.memory_space<vmem>>
          %dma_start3A_474 = tpu.memref_squeeze %dma_start3A_473 : memref<1x64x128xf32, #tpu.memory_space<vmem>> -> memref<64x128xf32, #tpu.memory_space<vmem>>
          %dma_start3A_475 = arith.constant 0 : i32
          %dma_start3A_476 = tpu.memref_slice %arg9[%div3A_453, %dma_start3A_475] : memref<8x64xi32, #tpu.memory_space<vmem>> -> memref<1x64xi32, #tpu.memory_space<vmem>>
          %dma_start3A_477 = tpu.memref_squeeze %dma_start3A_476 : memref<1x64xi32, #tpu.memory_space<vmem>> -> memref<64xi32, #tpu.memory_space<vmem>>
          %dma_start3A_478 = arith.constant 0 : i32
          %dma_start3A_479 = tpu.memref_slice %arg5[%dma_start3A_478, %while3A_26] : memref<16384x300xf32, #tpu.memory_space<hbm>> -> memref<16384x128xf32, #tpu.memory_space<hbm>>
          tpu.enqueue_indirect_dma source(%dma_start3A_474 : memref<64x128xf32, #tpu.memory_space<vmem>>) target(%dma_start3A_479 : memref<16384x128xf32, #tpu.memory_space<hbm>>) offsets(%dma_start3A_477 : memref<64xi32, #tpu.memory_space<vmem>>) semaphore(%arg13 : memref<!tpu.dma_semaphore, #tpu.memory_space<semaphore_mem>>)
        } else {
        }
        %while3A_451 = arith.constant 0 : i32
        scf.yield %while3A_451 : i32
      }
      %while3A_153 = arith.constant 0 : i32
      scf.yield %while3A_153 : i32
    }
    %rem3A = arith.constant 6 : i32
    %rem3A_39 = arith.constant 2 : i32
    %rem3A_40 = arith.remsi %rem3A, %rem3A_39 : i32
    %dma_wait3A = arith.constant 0 : i32
    %dma_wait3A_41 = arith.constant 6 : i32
    %dma_wait3A_42 = arith.constant 0 : i32
    %dma_wait3A_43 = arith.constant 0 : i32
    %dma_wait3A_44 = tpu.memref_slice %arg11[%rem3A_40, %dma_wait3A_43, %dma_wait3A] : memref<2x64x384xf32, #tpu.memory_space<vmem>> -> memref<1x64x128xf32, #tpu.memory_space<vmem>>
    %dma_wait3A_45 = tpu.memref_squeeze %dma_wait3A_44 : memref<1x64x128xf32, #tpu.memory_space<vmem>> -> memref<64x128xf32, #tpu.memory_space<vmem>>
    %dma_wait3A_46 = arith.constant 0 : i32
    %dma_wait3A_47 = tpu.memref_slice %arg9[%dma_wait3A_41, %dma_wait3A_46] : memref<8x64xi32, #tpu.memory_space<vmem>> -> memref<1x64xi32, #tpu.memory_space<vmem>>
    %dma_wait3A_48 = tpu.memref_squeeze %dma_wait3A_47 : memref<1x64xi32, #tpu.memory_space<vmem>> -> memref<64xi32, #tpu.memory_space<vmem>>
    %dma_wait3A_49 = arith.constant 0 : i32
    %dma_wait3A_50 = tpu.memref_slice %arg5[%dma_wait3A_49, %dma_wait3A_42] : memref<16384x300xf32, #tpu.memory_space<hbm>> -> memref<16384x128xf32, #tpu.memory_space<hbm>>
    tpu.wait_indirect_dma semaphore(%arg13 : memref<!tpu.dma_semaphore, #tpu.memory_space<semaphore_mem>>) src(%dma_wait3A_45 : memref<64x128xf32, #tpu.memory_space<vmem>>) dst(%dma_wait3A_50 : memref<16384x128xf32, #tpu.memory_space<hbm>>)
    %dma_wait3A_51 = arith.constant 128 : i32
    %dma_wait3A_52 = arith.constant 6 : i32
    %dma_wait3A_53 = arith.constant 128 : i32
    %dma_wait3A_54 = arith.constant 0 : i32
    %dma_wait3A_55 = tpu.memref_slice %arg11[%rem3A_40, %dma_wait3A_54, %dma_wait3A_51] : memref<2x64x384xf32, #tpu.memory_space<vmem>> -> memref<1x64x128xf32, #tpu.memory_space<vmem>>
    %dma_wait3A_56 = tpu.memref_squeeze %dma_wait3A_55 : memref<1x64x128xf32, #tpu.memory_space<vmem>> -> memref<64x128xf32, #tpu.memory_space<vmem>>
    %dma_wait3A_57 = arith.constant 0 : i32
    %dma_wait3A_58 = tpu.memref_slice %arg9[%dma_wait3A_52, %dma_wait3A_57] : memref<8x64xi32, #tpu.memory_space<vmem>> -> memref<1x64xi32, #tpu.memory_space<vmem>>
    %dma_wait3A_59 = tpu.memref_squeeze %dma_wait3A_58 : memref<1x64xi32, #tpu.memory_space<vmem>> -> memref<64xi32, #tpu.memory_space<vmem>>
    %dma_wait3A_60 = arith.constant 0 : i32
    %dma_wait3A_61 = tpu.memref_slice %arg5[%dma_wait3A_60, %dma_wait3A_53] : memref<16384x300xf32, #tpu.memory_space<hbm>> -> memref<16384x128xf32, #tpu.memory_space<hbm>>
    tpu.wait_indirect_dma semaphore(%arg13 : memref<!tpu.dma_semaphore, #tpu.memory_space<semaphore_mem>>) src(%dma_wait3A_56 : memref<64x128xf32, #tpu.memory_space<vmem>>) dst(%dma_wait3A_61 : memref<16384x128xf32, #tpu.memory_space<hbm>>)
    %dma_wait3A_62 = arith.constant 256 : i32
    %dma_wait3A_63 = arith.constant 6 : i32
    %dma_wait3A_64 = arith.constant 256 : i32
    %dma_wait3A_65 = arith.constant 0 : i32
    %dma_wait3A_66 = tpu.memref_slice %arg11[%rem3A_40, %dma_wait3A_65, %dma_wait3A_62] : memref<2x64x384xf32, #tpu.memory_space<vmem>> -> memref<1x64x128xf32, #tpu.memory_space<vmem>>
    %dma_wait3A_67 = tpu.memref_squeeze %dma_wait3A_66 : memref<1x64x128xf32, #tpu.memory_space<vmem>> -> memref<64x128xf32, #tpu.memory_space<vmem>>
    %dma_wait3A_68 = arith.constant 0 : i32
    %dma_wait3A_69 = tpu.memref_slice %arg9[%dma_wait3A_63, %dma_wait3A_68] : memref<8x64xi32, #tpu.memory_space<vmem>> -> memref<1x64xi32, #tpu.memory_space<vmem>>
    %dma_wait3A_70 = tpu.memref_squeeze %dma_wait3A_69 : memref<1x64xi32, #tpu.memory_space<vmem>> -> memref<64xi32, #tpu.memory_space<vmem>>
    %dma_wait3A_71 = arith.constant 0 : i32
    %dma_wait3A_72 = tpu.memref_slice %arg5[%dma_wait3A_71, %dma_wait3A_64] : memref<16384x300xf32, #tpu.memory_space<hbm>> -> memref<16384x128xf32, #tpu.memory_space<hbm>>
    tpu.wait_indirect_dma semaphore(%arg13 : memref<!tpu.dma_semaphore, #tpu.memory_space<semaphore_mem>>) src(%dma_wait3A_67 : memref<64x128xf32, #tpu.memory_space<vmem>>) dst(%dma_wait3A_72 : memref<16384x128xf32, #tpu.memory_space<hbm>>)
    %rem3A_73 = arith.constant 7 : i32
    %rem3A_74 = arith.constant 2 : i32
    %rem3A_75 = arith.remsi %rem3A_73, %rem3A_74 : i32
    %dma_wait3A_76 = arith.constant 0 : i32
    %dma_wait3A_77 = arith.constant 7 : i32
    %dma_wait3A_78 = arith.constant 0 : i32
    %dma_wait3A_79 = arith.constant 0 : i32
    %dma_wait3A_80 = tpu.memref_slice %arg11[%rem3A_75, %dma_wait3A_79, %dma_wait3A_76] : memref<2x64x384xf32, #tpu.memory_space<vmem>> -> memref<1x64x128xf32, #tpu.memory_space<vmem>>
    %dma_wait3A_81 = tpu.memref_squeeze %dma_wait3A_80 : memref<1x64x128xf32, #tpu.memory_space<vmem>> -> memref<64x128xf32, #tpu.memory_space<vmem>>
    %dma_wait3A_82 = arith.constant 0 : i32
    %dma_wait3A_83 = tpu.memref_slice %arg9[%dma_wait3A_77, %dma_wait3A_82] : memref<8x64xi32, #tpu.memory_space<vmem>> -> memref<1x64xi32, #tpu.memory_space<vmem>>
    %dma_wait3A_84 = tpu.memref_squeeze %dma_wait3A_83 : memref<1x64xi32, #tpu.memory_space<vmem>> -> memref<64xi32, #tpu.memory_space<vmem>>
    %dma_wait3A_85 = arith.constant 0 : i32
    %dma_wait3A_86 = tpu.memref_slice %arg5[%dma_wait3A_85, %dma_wait3A_78] : memref<16384x300xf32, #tpu.memory_space<hbm>> -> memref<16384x128xf32, #tpu.memory_space<hbm>>
    tpu.wait_indirect_dma semaphore(%arg13 : memref<!tpu.dma_semaphore, #tpu.memory_space<semaphore_mem>>) src(%dma_wait3A_81 : memref<64x128xf32, #tpu.memory_space<vmem>>) dst(%dma_wait3A_86 : memref<16384x128xf32, #tpu.memory_space<hbm>>)
    %dma_wait3A_87 = arith.constant 128 : i32
    %dma_wait3A_88 = arith.constant 7 : i32
    %dma_wait3A_89 = arith.constant 128 : i32
    %dma_wait3A_90 = arith.constant 0 : i32
    %dma_wait3A_91 = tpu.memref_slice %arg11[%rem3A_75, %dma_wait3A_90, %dma_wait3A_87] : memref<2x64x384xf32, #tpu.memory_space<vmem>> -> memref<1x64x128xf32, #tpu.memory_space<vmem>>
    %dma_wait3A_92 = tpu.memref_squeeze %dma_wait3A_91 : memref<1x64x128xf32, #tpu.memory_space<vmem>> -> memref<64x128xf32, #tpu.memory_space<vmem>>
    %dma_wait3A_93 = arith.constant 0 : i32
    %dma_wait3A_94 = tpu.memref_slice %arg9[%dma_wait3A_88, %dma_wait3A_93] : memref<8x64xi32, #tpu.memory_space<vmem>> -> memref<1x64xi32, #tpu.memory_space<vmem>>
    %dma_wait3A_95 = tpu.memref_squeeze %dma_wait3A_94 : memref<1x64xi32, #tpu.memory_space<vmem>> -> memref<64xi32, #tpu.memory_space<vmem>>
    %dma_wait3A_96 = arith.constant 0 : i32
    %dma_wait3A_97 = tpu.memref_slice %arg5[%dma_wait3A_96, %dma_wait3A_89] : memref<16384x300xf32, #tpu.memory_space<hbm>> -> memref<16384x128xf32, #tpu.memory_space<hbm>>
    tpu.wait_indirect_dma semaphore(%arg13 : memref<!tpu.dma_semaphore, #tpu.memory_space<semaphore_mem>>) src(%dma_wait3A_92 : memref<64x128xf32, #tpu.memory_space<vmem>>) dst(%dma_wait3A_97 : memref<16384x128xf32, #tpu.memory_space<hbm>>)
    %dma_wait3A_98 = arith.constant 256 : i32
    %dma_wait3A_99 = arith.constant 7 : i32
    %dma_wait3A_100 = arith.constant 256 : i32
    %dma_wait3A_101 = arith.constant 0 : i32
    %dma_wait3A_102 = tpu.memref_slice %arg11[%rem3A_75, %dma_wait3A_101, %dma_wait3A_98] : memref<2x64x384xf32, #tpu.memory_space<vmem>> -> memref<1x64x128xf32, #tpu.memory_space<vmem>>
    %dma_wait3A_103 = tpu.memref_squeeze %dma_wait3A_102 : memref<1x64x128xf32, #tpu.memory_space<vmem>> -> memref<64x128xf32, #tpu.memory_space<vmem>>
    %dma_wait3A_104 = arith.constant 0 : i32
    %dma_wait3A_105 = tpu.memref_slice %arg9[%dma_wait3A_99, %dma_wait3A_104] : memref<8x64xi32, #tpu.memory_space<vmem>> -> memref<1x64xi32, #tpu.memory_space<vmem>>
    %dma_wait3A_106 = tpu.memref_squeeze %dma_wait3A_105 : memref<1x64xi32, #tpu.memory_space<vmem>> -> memref<64xi32, #tpu.memory_space<vmem>>
    %dma_wait3A_107 = arith.constant 0 : i32
    %dma_wait3A_108 = tpu.memref_slice %arg5[%dma_wait3A_107, %dma_wait3A_100] : memref<16384x300xf32, #tpu.memory_space<hbm>> -> memref<16384x128xf32, #tpu.memory_space<hbm>>
    tpu.wait_indirect_dma semaphore(%arg13 : memref<!tpu.dma_semaphore, #tpu.memory_space<semaphore_mem>>) src(%dma_wait3A_103 : memref<64x128xf32, #tpu.memory_space<vmem>>) dst(%dma_wait3A_108 : memref<16384x128xf32, #tpu.memory_space<hbm>>)
    return
  }
}

</mosaic_0001>

<sc_bundles>
// kernel: kernel.3.cloned.1.call-start
scs
__scs_entry_jumppad:
0x0: {  	(pc) =	sbr.rel $0x88, $3  }
0x1: {  	(tag) =	ssettag $0x0;
	lr =	simm.s32 $0x1  }
0x2: {  	[smem:$0x3F9F] =	sst lr;
	_ =	strace $0xD0000000  }
0x3: {  	_ = 	snop  }
0x4: {  	_ = 	snop  }
0x5: {  	_ = 	snop  }
0x6: {  	_ = 	snop  }
0x7: {  	_ = 	snop  }
__scs_overlays_trampoline_lowered:
0x8: {  	[smem:$0x3FAE] =	sst s0  }
0x9: {  	[smem:$0x3FAF] =	sst s1  }
0xa: {  	[smem:$0x3FB0] =	sst s2  }
0xb: {  	[smem:$0x3FB1] =	sst s3  }
0xc: {  	[smem:$0x3FB2] =	sst s4  }
0xd: {  	[smem:$0x3FB3] =	sst s5  }
0xe: {  	[smem:$0x3FB4] =	sst s6  }
0xf: {  	[smem:$0x3FB5] =	sst s7  }
0x10: {  	[smem:$0x3FB6] =	sst s8  }
0x11: {  	[smem:$0x3FB7] =	sst s9;
	s0 =	simm.s32 @!p0 $0x0  }
0x12: {  	s1 =	sld [smem:$0x3F9D];
	s0 =	simm.s32 @p0 $0x1  }
0x13: {  	[smem:$0x3FB8] =	sst s0;
	s0 =	simm.s32 @!p1 $0x0  }
0x14: {  	s2 =	sld [smem:$0x3F9C];
	s0 =	simm.s32 @p1 $0x1  }
0x15: {  	[smem:$0x3FB9] =	sst s0;
	s0 =	simm.s32 @!p2 $0x0  }
0x16: {  	s3 =	sld [smem:$0x3FDB];
	s0 =	simm.s32 @p2 $0x1  }
0x17: {  	s4 =	simm.s32 $0x1BF5;
	[smem:$0x3FBB] =	sst s0  }
0x18: {  	s0 =	sld [smem:$0x3F9E];
	_ =	swait.ge [sflag:s4], $0x0  }
0x19: {  	s7 =	sld [smem:$0x3F9F]  }
0x1a: {  	s8 =	sadd.s32 $0xFFFFE003, lr  }
0x1b: {  	s9 =	sadd.s32 $0xFFFFFEF7, lr;
	s5 =	simm.s32 $0xFFFFFFFF;
	p2 =	slt.u32 s8, $0xFFFFF086  }
0x1c: {  	p1 =	slt.u32 s9, $0xF7A;
	s5 =	simm.s32 @!p2 $0x0  }
0x1d: {  	s5 =	simm.s32 @p1 $0x1;
	p0 =	seq.s32 s7, s2  }
0x1e: {  	s7 =	smul.u32 @!p0 $0xF7A, s2;
	p2 =	seq.s32 @!p0 s5, $0x0  }
0x1f: {  	s9 =	smul.u32 $0xF7A, s1;
	s8 =	simm.s32 @!p0 $0x1BF5;
	p2 =	por !p2, p0  }
0x20: {  	[sflag:s8] =	ssyncset.s32 @!p0 $0xFFFFF086;
	s6 =	sadd.s32 @!p0 s3, s7;
	s7 =	simm.s32 @!p0 $0x108  }
0x21: {  	s3 =	sadd.s32 s3, s9;
	s6 =	sadd.s32 @!p0 $0x88, s6;
	s7 =	simm.s32 @p2 $0x1082  }
0x22: {  	[simem:s7], [sflag:s8] =	dma.local @!p0 [hbm:s6], $0xF7A  }
0x23: {  	s9 =	sor.u32 $0xD0000000, s2;
	s6 =	simm.s32 $0x108;
	_ =	swait.ge @!p0 [sflag:s8], $0x0  }
0x24: {  	s3 =	sadd.s32 $0x88, s3;
	s6 =	simm.s32 @!p1 $0x1082;
	[sflag:s4] =	ssyncset.s32 $0xFFFFF086  }
0x25: {  	[simem:s6], [sflag:s4] =	dma.local [hbm:s3], $0xF7A  }
0x26: {  	[smem:$0x3F9F] =	sst s1;
	(tag) =	ssettag s2;
	_ =	strace s9  }
0x27: {  	s1 =	sld [smem:$0x3FAF]  }
0x28: {  	s2 =	sld [smem:$0x3FB0]  }
0x29: {  	s4 =	sld [smem:$0x3FB2]  }
0x2a: {  	p0 =	seq.s32 s5, $0x0;
	s5 =	sld [smem:$0x3FB3]  }
0x2b: {  	s6 =	sld [smem:$0x3FB4]  }
0x2c: {  	s7 =	sld [smem:$0x3FB5]  }
0x2d: {  	s3 =	simm.s32 $0x108;
	s8 =	sld [smem:$0x3FB6]  }
0x2e: {  	s3 =	simm.s32 @!p0 $0x1082;
	s9 =	sld [smem:$0x3FB7]  }
0x2f: {  	lr =	sadd.s32 s0, s3;
	s0 =	sld [smem:$0x3FAE]  }
0x30: {  	s3 =	sld [smem:$0x3FB1]  }
0x31: {  	[smem:$0x3FBA] =	sst s10  }
0x32: {  	s10 =	sld [smem:$0x3FB8];
	_ =	sdelay $0x3  }
0x33: {  	p0 =	seq.s32 s10, $0x1;
	s10 =	sld [smem:$0x3FBA];
	_ =	sdelay $0x3  }
0x34: {  	[smem:$0x3FBA] =	sst s10  }
0x35: {  	s10 =	sld [smem:$0x3FB9];
	_ =	sdelay $0x3  }
0x36: {  	p1 =	seq.s32 s10, $0x1;
	s10 =	sld [smem:$0x3FBA];
	_ =	sdelay $0x3  }
0x37: {  	[smem:$0x3FBA] =	sst s10  }
0x38: {  	s10 =	sld [smem:$0x3FBB]  }
0x39: {  	_ = 	snop;
	(pc) =	sbr.ind lr, $3  }
0x3a: {  	_ = 	snop  }
0x3b: {  	_ = 	snop  }
0x3c: {  	p2 =	seq.s32 s10, $0x1;
	s10 =	sld [smem:$0x3FBA]  }
0x3d: {  	_ =	shalt  }
0x3e: {  	_ =	shalt  }
0x3f: {  	_ =	shalt  }
0x40: {  	_ =	shalt  }
0x41: {  	_ =	shalt  }
0x42: {  	_ =	shalt  }
0x43: {  	_ =	shalt  }
0x44: {  	_ =	shalt  }
0x45: {  	_ =	shalt  }
0x46: {  	_ =	shalt  }
0x47: {  	_ =	shalt  }
0x48: {  	_ =	shalt  }
0x49: {  	_ =	shalt  }
0x4a: {  	_ =	shalt  }
0x4b: {  	_ =	shalt  }
0x4c: {  	_ =	shalt  }
0x4d: {  	_ =	shalt  }
0x4e: {  	_ =	shalt  }
0x4f: {  	_ =	shalt  }
0x50: {  	_ =	shalt  }
0x51: {  	_ =	shalt  }
0x52: {  	_ =	shalt  }
0x53: {  	_ =	shalt  }
0x54: {  	_ =	shalt  }
0x55: {  	_ =	shalt  }
0x56: {  	_ =	shalt  }
0x57: {  	_ =	shalt  }
0x58: {  	_ =	shalt  }
0x59: {  	_ =	shalt  }
0x5a: {  	_ =	shalt  }
0x5b: {  	_ =	shalt  }
0x5c: {  	_ =	shalt  }
0x5d: {  	_ =	shalt  }
0x5e: {  	_ =	shalt  }
0x5f: {  	_ =	shalt  }
0x60: {  	_ =	shalt  }
0x61: {  	_ =	shalt  }
0x62: {  	_ =	shalt  }
0x63: {  	_ =	shalt  }
0x64: {  	_ =	shalt  }
0x65: {  	_ =	shalt  }
0x66: {  	_ =	shalt  }
0x67: {  	_ =	shalt  }
0x68: {  	_ =	shalt  }
0x69: {  	_ =	shalt  }
0x6a: {  	_ =	shalt  }
0x6b: {  	_ =	shalt  }
0x6c: {  	_ =	shalt  }
0x6d: {  	_ =	shalt  }
0x6e: {  	_ =	shalt  }
0x6f: {  	_ =	shalt  }
0x70: {  	_ =	shalt  }
0x71: {  	_ =	shalt  }
0x72: {  	_ =	shalt  }
0x73: {  	_ =	shalt  }
0x74: {  	_ =	shalt  }
0x75: {  	_ =	shalt  }
0x76: {  	_ =	shalt  }
0x77: {  	_ =	shalt  }
0x78: {  	_ =	shalt  }
0x79: {  	_ =	shalt  }
0x7a: {  	_ =	shalt  }
0x7b: {  	_ =	shalt  }
0x7c: {  	_ =	shalt  }
0x7d: {  	_ =	shalt  }
0x7e: {  	_ =	shalt  }
0x7f: {  	_ =	shalt  }
0x80: {  	_ =	shalt  }
0x81: {  	_ =	shalt  }
0x82: {  	_ =	shalt  }
0x83: {  	_ =	shalt  }
0x84: {  	_ =	shalt  }
0x85: {  	_ =	shalt  }
0x86: {  	_ =	shalt  }
0x87: {  	_ =	shalt  }
.Lfunc_end0:
.L_simem_size_0:
called_computation_lowered:
.L_overlay_start_0:
0x88: {  	s2 =	sld [smem:$0x3FD9]  }
0x89: {  	s3 =	sld [smem:$0x3FFE];
	_ =	sdelay $0x1  }
0x8a: {  	s1 =	srdreg.scid  }
0x8b: {  	s0 =	sand.u32 $0x1, s1  }
0x8c: {  	s17 =	sshll.u32 s0, $0xA;
	s2 =	sadd.s32 s3, s2  }
0x8d: {  	s2 =	sadd.s32 s2, s17  }
0x8e: {  	[smem:$0x3FC6] =	sst s2  }
0x8f: {  	_ = 	snop  }
0x90: {  	s2 =	sld [smem:$0x3FC8]  }
0x91: {  	s18 =	sld [smem:$0x3FD0];
	(tm) =	ssettm $0x1  }
0x92: {  	s4 =	sld [smem:$0x3FFB];
	_ =	sdelay $0x3  }
0x93: {  	_ =	strace s4  }
0x94: {  	s4 =	sld [smem:$0x3FFC];
	_ =	sdelay $0x3  }
0x95: {  	_ =	strace s4  }
0x96: {  	s4 =	sld [smem:$0x3FFD];
	_ =	sdelay $0x3  }
0x97: {  	_ =	strace s4  }
0x98: {  	_ =	strace $0x8FFFFFFF  }
0x99: {  	s19 =	sld [smem:$0x3FDB];
	_ =	sdelay $0x1  }
0x9a: {  	s5 =	simm.s32 $_scs_section_size  }
0x9b: {  	s6 =	simm.s32 $_size__tile_overlayer_lowered;
	s7 =	simm.s32 $_tile_overlayer_lowered  }
0x9c: {  	s22 =	simm.s32 $0x1BFF;
	s21 =	sshll.u32 s7, $0x1;
	s4 =	sadd.s32 s5, s19  }
0x9d: {  	s8 =	simm.s32 $0x0;
	s20 =	sshll.u32 s6, $0x1;
	s6 =	sadd.s32 s21, s4  }
0x9e: {  	[timem:s8], [sflag:s22] =	dma.local [hbm:s6], s20  }
0x9f: {  	_ =	swait.ge [sflag:s22], s20  }
0xa0: {  	s5 =	ssub.s32 $0x0, s20;
	[sflag:s22] =	ssyncset.done $0x0  }
0xa1: {  	[sflag:s22] =	ssyncadd.s32 s5;
	_ =	sdelay $0x1  }
0xa2: {  	s23 =	simm.s32 $0x1B8B  }
0xa3: {  	_ =	swait.ge [sflag:s23], $0x1  }
0xa4: {  	[sflag:s23] =	ssyncset.done $0x0  }
0xa5: {  	s25 =	simm.s32 $0x1B8E;
	s24 =	sld [smem:$0x3FFE];
	[sflag:s23] =	ssyncadd.s32 $0xFFFFFFFF  }
0xa6: {  	s26 =	simm.s32 $execute0_lowered;
	[smem:$0x3FD2] =	sst s25  }
0xa7: {  	s6 =	sshll.u32 s26, $0x1;
	_ =	strace $0x80000046;
	[dreg:$0x1] =	wrdreg $0xFFFFFFFF  }
0xa8: {  	s28 =	simm.s32 $_size_execute0_lowered;
	s4 =	sadd.s32 s4, s6;
	[dreg:$0x0] =	wrdreg $0x0  }
0xa9: {  	s6 =	sshll.u32 s28, $0x1;
	[dreg:$0x2] =	wrdreg s4  }
0xaa: {  	[dreg:$0x3] =	wrdreg s6  }
0xab: {  	[dreg:$0x4] =	wrdreg $0xC0  }
0xac: {  	_ =	task [dreg:s8], $0x5FFFF  }
0xad: {  	[dreg:$0x1] =	wrdreg $0xFFFFFFFF  }
0xae: {  	[dreg:$0x0] =	wrdreg $0x60  }
0xaf: {  	[dreg:$0x2] =	wrdreg s24  }
0xb0: {  	[dreg:$0x3] =	wrdreg s18  }
0xb1: {  	[dreg:$0x4] =	wrdreg s2  }
0xb2: {  	[dreg:$0x5] =	wrdreg $0x9  }
0xb3: {  	_ =	task.clear_ibuf [dreg:s8], $0x6FFFF;
	_ =	strace $0x90000046  }
0xb4: {  	s29 =	simm.s32 $0x9;
	_ =	strace $0x80000048  }
0xb5: {  	_ =	swait.ge [sflag:s29], $0x1  }
0xb6: {  	[sflag:s29] =	ssyncadd.s32 $0xFFFFFFFF  }
0xb7: {  	_ =	strace $0x90000048  }
0xb8: {  	_ =	sfence  }
0xb9: {  	s30 =	sld [smem:$0x0];
	_ =	sdelay $0x2  }
0xba: {  	s31 =	sshll.u32 s1, $0xD;
	s1 =	sshrl.u32 s1, $0x2  }
0xbb: {  	s3 =	sand.u32 $0x4000, s31;
	s1 =	sadd.s32 s1, s30  }
0xbc: {  	s0 =	sor.u32 s3, s0;
	s1 =	sshll.u32 s1, $0x11  }
0xbd: {  	s0 =	sor.u32 s1, s0  }
0xbe: {  	s0 =	sadd.s32 $0x8F2B, s0  }
0xbf: {  	[sflag:s0] =	ssyncadd.remote.s32 $0x1  }
0xc0: {  	_ =	sfence.sel $0xFFFF  }
0xc1: {  	[dreg:$0x0] =	wrdreg $0xFFFFFFFF;
	(pc) =	sbr.abs _section_cstart, $3  }
0xc2: {  	[dreg:$0x1] =	wrdreg $0xFFFFFFFF  }
0xc3: {  	_ =	task.clear_ibuf [dreg:s8], $0x2FFFF;
	_ =	strace $0x9FFFFFFF  }
0xc4: {  	(tm) =	ssettm $0x7FFFFFFF  }
0xc5: {  	_ =	shalt  }
tec
execute0_lowered:
.L_overlay_start_1:
0x0: {  	(tag) =	ssettag $0x1  }
0x1: {  	s8 =	rddreg [dreg:$0x0]  }
0x2: {  	s6 =	rddreg [dreg:$0x1];
	s1 =	srdreg.scid  }
0x3: {  	s2 =	rddreg [dreg:$0x2];
	s0 =	stileid.u32;
	s3 =	simm.s32 $0x0  }
0x4: {  	s11 =	simm.s32 $0x400;
	s12 =	simm.s32 $0x3;
	s13 =	simm.s32 $0x200  }
0x5: {  	v0 =	vlaneseq.u32;
	s14 =	simm.s32 $0x30D400;
	s15 =	simm.s32 $0x600;
	s16 =	simm.s32 $0x9A00  }
0x6: {  	s17 =	simm.s32 $0x1;
	vm0 =	vmmov $0xff;
	s18 =	simm.s32 $0x2;
	s19 =	simm.s32 $0x0;
	v1 =	vmul.u32 $0x80, v0;
	v21 =	vshrl.u32 v0, $0x3  }
0x7: {  	s4 =	sand.u32 $0x1, s1;
	s5 =	sshll.u32 s0, $0x8;
	s9 =	sshll.u32 s0, $0xA;
	v20 =	vand.u32 $0x7, v0;
	v22 =	vor.u32 $0x8, v0;
	v21 =	vmul.u32 $0x8, v21  }
0x8: {  	[smem:$0x7FF] =	sst s3;
	s7 =	sshll.u32 s4, $0x7;
	s28 =	ssub.s32 $0x2, s4;
	v2 =	vor.u32 $0x800, v1;
	v3 =	vor.u32 $0x1000, v1;
	v4 =	vor.u32 $0x1800, v1  }
.Ltmp0:
0x9: {  	_ =	strace $0x80000047;
	s7 =	sor.u32 s7, s5;
	v5 =	vor.u32 $0x2000, v1;
	v6 =	vor.u32 $0x2800, v1;
	v7 =	vor.u32 $0x3000, v1;
	(pc) =	sbr.rel .LBB2_1-.Ltmp0, $4  }
0xa: {  	s4 =	sadd.s32 $0x800, s8;
	s30 =	sshrl.u32 s28, $0x1;
	v8 =	vor.u32 $0x3800, v1;
	v9 =	vor.u32 $0x4000, v1;
	v10 =	vor.u32 $0x4800, v1;
	s29 =	sor.u32 s9, s7  }
0xb: {  	v11 =	vor.u32 $0x5000, v1;
	v12 =	vor.u32 $0x5800, v1;
	v13 =	vor.u32 $0x6000, v1;
	s9 =	ssub.s32 s28, s30;
	s6 =	sadd.s32 s6, s7;
	s10 =	sand.u32 $0x3380, s29  }
0xc: {  	v14 =	vor.u32 $0x6800, v1;
	v15 =	vor.u32 $0x7000, v1;
	v16 =	vor.u32 $0x7800, v1;
	s7 =	sadd.s32 $0x880, s8;
	s9 =	smax.u32 s9, $0x1;
	s31 =	sshrl.u32 s10, $0x3  }
0xd: {  	v17 =	vor.u32 $0x8000, v1;
	v18 =	vor.u32 $0x8800, v1;
	v19 =	vor.u32 $0x9000, v1;
	s10 =	simm.s32 $0x80;
	s5 =	sadd.s32 s8, s31;
	s8 =	sadd.s32 $0x900, s8  }
.LBB2_4:
0xe: {  	_ =	swait.ge [sflag:s18], $0x2000  }
0xf: {  	[sflag:s18] =	ssyncset.done $0x0  }
0x10: {  	[sflag:s18] =	ssyncadd.s32 $0xFFFFE000  }
0x11: {  	_ =	swait.ge [sflag:s18], $0x2000  }
0x12: {  	[sflag:s18] =	ssyncset.done $0x0  }
0x13: {  	[sflag:s18] =	ssyncadd.s32 $0xFFFFE000  }
0x14: {  	_ =	swait.ge [sflag:s18], $0x2000  }
0x15: {  	[sflag:s18] =	ssyncset.done $0x0  }
0x16: {  	[sflag:s18] =	ssyncadd.s32 $0xFFFFE000  }
0x17: {  	_ =	swait.ge [sflag:s18], $0x2000  }
0x18: {  	[sflag:s18] =	ssyncset.done $0x0  }
0x19: {  	s19 =	sadd.s32 $0x1, s19;
	[sflag:s18] =	ssyncadd.s32 $0xFFFFE000  }
0x1a: {  	p0 =	sne.s32 s19, s9;
	_ =	swait.ge [sflag:s18], $0x2000  }
.Ltmp1:
0x1b: {  	[sflag:s18] =	ssyncset.done $0x0;
	(pc) =	sbr.rel @!p0 .LBB2_5-.Ltmp1, $4  }
0x1c: {  	[sflag:s18] =	ssyncadd.s32 $0xFFFFE000  }
0x1d: {  	_ =	swait.ge [sflag:s18], $0x2000  }
0x1e: {  	[sflag:s18] =	ssyncset.done $0x0  }
0x1f: {  	[sflag:s18] =	ssyncadd.s32 $0xFFFFE000  }
.LBB2_1:
0x20: {  	[tilespmem:s3], [sflag:$0x3] =	stream.strided.gather [hbm4b:s5+s10], $0x200, s11, s10, $0x38;
	[tilespmem:$0x1F600] =	vst v63  }
0x21: {  	_ =	swait.ge [sflag:s12], $0x200  }
0x22: {  	[sflag:s12] =	ssyncset.done $0x0  }
0x23: {  	[sflag:s12] =	ssyncadd.s32 $0xFFFFFE00  }
0x24: {  	[tilespmem:s13], [sflag:$0x3] =	stream.linear.gather [hbm4b:s6+s3], $0x400, $0x38;
	[tilespmem:$0x1F600] =	vst v63  }
0x25: {  	_ =	swait.ge [sflag:s12], $0x400  }
0x26: {  	s20 =	sand.u32 $0x7C0, s3;
	[sflag:s12] =	ssyncset.done $0x0  }
0x27: {  	s20 =	sshrl.u32 s20, $0x2;
	[sflag:s12] =	ssyncadd.s32 $0xFFFFFC00  }
0x28: {  	v23 =	vld [tilespmem:s20+$0x0];
	_ =	sdelay $0x2  }
0x29: {  	s23 =	sand.u32 $0xF, s3  }
0x2a: {  	v24 =	vmov s23  }
0x2b: {  	vm1 =	veq.s32 v24, v0;
	v23 =	vxor.u32 $0x80000000, v23  }
0x2c: {  	v23 =	vnsel vm1, $0x0, v23  }
0x2d: {  	(xrf0) =	vmax.scan.msk.u32 $0xffff, v23;
	_ =	sdelay $0x4  }
0x2e: {  	s24 =	simm.s32 $0x4  }
0x2f: {  	s20 =	sand.u32 $0x7C0, s24;
	v23, _, _ =	vpop (xrf0)  }
0x30: {  	s20 =	sshrl.u32 s20, $0x2;
	(v2sf) =	vpush v23, $0xF  }
0x31: {  	s21 =	simm.s32 $0x8;
	v23 =	vld [tilespmem:s20+$0x0]  }
0x32: {  	s21 =	sand.u32 $0x7C0, s21  }
0x33: {  	s25 =	sshrl.u32 s21, $0x2;
	s21 =	simm.s32 $0x1  }
0x34: {  	s22 =	sand.u32 $0xF, s21  }
0x35: {  	v25 =	vmov s22  }
0x36: {  	vm1 =	veq.s32 v25, v0;
	v23 =	vxor.u32 $0x80000000, v23  }
0x37: {  	v23 =	vnsel vm1, $0x0, v23  }
0x38: {  	v24 =	vld [tilespmem:s25+$0x0];
	(xrf0) =	vmax.scan.msk.u32 $0xffff, v23  }
0x39: {  	s20 =	simm.s32 $0x2  }
0x3a: {  	s26 =	sand.u32 $0xF, s20  }
0x3b: {  	v25 =	vmov s26;
	_ =	sdelay $0x1  }
0x3c: {  	s29 =	simm.s32 $0xC;
	v24 =	vxor.u32 $0x80000000, v24;
	vm1 =	veq.s32 v25, v0  }
0x3d: {  	s22 =	sand.u32 $0x7C0, s29;
	v23 =	vnsel vm1, $0x0, v24;
	v25, _, _ =	vpop (xrf0)  }
0x3e: {  	s22 =	sshrl.u32 s22, $0x2;
	(xrf0) =	vmax.scan.msk.u32 $0xffff, v23;
	s24 =	spop (v2sf);
	(v2sf) =	vpush v25, $0xF  }
0x3f: {  	v23 =	vld [tilespmem:s22+$0x0];
	s22 =	simm.s32 $0x3  }
0x40: {  	s23 =	sand.u32 $0xF, s22  }
0x41: {  	v24 =	vmov s23;
	_ =	sdelay $0x2  }
0x42: {  	vm1 =	veq.s32 v24, v0;
	v24, _, _ =	vpop (xrf0)  }
0x43: {  	s30 =	simm.s32 $0x10;
	v23 =	vxor.u32 $0x80000000, v23;
	(v2sf) =	vpush v24, $0xF  }
0x44: {  	s25 =	sand.u32 $0x7C0, s30;
	v23 =	vnsel vm1, $0x0, v23  }
0x45: {  	s26 =	sshrl.u32 s25, $0x2;
	(xrf0) =	vmax.scan.msk.u32 $0xffff, v23;
	s24 =	sshra.s32 s24, $0x7  }
0x46: {  	v23 =	vld [tilespmem:s26+$0x0];
	s24 =	sxor.u32 $0xFF000000, s24  }
0x47: {  	s23 =	simm.s32 $0x4;
	p0 =	seq.s32 s24, $0xFFFFFFFF  }
0x48: {  	s28 =	simm.s32 $0x0;
	s31 =	sand.u32 $0xF, s23;
	[smem:s3] =	sst @!p0 s3  }
0x49: {  	s25 =	simm.s32 $0x5;
	s26 =	simm.s32 $0x14;
	v24 =	vmov s31;
	[smem:$0x280] =	sst @!p0 s24  }
.LBB2_2:
0x4a: {  	s29 =	smov.u32 s28  }
0x4b: {  	s28 =	sand.u32 $0x7C0, s26;
	vm1 =	veq.s32 v24, v0;
	v23 =	vxor.u32 $0x80000000, v23;
	s31 =	smov.u32 s25;
	v24, _, _ =	vpop (xrf0);
	s30 =	spop (v2sf)  }
0x4c: {  	s25 =	sadd.s32 $0x1, s25;
	s1 =	sshrl.u32 s28, $0x2;
	v23 =	vnsel vm1, $0x0, v23;
	(v2sf) =	vpush v24, $0xF;
	s28 =	sshra.s32 s30, $0x7  }
0x4d: {  	p1 =	sne.s32 s25, $0x200;
	(xrf0) =	vmax.scan.msk.u32 $0xffff, v23;
	s30 =	sxor.u32 $0xFF000000, s28;
	s28 =	sadd.s32 @!p0 $0x1, s29  }
.Ltmp2:
0x4e: {  	v23 =	vld [tilespmem:s1+$0x0];
	s28 =	smov.u32 @p0 s29;
	p0 =	seq.s32 s30, s24;
	(pc) =	sbr.rel @p1 .LBB2_2-.Ltmp2, $4  }
0x4f: {  	[smem:s28] =	sst @!p0 s21;
	s21 =	smov.u32 s20;
	s20 =	smov.u32 s22  }
0x50: {  	s22 =	smov.u32 s23;
	s23 =	smov.u32 s31;
	[smem:s28+$0x280] =	sst @!p0 s30  }
0x51: {  	s24 =	smov.u32 s30;
	s1 =	sand.u32 $0xF, s23  }
0x52: {  	s26 =	sadd.s32 $0x4, s26;
	v24 =	vmov s1  }
0x53: {  	vm1 =	veq.s32 v24, v0;
	v23 =	vxor.u32 $0x80000000, v23  }
0x54: {  	v23 =	vnsel vm1, $0x0, v23  }
0x55: {  	(xrf0) =	vmax.scan.msk.u32 $0xffff, v23;
	_ =	sdelay $0x3  }
0x56: {  	v23, _, _ =	vpop (xrf0)  }
0x57: {  	(v2sf) =	vpush v23, $0xF  }
0x58: {  	v23, _, _ =	vpop (xrf0)  }
0x59: {  	(v2sf) =	vpush v23, $0xF;
	_ =	sdelay $0x6  }
0x5a: {  	s1 =	spop (v2sf)  }
0x5b: {  	s1 =	sshra.s32 s1, $0x7  }
0x5c: {  	s26 =	sadd.s32 @!p0 $0x1, s28;
	s1 =	sxor.u32 $0xFF000000, s1  }
0x5d: {  	s26 =	smov.u32 @p0 s28;
	p1 =	seq.s32 s1, s24;
	s25 =	spop (v2sf)  }
0x5e: {  	[smem:s26] =	sst @!p1 s21;
	s25 =	sshra.s32 s25, $0x7  }
0x5f: {  	s24 =	sadd.s32 @!p1 $0x1, s26;
	[smem:s26+$0x280] =	sst @!p1 s1;
	s21 =	sxor.u32 $0xFF000000, s25  }
0x60: {  	s24 =	smov.u32 @p1 s26;
	p0 =	seq.s32 s21, s1;
	s28 =	spop (v2sf)  }
0x61: {  	[smem:s24] =	sst @!p0 s20;
	s20 =	sadd.s32 @!p0 $0x1, s24;
	s1 =	sshra.s32 s28, $0x7  }
0x62: {  	[smem:s24+$0x280] =	sst @!p0 s21;
	s1 =	sxor.u32 $0xFF000000, s1;
	s29 =	spop (v2sf)  }
0x63: {  	s20 =	smov.u32 @p0 s24;
	p1 =	seq.s32 s1, s21;
	s30 =	sshra.s32 s29, $0x7  }
0x64: {  	[smem:s20] =	sst @!p1 s22;
	s22 =	sadd.s32 @!p1 $0x1, s20;
	s21 =	sxor.u32 $0xFF000000, s30  }
0x65: {  	[smem:s20+$0x280] =	sst @!p1 s1;
	s22 =	smov.u32 @p1 s20;
	p0 =	seq.s32 s21, s1  }
0x66: {  	[smem:s22] =	sst @!p0 s23  }
0x67: {  	[smem:s22+$0x280] =	sst @!p0 s21  }
0x68: {  	s31 =	sld [smem:$0x280]  }
0x69: {  	s20 =	sadd.s32 @!p0 $0x1, s22  }
0x6a: {  	s20 =	smov.u32 @p0 s22  }
0x6b: {  	p0 =	sgt.s32 s20, $0x0;
	s1 =	sshll.u32 s31, $0x7  }
.Ltmp3:
0x6c: {  	s1 =	sand.u32 $0x1FFFFF80, s1;
	(pc) =	sbr.rel @p0 .LBB2_7-.Ltmp3, $4  }
.Ltmp4:
0x6d: {  	s1 =	sadd.s32 s2, s1;
	(pc) =	sbr.rel @!p0 .LBB2_4-.Ltmp4, $4  }
0x6e: {  	[tilespmem:s15], [sflag:$0x1] =	stream.strided.gather [hbm4b:s1+s11], $0x9400, s14, s11, $0x38;
	[tilespmem:$0x1F600] =	vst v63  }
0x6f: {  	s21 =	simm.s32 $0x0;
	s1 =	sadd.s32 $0xE1D480, s1  }
0x70: {  	[tilespmem:s16], [sflag:$0x1] =	stream.linear.gather [hbm4b:s1+s21], $0x200, $0x38;
	[tilespmem:$0x1F600] =	vst v63  }
0x71: {  	_ = 	snop  }
.LBB2_6:
0x72: {  	p0 =	seq.s32 s21, s20  }
.Ltmp5:
0x73: {  	_ = 	snop;
	(pc) =	sbr.rel @p0 .LBB2_4-.Ltmp5, $1  }
0x74: {  	_ =	sdelay $0x3  }
.LBB2_7:
0x75: {  	s24 =	sand.u32 $0x1, s21;
	s22 =	sld [smem:s21+$0x0];
	s21 =	sadd.s32 $0x1, s21  }
0x76: {  	p1 =	slt.s32 s21, $0x1FF;
	s1 =	smov.u32 s21;
	p0 =	sge.s32 s21, s20  }
0x77: {  	s1 =	simm.s32 @!p1 $0x1FF;
	s23 =	sxor.u32 @!p0 $0x1, s24  }
0x78: {  	s25 =	sld @!p0 [smem:s1+$0x280];
	s23 =	smul.u32 @!p0 $0x26000, s23  }
0x79: {  	_ = 	snop  }
0x7a: {  	s26 =	sshrl.u32 @!p0 s23, $0x2;
	s23 =	sld [smem:s1+$0x0]  }
0x7b: {  	s28 =	simm.s32 @!p0 $0x400;
	s25 =	sshll.u32 @!p0 s25, $0x7  }
0x7c: {  	p1 =	slt.s32 s21, s20;
	s29 =	simm.s32 @!p0 $0x30D400;
	s25 =	sand.u32 @!p0 $0x1FFFFF80, s25  }
0x7d: {  	s1 =	sor.u32 @!p0 $0x600, s26;
	s25 =	sadd.s32 @!p0 s2, s25;
	s23 =	simm.s32 @!p1 $0x200  }
0x7e: {  	[tilespmem:s1], [sflag:$0x1] =	stream.strided.gather @!p0 [hbm4b:s25+s28], $0x9400, s29, s28, $0x38;
	[tilespmem:$0x1F600] =	vst v63  }
0x7f: {  	s1 =	sadd.s32 @!p0 $0xE1D480, s25;
	s25 =	sadd.s32 @!p0 $0x9A00, s26;
	s26 =	simm.s32 @!p0 $0x0  }
0x80: {  	[tilespmem:s25], [sflag:$0x1] =	stream.linear.gather @!p0 [hbm4b:s1+s26], $0x200, $0x38;
	[tilespmem:$0x1F600] =	vst v63  }
0x81: {  	p0 =	sge.s32 s22, s23  }
.Ltmp6:
0x82: {  	_ = 	snop;
	(pc) =	sbr.rel @p0 .LBB2_6-.Ltmp6, $4  }
0x83: {  	_ = 	snop  }
0x84: {  	_ =	swait.ge [sflag:s17], $0x9600  }
0x85: {  	[sflag:s17] =	ssyncset.done $0x0  }
0x86: {  	[sflag:s17] =	ssyncadd.s32 $0xFFFF6A00  }
.Ltmp7:
0x87: {  	(pc) =	sbr.rel .LBB2_9-.Ltmp7, $3  }
0x88: {  	s1 =	smul.u32 $0x26000, s24;
	_ =	sdelay $0x1  }
0x89: {  	s1 =	sshrl.u32 s1, $0x2  }
0x8a: {  	s25 =	sshll.u32 s22, $0x7;
	s24 =	sor.u32 $0x600, s1  }
.LBB2_11:
0x8b: {  	s22 =	sadd.s32 $0x1, s22  }
0x8c: {  	p0 =	seq.s32 s23, s22  }
.Ltmp8:
0x8d: {  	_ = 	snop;
	(pc) =	sbr.rel @p0 .LBB2_6-.Ltmp8, $2  }
0x8e: {  	_ =	sdelay $0x2  }
0x8f: {  	s25 =	sadd.s32 $0x80, s25  }
.LBB2_9:
0x90: {  	s1 =	sshra.s32 s22, $0x1F  }
0x91: {  	s26 =	sshrl.u32 s1, $0x1C  }
0x92: {  	s26 =	sadd.s32 s26, s22  }
0x93: {  	s28 =	sand.u32 $0xFFFFFFF0, s26  }
0x94: {  	p0 =	slt.s32 s22, $0x1;
	p1 =	sne.s32 s22, s28  }
0x95: {  	p0 =	por !p0, !p1  }
0x96: {  	s28 =	simm.s32 $0x1;
	p0 =	por !p0, !p0  }
0x97: {  	s26 =	sshrl.u32 s26, $0x4;
	s28 =	simm.s32 @!p0 $0x0  }
0x98: {  	s26 =	ssub.s32 s26, s28  }
0x99: {  	s1 =	sshrl.u32 s1, $0x1A;
	s26 =	sshll.u32 s26, $0x6  }
0x9a: {  	s1 =	sadd.s32 s1, s22;
	s26 =	sshra.s32 s26, $0x2  }
0x9b: {  	p0 =	slt.s32 s22, $0x80;
	v23 =	vld [tilespmem:s26+$0x0];
	s26 =	sand.u32 $0xFFFFFFC0, s1  }
0x9c: {  	p1 =	sne.s32 @!p0 s22, s26  }
0x9d: {  	p0 =	por p1, p0  }
0x9e: {  	s29 =	simm.s32 @!p0 $0x2  }
0x9f: {  	v24 =	vmov s22;
	_ =	swait.ge @!p0 [sflag:s29], $0x2000  }
0xa0: {  	v23 =	vperm.xlane v23, v24;
	[sflag:s29] =	ssyncset.done @!p0 $0x0  }
0xa1: {  	[sflag:s29] =	ssyncadd.s32 @!p0 $0xFFFFE000  }
0xa2: {  	v23 =	vand.u32 $0x7F, v23;
	_ =	swait.ge @!p0 [sflag:s29], $0x2000  }
0xa3: {  	s28 =	sshra.s32 s1, $0x6;
	s1 =	sshrl.u32 s1, $0x1F;
	[sflag:s29] =	ssyncset.done @!p0 $0x0;
	v47 =	vor.u32 v1, v23  }
0xa4: {  	s1 =	sadd.s32 s1, s28;
	[sflag:s29] =	ssyncadd.s32 @!p0 $0xFFFFE000  }
0xa5: {  	s1 =	sand.u32 $0xFFFFFFFE, s1;
	_ =	swait.ge @!p0 [sflag:s29], $0x2000  }
0xa6: {  	s30 =	ssub.s32 s22, s26;
	s1 =	ssub.s32 s28, s1;
	[sflag:s29] =	ssyncset.done @!p0 $0x0  }
0xa7: {  	s26 =	sshrl.u32 s30, $0x3;
	s1 =	smul.u32 $0x18000, s1;
	[sflag:s29] =	ssyncadd.s32 @!p0 $0xFFFFE000  }
0xa8: {  	s31 =	smul.u32 $0x3000, s26;
	v24 =	vld.idx.msk [tilespmem:v47+s24+$0x0], $0xffff  }
0xa9: {  	s26 =	sshra.s32 s1, $0x2;
	v25 =	vor.u32 v2, v23  }
0xaa: {  	s1 =	sshra.s32 s31, $0x2;
	s29 =	sadd.s32 $0x13600, s26  }
0xab: {  	s31 =	sand.u32 $0x380, s25;
	s1 =	sadd.s32 s1, s29  }
0xac: {  	s1 =	sadd.s32 s31, s1  }
0xad: {  	[tilespmem:s1+$0x0] =	vst v24  }
0xae: {  	v24 =	vld.idx.msk [tilespmem:v25+s24+$0x0], $0xffff  }
0xaf: {  	v48 =	vor.u32 v3, v23;
	_ =	sdelay $0x3  }
0xb0: {  	[tilespmem:s1+$0x10] =	vst v24  }
0xb1: {  	v24 =	vld.idx.msk [tilespmem:v48+s24+$0x0], $0xffff  }
0xb2: {  	v49 =	vor.u32 v4, v23;
	_ =	sdelay $0x3  }
0xb3: {  	[tilespmem:s1+$0x20] =	vst v24  }
0xb4: {  	v24 =	vld.idx.msk [tilespmem:v49+s24+$0x0], $0xffff  }
0xb5: {  	v50 =	vor.u32 v5, v23;
	_ =	sdelay $0x3  }
0xb6: {  	[tilespmem:s1+$0x30] =	vst v24  }
0xb7: {  	v24 =	vld.idx.msk [tilespmem:v50+s24+$0x0], $0xffff  }
0xb8: {  	v51 =	vor.u32 v6, v23;
	_ =	sdelay $0x3  }
0xb9: {  	[tilespmem:s1+$0x40] =	vst v24  }
0xba: {  	v24 =	vld.idx.msk [tilespmem:v51+s24+$0x0], $0xffff  }
0xbb: {  	v52 =	vor.u32 v7, v23;
	_ =	sdelay $0x3  }
0xbc: {  	[tilespmem:s1+$0x50] =	vst v24  }
0xbd: {  	v24 =	vld.idx.msk [tilespmem:v52+s24+$0x0], $0xffff  }
0xbe: {  	v53 =	vor.u32 v8, v23;
	_ =	sdelay $0x3  }
0xbf: {  	[tilespmem:s1+$0x60] =	vst v24  }
0xc0: {  	v24 =	vld.idx.msk [tilespmem:v53+s24+$0x0], $0xffff  }
0xc1: {  	v54 =	vor.u32 v9, v23;
	_ =	sdelay $0x3  }
0xc2: {  	[tilespmem:s1+$0x70] =	vst v24  }
0xc3: {  	v24 =	vld.idx.msk [tilespmem:v54+s24+$0x0], $0xffff  }
0xc4: {  	v55 =	vor.u32 v10, v23;
	_ =	sdelay $0x3  }
0xc5: {  	[tilespmem:s1+$0x400] =	vst v24  }
0xc6: {  	v24 =	vld.idx.msk [tilespmem:v55+s24+$0x0], $0xffff  }
0xc7: {  	v56 =	vor.u32 v11, v23;
	_ =	sdelay $0x3  }
0xc8: {  	[tilespmem:s1+$0x410] =	vst v24  }
0xc9: {  	v24 =	vld.idx.msk [tilespmem:v56+s24+$0x0], $0xffff  }
0xca: {  	v57 =	vor.u32 v12, v23;
	_ =	sdelay $0x3  }
0xcb: {  	[tilespmem:s1+$0x420] =	vst v24  }
0xcc: {  	v24 =	vld.idx.msk [tilespmem:v57+s24+$0x0], $0xffff  }
0xcd: {  	v58 =	vor.u32 v13, v23;
	_ =	sdelay $0x3  }
0xce: {  	[tilespmem:s1+$0x430] =	vst v24  }
0xcf: {  	v24 =	vld.idx.msk [tilespmem:v58+s24+$0x0], $0xffff  }
0xd0: {  	v59 =	vor.u32 v14, v23;
	_ =	sdelay $0x3  }
0xd1: {  	[tilespmem:s1+$0x440] =	vst v24  }
0xd2: {  	v24 =	vld.idx.msk [tilespmem:v59+s24+$0x0], $0xffff  }
0xd3: {  	v60 =	vor.u32 v15, v23;
	_ =	sdelay $0x3  }
0xd4: {  	[tilespmem:s1+$0x450] =	vst v24  }
0xd5: {  	v24 =	vld.idx.msk [tilespmem:v60+s24+$0x0], $0xffff  }
0xd6: {  	v61 =	vor.u32 v16, v23;
	_ =	sdelay $0x3  }
0xd7: {  	[tilespmem:s1+$0x460] =	vst v24  }
0xd8: {  	v24 =	vld.idx.msk [tilespmem:v61+s24+$0x0], $0xffff  }
0xd9: {  	v62 =	vor.u32 v17, v23;
	_ =	sdelay $0x3  }
0xda: {  	[tilespmem:s1+$0x470] =	vst v24  }
0xdb: {  	v24 =	vld.idx.msk [tilespmem:v62+s24+$0x0], $0xffff  }
0xdc: {  	v63 =	vor.u32 v18, v23;
	_ =	sdelay $0x3  }
0xdd: {  	[tilespmem:s1+$0x800] =	vst v24  }
0xde: {  	v24 =	vld.idx.msk [tilespmem:v63+s24+$0x0], $0xffff  }
0xdf: {  	v23 =	vor.u32 v19, v23;
	_ =	sdelay $0x3  }
0xe0: {  	s30 =	sadd.s32 $0xFFFFFFC1, s30;
	[tilespmem:s1+$0x810] =	vst v24  }
0xe1: {  	p0 =	sne.s32 s30, $0x0;
	v23 =	vld.idx.msk [tilespmem:v23+s24+$0x0], $0xffff  }
.Ltmp9:
0xe2: {  	_ = 	snop;
	(pc) =	sbr.rel @p0 .LBB2_11-.Ltmp9, $2  }
0xe3: {  	_ =	sdelay $0x2  }
0xe4: {  	[tilespmem:s1+$0x820] =	vst v23  }
0xe5: {  	s1 =	sshll.u32 s28, $0x9  }
0xe6: {  	s28 =	sshra.s32 s1, $0x2  }
0xe7: {  	v23 =	vld [tilespmem:s28+$0x200];
	_ =	sdelay $0x4  }
0xe8: {  	v24 =	vshrl.u32 v23, $0x3  }
0xe9: {  	v24 =	vmul.u32 $0x18, v24  }
0xea: {  	v23 =	vand.u32 $0x7, v23  }
0xeb: {  	v23 =	vor.u32 v23, v24  }
0xec: {  	v24 =	vperm.xlane v23, v20;
	_ =	sdelay $0x1  }
0xed: {  	v23 =	vperm.xlane v23, v22;
	v24 =	vadd.s32 v21, v24;
	_ =	sdelay $0x1  }
0xee: {  	v23 =	vadd.s32 v21, v23;
	_ =	sdelay $0x2  }
0xef: {  	[hbm4b:s4+s3] =	stream.indirect_vreg.scatter [tilespmem:s29], [sflag:$0x2], $0x80, v24, vm0, $0xb8;
	[tilespmem:$0x1F600] =	vst v63  }
0xf0: {  	s30 =	sadd.s32 $0x14200, s26  }
0xf1: {  	[hbm4b:s4+s3] =	stream.indirect_vreg.scatter [tilespmem:s30], [sflag:$0x2], $0x80, v23, vm0, $0xb8;
	[tilespmem:$0x1F600] =	vst v63  }
0xf2: {  	v23 =	vld [tilespmem:s28+$0x210];
	_ =	sdelay $0x4  }
0xf3: {  	v53 =	vshrl.u32 v23, $0x3  }
0xf4: {  	v24 =	vmul.u32 $0x18, v53  }
0xf5: {  	v23 =	vand.u32 $0x7, v23  }
0xf6: {  	v23 =	vor.u32 v23, v24  }
0xf7: {  	v24 =	vperm.xlane v23, v20;
	_ =	sdelay $0x1  }
0xf8: {  	v23 =	vperm.xlane v23, v22;
	v24 =	vadd.s32 v21, v24;
	_ =	sdelay $0x1  }
0xf9: {  	v23 =	vadd.s32 v21, v23;
	_ =	sdelay $0x1  }
0xfa: {  	s31 =	sadd.s32 $0x14E00, s26  }
0xfb: {  	[hbm4b:s4+s3] =	stream.indirect_vreg.scatter [tilespmem:s31], [sflag:$0x2], $0x80, v24, vm0, $0xb8;
	[tilespmem:$0x1F600] =	vst v63  }
0xfc: {  	s29 =	sadd.s32 $0x15A00, s26  }
0xfd: {  	[hbm4b:s4+s3] =	stream.indirect_vreg.scatter [tilespmem:s29], [sflag:$0x2], $0x80, v23, vm0, $0xb8;
	[tilespmem:$0x1F600] =	vst v63  }
0xfe: {  	v23 =	vld [tilespmem:s28+$0x220];
	_ =	sdelay $0x4  }
0xff: {  	v54 =	vshrl.u32 v23, $0x3  }
0x100: {  	v24 =	vmul.u32 $0x18, v54  }
0x101: {  	v23 =	vand.u32 $0x7, v23  }
0x102: {  	v23 =	vor.u32 v23, v24  }
0x103: {  	v24 =	vperm.xlane v23, v20;
	_ =	sdelay $0x1  }
0x104: {  	v23 =	vperm.xlane v23, v22;
	v24 =	vadd.s32 v21, v24;
	_ =	sdelay $0x1  }
0x105: {  	v23 =	vadd.s32 v21, v23;
	_ =	sdelay $0x1  }
0x106: {  	s30 =	sadd.s32 $0x16600, s26  }
0x107: {  	[hbm4b:s4+s3] =	stream.indirect_vreg.scatter [tilespmem:s30], [sflag:$0x2], $0x80, v24, vm0, $0xb8;
	[tilespmem:$0x1F600] =	vst v63  }
0x108: {  	s31 =	sadd.s32 $0x17200, s26  }
0x109: {  	[hbm4b:s4+s3] =	stream.indirect_vreg.scatter [tilespmem:s31], [sflag:$0x2], $0x80, v23, vm0, $0xb8;
	[tilespmem:$0x1F600] =	vst v63  }
0x10a: {  	v23 =	vld [tilespmem:s28+$0x230];
	_ =	sdelay $0x4  }
0x10b: {  	v55 =	vshrl.u32 v23, $0x3  }
0x10c: {  	v24 =	vmul.u32 $0x18, v55  }
0x10d: {  	v23 =	vand.u32 $0x7, v23  }
0x10e: {  	v23 =	vor.u32 v23, v24  }
0x10f: {  	v24 =	vperm.xlane v23, v20;
	_ =	sdelay $0x1  }
0x110: {  	v23 =	vperm.xlane v23, v22;
	v24 =	vadd.s32 v21, v24;
	_ =	sdelay $0x1  }
0x111: {  	v23 =	vadd.s32 v21, v23;
	_ =	sdelay $0x1  }
0x112: {  	s29 =	sadd.s32 $0x17E00, s26  }
0x113: {  	[hbm4b:s4+s3] =	stream.indirect_vreg.scatter [tilespmem:s29], [sflag:$0x2], $0x80, v24, vm0, $0xb8;
	[tilespmem:$0x1F600] =	vst v63  }
0x114: {  	s30 =	sadd.s32 $0x18A00, s26  }
0x115: {  	[hbm4b:s4+s3] =	stream.indirect_vreg.scatter [tilespmem:s30], [sflag:$0x2], $0x80, v23, vm0, $0xb8;
	[tilespmem:$0x1F600] =	vst v63  }
0x116: {  	v23 =	vld [tilespmem:s28+$0x200];
	_ =	sdelay $0x4  }
0x117: {  	v56 =	vshrl.u32 v23, $0x3  }
0x118: {  	v24 =	vmul.u32 $0x18, v56  }
0x119: {  	v23 =	vand.u32 $0x7, v23  }
0x11a: {  	v23 =	vor.u32 v23, v24  }
0x11b: {  	v24 =	vperm.xlane v23, v20;
	_ =	sdelay $0x1  }
0x11c: {  	v23 =	vperm.xlane v23, v22;
	v24 =	vadd.s32 v21, v24;
	_ =	sdelay $0x1  }
0x11d: {  	v23 =	vadd.s32 v21, v23;
	_ =	sdelay $0x1  }
0x11e: {  	s31 =	sadd.s32 $0x13A00, s26  }
0x11f: {  	[hbm4b:s7+s3] =	stream.indirect_vreg.scatter [tilespmem:s31], [sflag:$0x2], $0x80, v24, vm0, $0xb8;
	[tilespmem:$0x1F600] =	vst v63  }
0x120: {  	s29 =	sadd.s32 $0x14600, s26  }
0x121: {  	[hbm4b:s7+s3] =	stream.indirect_vreg.scatter [tilespmem:s29], [sflag:$0x2], $0x80, v23, vm0, $0xb8;
	[tilespmem:$0x1F600] =	vst v63  }
0x122: {  	v23 =	vld [tilespmem:s28+$0x210];
	_ =	sdelay $0x4  }
0x123: {  	v57 =	vshrl.u32 v23, $0x3  }
0x124: {  	v24 =	vmul.u32 $0x18, v57  }
0x125: {  	v23 =	vand.u32 $0x7, v23  }
0x126: {  	v23 =	vor.u32 v23, v24  }
0x127: {  	v24 =	vperm.xlane v23, v20;
	_ =	sdelay $0x1  }
0x128: {  	v23 =	vperm.xlane v23, v22;
	v24 =	vadd.s32 v21, v24;
	_ =	sdelay $0x1  }
0x129: {  	v23 =	vadd.s32 v21, v23;
	_ =	sdelay $0x1  }
0x12a: {  	s30 =	sadd.s32 $0x15200, s26  }
0x12b: {  	[hbm4b:s7+s3] =	stream.indirect_vreg.scatter [tilespmem:s30], [sflag:$0x2], $0x80, v24, vm0, $0xb8;
	[tilespmem:$0x1F600] =	vst v63  }
0x12c: {  	s31 =	sadd.s32 $0x15E00, s26  }
0x12d: {  	[hbm4b:s7+s3] =	stream.indirect_vreg.scatter [tilespmem:s31], [sflag:$0x2], $0x80, v23, vm0, $0xb8;
	[tilespmem:$0x1F600] =	vst v63  }
0x12e: {  	v23 =	vld [tilespmem:s28+$0x220];
	_ =	sdelay $0x4  }
0x12f: {  	v58 =	vshrl.u32 v23, $0x3  }
0x130: {  	v24 =	vmul.u32 $0x18, v58  }
0x131: {  	v23 =	vand.u32 $0x7, v23  }
0x132: {  	v23 =	vor.u32 v23, v24  }
0x133: {  	v24 =	vperm.xlane v23, v20;
	_ =	sdelay $0x1  }
0x134: {  	v23 =	vperm.xlane v23, v22;
	v24 =	vadd.s32 v21, v24;
	_ =	sdelay $0x1  }
0x135: {  	v23 =	vadd.s32 v21, v23;
	_ =	sdelay $0x1  }
0x136: {  	s29 =	sadd.s32 $0x16A00, s26  }
0x137: {  	[hbm4b:s7+s3] =	stream.indirect_vreg.scatter [tilespmem:s29], [sflag:$0x2], $0x80, v24, vm0, $0xb8;
	[tilespmem:$0x1F600] =	vst v63  }
0x138: {  	s30 =	sadd.s32 $0x17600, s26  }
0x139: {  	[hbm4b:s7+s3] =	stream.indirect_vreg.scatter [tilespmem:s30], [sflag:$0x2], $0x80, v23, vm0, $0xb8;
	[tilespmem:$0x1F600] =	vst v63  }
0x13a: {  	v23 =	vld [tilespmem:s28+$0x230];
	_ =	sdelay $0x4  }
0x13b: {  	v59 =	vshrl.u32 v23, $0x3  }
0x13c: {  	v24 =	vmul.u32 $0x18, v59  }
0x13d: {  	v23 =	vand.u32 $0x7, v23  }
0x13e: {  	v23 =	vor.u32 v23, v24  }
0x13f: {  	v24 =	vperm.xlane v23, v20;
	_ =	sdelay $0x1  }
0x140: {  	v23 =	vperm.xlane v23, v22;
	v24 =	vadd.s32 v21, v24;
	_ =	sdelay $0x1  }
0x141: {  	v23 =	vadd.s32 v21, v23;
	_ =	sdelay $0x1  }
0x142: {  	s31 =	sadd.s32 $0x18200, s26  }
0x143: {  	[hbm4b:s7+s3] =	stream.indirect_vreg.scatter [tilespmem:s31], [sflag:$0x2], $0x80, v24, vm0, $0xb8;
	[tilespmem:$0x1F600] =	vst v63  }
0x144: {  	s29 =	sadd.s32 $0x18E00, s26  }
0x145: {  	[hbm4b:s7+s3] =	stream.indirect_vreg.scatter [tilespmem:s29], [sflag:$0x2], $0x80, v23, vm0, $0xb8;
	[tilespmem:$0x1F600] =	vst v63  }
0x146: {  	v23 =	vld [tilespmem:s28+$0x200];
	_ =	sdelay $0x4  }
0x147: {  	v60 =	vshrl.u32 v23, $0x3  }
0x148: {  	v24 =	vmul.u32 $0x18, v60  }
0x149: {  	v23 =	vand.u32 $0x7, v23  }
0x14a: {  	v23 =	vor.u32 v23, v24  }
0x14b: {  	v24 =	vperm.xlane v23, v20;
	_ =	sdelay $0x1  }
0x14c: {  	v23 =	vperm.xlane v23, v22;
	v24 =	vadd.s32 v21, v24;
	_ =	sdelay $0x1  }
0x14d: {  	v23 =	vadd.s32 v21, v23;
	_ =	sdelay $0x1  }
0x14e: {  	s30 =	sadd.s32 $0x13E00, s26  }
0x14f: {  	[hbm4b:s8+s3] =	stream.indirect_vreg.scatter [tilespmem:s30], [sflag:$0x2], $0x80, v24, vm0, $0xb8;
	[tilespmem:$0x1F600] =	vst v63  }
0x150: {  	s31 =	sadd.s32 $0x14A00, s26  }
0x151: {  	[hbm4b:s8+s3] =	stream.indirect_vreg.scatter [tilespmem:s31], [sflag:$0x2], $0x80, v23, vm0, $0xb8;
	[tilespmem:$0x1F600] =	vst v63  }
0x152: {  	v23 =	vld [tilespmem:s28+$0x210];
	_ =	sdelay $0x4  }
0x153: {  	v61 =	vshrl.u32 v23, $0x3  }
0x154: {  	v24 =	vmul.u32 $0x18, v61  }
0x155: {  	v23 =	vand.u32 $0x7, v23  }
0x156: {  	v23 =	vor.u32 v23, v24  }
0x157: {  	v24 =	vperm.xlane v23, v20;
	_ =	sdelay $0x1  }
0x158: {  	v23 =	vperm.xlane v23, v22;
	v24 =	vadd.s32 v21, v24;
	_ =	sdelay $0x1  }
0x159: {  	v23 =	vadd.s32 v21, v23;
	_ =	sdelay $0x1  }
0x15a: {  	s29 =	sadd.s32 $0x15600, s26  }
0x15b: {  	[hbm4b:s8+s3] =	stream.indirect_vreg.scatter [tilespmem:s29], [sflag:$0x2], $0x80, v24, vm0, $0xb8;
	[tilespmem:$0x1F600] =	vst v63  }
0x15c: {  	s30 =	sadd.s32 $0x16200, s26  }
0x15d: {  	[hbm4b:s8+s3] =	stream.indirect_vreg.scatter [tilespmem:s30], [sflag:$0x2], $0x80, v23, vm0, $0xb8;
	[tilespmem:$0x1F600] =	vst v63  }
0x15e: {  	v23 =	vld [tilespmem:s28+$0x220];
	_ =	sdelay $0x4  }
0x15f: {  	v62 =	vshrl.u32 v23, $0x3  }
0x160: {  	v24 =	vmul.u32 $0x18, v62  }
0x161: {  	v23 =	vand.u32 $0x7, v23  }
0x162: {  	v23 =	vor.u32 v23, v24  }
0x163: {  	v24 =	vperm.xlane v23, v20;
	_ =	sdelay $0x1  }
0x164: {  	v23 =	vperm.xlane v23, v22;
	v24 =	vadd.s32 v21, v24;
	_ =	sdelay $0x1  }
0x165: {  	v23 =	vadd.s32 v21, v23;
	_ =	sdelay $0x1  }
0x166: {  	s31 =	sadd.s32 $0x16E00, s26  }
0x167: {  	[hbm4b:s8+s3] =	stream.indirect_vreg.scatter [tilespmem:s31], [sflag:$0x2], $0x80, v24, vm0, $0xb8;
	[tilespmem:$0x1F600] =	vst v63  }
0x168: {  	s29 =	sadd.s32 $0x17A00, s26  }
0x169: {  	[hbm4b:s8+s3] =	stream.indirect_vreg.scatter [tilespmem:s29], [sflag:$0x2], $0x80, v23, vm0, $0xb8;
	[tilespmem:$0x1F600] =	vst v63  }
0x16a: {  	v23 =	vld [tilespmem:s28+$0x230];
	_ =	sdelay $0x4  }
0x16b: {  	v63 =	vshrl.u32 v23, $0x3  }
0x16c: {  	v24 =	vmul.u32 $0x18, v63  }
0x16d: {  	v23 =	vand.u32 $0x7, v23  }
0x16e: {  	v23 =	vor.u32 v23, v24  }
0x16f: {  	v24 =	vperm.xlane v23, v20;
	_ =	sdelay $0x1  }
0x170: {  	v23 =	vperm.xlane v23, v22;
	v24 =	vadd.s32 v21, v24;
	_ =	sdelay $0x1  }
0x171: {  	v23 =	vadd.s32 v21, v23  }
.Ltmp10:
0x172: {  	_ = 	snop;
	(pc) =	sbr.rel .LBB2_11-.Ltmp10, $4  }
0x173: {  	s30 =	sadd.s32 $0x18600, s26  }
0x174: {  	[hbm4b:s8+s3] =	stream.indirect_vreg.scatter [tilespmem:s30], [sflag:$0x2], $0x80, v24, vm0, $0xb8;
	[tilespmem:$0x1F600] =	vst v63  }
0x175: {  	s31 =	sadd.s32 $0x19200, s26  }
0x176: {  	[hbm4b:s8+s3] =	stream.indirect_vreg.scatter [tilespmem:s31], [sflag:$0x2], $0x80, v23, vm0, $0xb8;
	[tilespmem:$0x1F600] =	vst v63  }
.LBB2_5:
0x177: {  	_ =	sfence.sel $0x180000  }
0x178: {  	[bflag:$0x0] =	sbarrier.arrive $0xFFFF  }
0x179: {  	_ =	strace $0x90000047  }
0x17a: {  	[bflag:$0x2] =	sbarrier.arrive $0xFFFF  }
0x17b: {  	p0 =	sne.s32 s0, $0x0;
	s0 =	rddreg [dreg:$0x3]  }
0x17c: {  	s0 =	sadd.s32 @!p0 $0x100000, s0  }
0x17d: {  	[sflag:s0] =	ssyncadd.tile.s32 @!p0 $0x1;
	_ =	shalt  }
.Lfunc_end2:
_tile_overlayer_lowered:
.L_overlay_start_2:
0x17e: {  	(tag) =	ssettag $0x2  }
0x17f: {  	s0 =	rddreg [dreg:$0x0];
	s2 =	stileid.u32  }
0x180: {  	s1 =	rddreg [dreg:$0x1];
	p0 =	sne.s32 s2, $0x0  }
0x181: {  	s3 =	rddreg [dreg:$0x2];
	[bflag:$0x3] =	sbarrier.arrive $0xFFFF;
	s2 =	simm.s32 @!p0 $0x1C03  }
0x182: {  	[timem:s3], [sflag:s2] =	dma.local @!p0 [hbm:s0], s1  }
0x183: {  	s0 =	simm.s32 @!p0 $0x3  }
0x184: {  	_ =	swait.ge @!p0 [sflag:s0], s1  }
0x185: {  	s1 =	ssub.s32 @!p0 $0x0, s1;
	[sflag:s0] =	ssyncset.done @!p0 $0x0  }
0x186: {  	[sflag:s0] =	ssyncadd.s32 @!p0 s1  }
0x187: {  	[bflag:$0x3] =	sbarrier.arrive $0xFFFF  }
0x188: {  	_ =	shalt  }

</sc_bundles>
